<compile_context>
chip_gen: v7x
topology: tpu7x:2x2x1
jax: 0.10.2.dev20260603
libtpu: 0.0.44.dev20260713+nightly
codegen_flags: <defaults>
</compile_context>

<pallas_src>
import functools

import jax
import jax.numpy as jnp
from jax import lax
from jax.experimental import pallas as pl
from jax.experimental.pallas import tpu as pltpu
from jax.experimental.pallas import tpu_sc as plsc

_NC = 2
_NS = 16
_NW = _NC * _NS


def _sc_gather(table, idx, batch):
    nw, n_chunks, lane = idx.shape
    n_idx = nw * n_chunks * lane
    d = table.shape[1]
    half = batch // 2

    mesh = plsc.VectorSubcoreMesh(core_axis_name="c", subcore_axis_name="s")

    @functools.partial(
        pl.kernel,
        mesh=mesh,
        out_type=jax.ShapeDtypeStruct((n_idx // 2, 2 * d), jnp.float32),
        scratch_types=[
            pltpu.VMEM((n_chunks, lane), jnp.int32),
            pltpu.VMEM((2, lane, d), jnp.float32),
            pltpu.SemaphoreType.DMA,
            pltpu.SemaphoreType.DMA,
            pltpu.SemaphoreType.DMA,
            pltpu.SemaphoreType.DMA,
        ],
        compiler_params=pltpu.CompilerParams(use_tc_tiling_on_sc=False),
    )
    def gather_kernel(table_hbm, idx_hbm, out_hbm, idx_v, rows_v, gs0, gs1, os0, os1):
        wid = lax.axis_index("s") * _NC + lax.axis_index("c")
        per_w = n_chunks * lane
        base = wid * per_w
        pltpu.sync_copy(idx_hbm.at[wid], idx_v)
        gsems = (gs0, gs1)
        osems = (os0, os1)
        gathers = [None] * n_chunks
        outs = [None] * n_chunks
        gathers[0] = pltpu.async_copy(
            table_hbm.at[idx_v.at[0]], rows_v.at[0], gsems[0]
        )
        for j in range(n_chunks):
            b = j % 2
            nb = (j + 1) % 2
            if j + 1 < n_chunks:
                if outs[j - 1] is not None:
                    outs[j - 1].wait()
                gathers[j + 1] = pltpu.async_copy(
                    table_hbm.at[idx_v.at[j + 1]], rows_v.at[nb], gsems[nb]
                )
            gathers[j].wait()
            p0 = base + j * lane
            s0 = lax.rem(p0, batch)
            h = s0 // half
            r0 = pl.multiple_of(
                (p0 // batch) * half + lax.rem(s0, half), lane
            )
            outs[j] = pltpu.async_copy(
                rows_v.at[b],
                out_hbm.at[pl.ds(r0, lane), pl.ds(h * d, d)],
                osems[b],
            )
        outs[n_chunks - 2].wait()
        outs[n_chunks - 1].wait()

    return gather_kernel(table, idx)


def _make_mlp(win, emb, bm, dcol):
    def mlp_body(*refs):
        x_refs = refs[:win]
        w0_ref, b0_ref, w1_ref, b1_ref, o_lo_ref, o_hi_ref = refs[win:]
        h1 = b0_ref.shape[0]
        bias = jnp.broadcast_to(b0_ref[...], (h1, bm)).astype(jnp.float32)
        acc_lo = bias
        acc_hi = bias
        for w in range(win):
            xw = x_refs[w]
            w0w = w0_ref[w * emb:(w + 1) * emb, :]
            acc_lo = acc_lo + lax.dot_general(
                w0w, xw[:, :emb],
                (((0,), (1,)), ((), ())),
                preferred_element_type=jnp.float32,
            )
            acc_hi = acc_hi + lax.dot_general(
                w0w, xw[:, dcol:dcol + emb],
                (((0,), (1,)), ((), ())),
                preferred_element_type=jnp.float32,
            )
        for acc, o_ref in ((acc_lo, o_lo_ref), (acc_hi, o_hi_ref)):
            h = jnp.tanh(acc)
            logits = lax.dot_general(
                w1_ref[...], h,
                (((0,), (0,)), ((), ())),
                preferred_element_type=jnp.float32,
            ) + b1_ref[...]
            shifted = logits - jnp.max(logits, axis=0, keepdims=True)
            lse = jnp.log(jnp.sum(jnp.exp(shifted), axis=0, keepdims=True))
            o_ref[...] = shifted - lse

    return mlp_body


def _mlp(x, batch, win, emb, w0, b0, w1, b1, bm):
    h1 = w0.shape[1]
    t = w1.shape[1]
    half = batch // 2
    d = x.shape[1]
    nb = half // bm
    x_specs = [
        pl.BlockSpec(
            (bm, d),
            functools.partial(lambda w, i: (w * nb + i, 0), w),
        )
        for w in range(win)
    ]
    out_sds = jax.ShapeDtypeStruct((t, half), jnp.float32)
    out_spec = pl.BlockSpec((t, bm), lambda i: (0, i))
    return pl.pallas_call(
        _make_mlp(win, emb, bm, d // 2),
        grid=(nb,),
        in_specs=x_specs + [
            pl.BlockSpec((win * emb, h1), lambda i: (0, 0)),
            pl.BlockSpec((h1, 1), lambda i: (0, 0)),
            pl.BlockSpec((h1, t), lambda i: (0, 0)),
            pl.BlockSpec((t, 1), lambda i: (0, 0)),
        ],
        out_specs=[out_spec, out_spec],
        out_shape=[out_sds, out_sds],
    )(*([x] * win), w0, b0.reshape(h1, 1), w1, b1.reshape(t, 1))


def _transpose_pad_body(et_ref, o_ref):
    xt = et_ref[...]
    emb, bn = xt.shape
    eye = (
        lax.broadcasted_iota(jnp.int32, (emb, emb), 0)
        == lax.broadcasted_iota(jnp.int32, (emb, emb), 1)
    ).astype(jnp.float32)
    t = lax.dot_general(
        xt, eye, (((0,), (0,)), ((), ())), preferred_element_type=jnp.float32
    )
    o_ref[...] = jnp.concatenate(
        [t, jnp.zeros((bn, o_ref.shape[1] - emb), jnp.float32)], axis=1
    )


def _transpose_pad(et, vocab_p, bn, d):
    emb = et.shape[0]
    return pl.pallas_call(
        _transpose_pad_body,
        grid=(vocab_p // bn,),
        in_specs=[pl.BlockSpec((emb, bn), lambda i: (0, i))],
        out_specs=pl.BlockSpec((bn, d), lambda i: (i, 0)),
        out_shape=jax.ShapeDtypeStruct((vocab_p, d), jnp.float32),
    )(et)


def kernel(v, E, W0, b0, W1, b1):
    batch, win = v.shape
    vocab, emb = E.shape
    half = batch // 2
    bn = 6272
    vocab_p = (vocab + bn - 1) // bn * bn
    ep = jnp.pad(E, ((0, vocab_p - vocab), (0, 0)))
    e_pad = _transpose_pad(ep.T, vocab_p, bn, 128)
    e64 = e_pad.reshape(vocab_p * 2, 64)
    idx = (v.T * 2).reshape(_NW, batch * win // (_NW * 128), 128)
    x = _sc_gather(e64, idx, batch)
    lo, hi = _mlp(x, batch, win, emb, W0, b0, W1, b1, 2048)
    return jnp.concatenate([lo, hi], axis=1).T

# --- scband reference (transcript-rebuilt; emitter-appended) ---
"""Pipeline reference for scband-neural-net-51969104282129 (READ-ONLY COPY).

The authoritative reference and input builder live on the scoring server;
editing this copy changes nothing except your own understanding.
"""

import jax, jax.numpy as jnp
import numpy as np

VOCAB = 100000
EMB = 50
WIN = 5
H1 = 100
TAGS = 50
IN_SIZE = WIN * EMB
BATCH = 16384


def setup_inputs(seed: int = 0) -> dict:
    key = jax.random.key(seed)
    k1, k2, k3, k4, k5, k6 = jax.random.split(key, 6)
    v = jax.random.randint(k1, (BATCH, WIN), 0, VOCAB, dtype=jnp.int32)
    E = jax.random.normal(k2, (VOCAB, EMB), dtype=jnp.float32)
    W0 = jax.random.normal(k3, (IN_SIZE, H1), dtype=jnp.float32) * (1.0 / np.sqrt(IN_SIZE))
    b0 = jax.random.normal(k4, (H1,), dtype=jnp.float32) * 0.01
    W1 = jax.random.normal(k5, (H1, TAGS), dtype=jnp.float32) * (1.0 / np.sqrt(H1))
    b1 = jax.random.normal(k6, (TAGS,), dtype=jnp.float32) * 0.01
    return {"v": v, "E": E, "W0": W0, "b0": b0, "W1": W1, "b1": b1}


def reference(v, E, W0, b0, W1, b1):
    # embedding lookup: gather rows from E, then flatten window
    emb = jnp.take(E, v, axis=0)           # [B, WIN, EMB]
    x = emb.reshape(-1, IN_SIZE)           # [B, WIN*EMB]
    h = jnp.tanh(x @ W0 + b0)              # [B, H1]
    logits = h @ W1 + b1                   # [B, TAGS]
    return jax.nn.log_softmax(logits, axis=1)

if __name__ == "__main__":
    import jax
    _d = setup_inputs()
    print(jax.jit(kernel)(*tuple(_d.values())))

</pallas_src>

<mosaic_0001>
#map = affine_map<(d0, d1) -> (0, 0)>
#map1 = affine_map<(d0, d1) -> (0, 0, 0)>
module attributes {stable_mosaic.version = 14 : i64} {
  func.func @gather_kernel(%arg0: i32, %arg1: i32, %arg2: memref<200704x64xf32, #tpu.memory_space<hbm>>, %arg3: memref<32x20x128xi32, #tpu.memory_space<hbm>>, %arg4: memref<40960x128xf32, #tpu.memory_space<hbm>>, %arg5: memref<20x128xi32, #tpu.memory_space<vmem>>, %arg6: memref<2x128x64xf32, #tpu.memory_space<vmem>>, %arg7: memref<!tpu.dma_semaphore, #tpu.memory_space<semaphore_mem>>, %arg8: memref<!tpu.dma_semaphore, #tpu.memory_space<semaphore_mem>>, %arg9: memref<!tpu.dma_semaphore, #tpu.memory_space<semaphore_mem>>, %arg10: memref<!tpu.dma_semaphore, #tpu.memory_space<semaphore_mem>>) attributes {dimension_semantics = [#tpu.dimension_semantics<core_parallel>, #tpu.dimension_semantics<subcore_parallel>], iteration_bounds = array<i64: 2, 16>, scalar_prefetch = 0 : i64, scratch_operands = 6 : i64, tpu.core_type = #tpu.core_type<sc_vector_subcore>, window_params = [{transform_indices = #map}, {transform_indices = #map1}, {transform_indices = #map}]} {
    %mul3A = arith.constant 2 : i32
    %mul3A_0 = arith.muli %arg1, %mul3A : i32
    %add3A = arith.addi %mul3A_0, %arg0 : i32
    %mul3A_1 = arith.constant 2560 : i32
    %mul3A_2 = arith.muli %add3A, %mul3A_1 : i32
    "tpu.region"() ({
      %run_scoped3A = tpu.sem_alloc : memref<!tpu.dma_semaphore, #tpu.memory_space<semaphore_mem>>
      %dma_start3A_2112 = arith.constant 0 : i32
      %dma_start3A_2113 = arith.constant 0 : i32
      %dma_start3A_2114 = tpu.memref_slice %arg3[%add3A, %dma_start3A_2112, %dma_start3A_2113] : memref<32x20x128xi32, #tpu.memory_space<hbm>> -> memref<1x20x128xi32, #tpu.memory_space<hbm>>
      %dma_start3A_2115 = tpu.memref_squeeze %dma_start3A_2114 : memref<1x20x128xi32, #tpu.memory_space<hbm>> -> memref<20x128xi32, #tpu.memory_space<hbm>>
      %dma_start3A_2116 = arith.constant 0 : i32
      %dma_start3A_2117 = arith.constant 0 : i32
      %dma_start3A_2118 = tpu.memref_slice %arg3[%add3A, %dma_start3A_2116, %dma_start3A_2117] : memref<32x20x128xi32, #tpu.memory_space<hbm>> -> memref<1x20x128xi32, #tpu.memory_space<hbm>>
      %dma_start3A_2119 = tpu.memref_squeeze %dma_start3A_2118 : memref<1x20x128xi32, #tpu.memory_space<hbm>> -> memref<20x128xi32, #tpu.memory_space<hbm>>
      tpu.enqueue_dma source(%dma_start3A_2119 : memref<20x128xi32, #tpu.memory_space<hbm>>) target(%arg5 : memref<20x128xi32, #tpu.memory_space<vmem>>) target_semaphore(%run_scoped3A : memref<!tpu.dma_semaphore, #tpu.memory_space<semaphore_mem>>)
      %dma_wait3A_2120 = arith.constant 0 : i32
      %dma_wait3A_2121 = arith.constant 0 : i32
      %dma_wait3A_2122 = tpu.memref_slice %arg3[%add3A, %dma_wait3A_2120, %dma_wait3A_2121] : memref<32x20x128xi32, #tpu.memory_space<hbm>> -> memref<1x20x128xi32, #tpu.memory_space<hbm>>
      %dma_wait3A_2123 = tpu.memref_squeeze %dma_wait3A_2122 : memref<1x20x128xi32, #tpu.memory_space<hbm>> -> memref<20x128xi32, #tpu.memory_space<hbm>>
      %dma_wait3A_2124 = arith.constant 0 : i32
      %dma_wait3A_2125 = arith.constant 0 : i32
      %dma_wait3A_2126 = tpu.memref_slice %arg3[%add3A, %dma_wait3A_2124, %dma_wait3A_2125] : memref<32x20x128xi32, #tpu.memory_space<hbm>> -> memref<1x20x128xi32, #tpu.memory_space<hbm>>
      %dma_wait3A_2127 = tpu.memref_squeeze %dma_wait3A_2126 : memref<1x20x128xi32, #tpu.memory_space<hbm>> -> memref<20x128xi32, #tpu.memory_space<hbm>>
      tpu.wait_dma2 semaphore(%run_scoped3A : memref<!tpu.dma_semaphore, #tpu.memory_space<semaphore_mem>>) src(%dma_wait3A_2127 : memref<20x128xi32, #tpu.memory_space<hbm>>) dst(%arg5 : memref<20x128xi32, #tpu.memory_space<vmem>>)
      tpu.yield
    }) : () -> ()
    %dma_start3A = arith.constant 0 : i32
    %dma_start3A_3 = arith.constant 0 : i32
    %dma_start3A_4 = arith.constant 0 : i32
    %dma_start3A_5 = arith.constant 0 : i32
    %dma_start3A_6 = tpu.memref_slice %arg6[%dma_start3A_3, %dma_start3A_4, %dma_start3A_5] : memref<2x128x64xf32, #tpu.memory_space<vmem>> -> memref<1x128x64xf32, #tpu.memory_space<vmem>>
    %dma_start3A_7 = tpu.memref_squeeze %dma_start3A_6 : memref<1x128x64xf32, #tpu.memory_space<vmem>> -> memref<128x64xf32, #tpu.memory_space<vmem>>
    %dma_start3A_8 = arith.constant 0 : i32
    %dma_start3A_9 = tpu.memref_slice %arg5[%dma_start3A, %dma_start3A_8] : memref<20x128xi32, #tpu.memory_space<vmem>> -> memref<1x128xi32, #tpu.memory_space<vmem>>
    %dma_start3A_10 = tpu.memref_squeeze %dma_start3A_9 : memref<1x128xi32, #tpu.memory_space<vmem>> -> memref<128xi32, #tpu.memory_space<vmem>>
    %dma_start3A_11 = arith.constant 0 : i32
    %dma_start3A_12 = arith.constant 0 : i32
    %dma_start3A_13 = tpu.memref_slice %arg2[%dma_start3A_11, %dma_start3A_12] : memref<200704x64xf32, #tpu.memory_space<hbm>> -> memref<200704x64xf32, #tpu.memory_space<hbm>>
    tpu.enqueue_indirect_dma source(%dma_start3A_13 : memref<200704x64xf32, #tpu.memory_space<hbm>>) target(%dma_start3A_7 : memref<128x64xf32, #tpu.memory_space<vmem>>) offsets(%dma_start3A_10 : memref<128xi32, #tpu.memory_space<vmem>>) semaphore(%arg7 : memref<!tpu.dma_semaphore, #tpu.memory_space<semaphore_mem>>)
    %dma_start3A_14 = arith.constant 1 : i32
    %dma_start3A_15 = arith.constant 1 : i32
    %dma_start3A_16 = arith.constant 0 : i32
    %dma_start3A_17 = arith.constant 0 : i32
    %dma_start3A_18 = tpu.memref_slice %arg6[%dma_start3A_15, %dma_start3A_16, %dma_start3A_17] : memref<2x128x64xf32, #tpu.memory_space<vmem>> -> memref<1x128x64xf32, #tpu.memory_space<vmem>>
    %dma_start3A_19 = tpu.memref_squeeze %dma_start3A_18 : memref<1x128x64xf32, #tpu.memory_space<vmem>> -> memref<128x64xf32, #tpu.memory_space<vmem>>
    %dma_start3A_20 = arith.constant 0 : i32
    %dma_start3A_21 = tpu.memref_slice %arg5[%dma_start3A_14, %dma_start3A_20] : memref<20x128xi32, #tpu.memory_space<vmem>> -> memref<1x128xi32, #tpu.memory_space<vmem>>
    %dma_start3A_22 = tpu.memref_squeeze %dma_start3A_21 : memref<1x128xi32, #tpu.memory_space<vmem>> -> memref<128xi32, #tpu.memory_space<vmem>>
    %dma_start3A_23 = arith.constant 0 : i32
    %dma_start3A_24 = arith.constant 0 : i32
    %dma_start3A_25 = tpu.memref_slice %arg2[%dma_start3A_23, %dma_start3A_24] : memref<200704x64xf32, #tpu.memory_space<hbm>> -> memref<200704x64xf32, #tpu.memory_space<hbm>>
    tpu.enqueue_indirect_dma source(%dma_start3A_25 : memref<200704x64xf32, #tpu.memory_space<hbm>>) target(%dma_start3A_19 : memref<128x64xf32, #tpu.memory_space<vmem>>) offsets(%dma_start3A_22 : memref<128xi32, #tpu.memory_space<vmem>>) semaphore(%arg8 : memref<!tpu.dma_semaphore, #tpu.memory_space<semaphore_mem>>)
    %dma_wait3A = arith.constant 0 : i32
    %dma_wait3A_26 = arith.constant 0 : i32
    %dma_wait3A_27 = arith.constant 0 : i32
    %dma_wait3A_28 = arith.constant 0 : i32
    %dma_wait3A_29 = tpu.memref_slice %arg6[%dma_wait3A_26, %dma_wait3A_27, %dma_wait3A_28] : memref<2x128x64xf32, #tpu.memory_space<vmem>> -> memref<1x128x64xf32, #tpu.memory_space<vmem>>
    %dma_wait3A_30 = tpu.memref_squeeze %dma_wait3A_29 : memref<1x128x64xf32, #tpu.memory_space<vmem>> -> memref<128x64xf32, #tpu.memory_space<vmem>>
    %dma_wait3A_31 = arith.constant 0 : i32
    %dma_wait3A_32 = tpu.memref_slice %arg5[%dma_wait3A, %dma_wait3A_31] : memref<20x128xi32, #tpu.memory_space<vmem>> -> memref<1x128xi32, #tpu.memory_space<vmem>>
    %dma_wait3A_33 = tpu.memref_squeeze %dma_wait3A_32 : memref<1x128xi32, #tpu.memory_space<vmem>> -> memref<128xi32, #tpu.memory_space<vmem>>
    %dma_wait3A_34 = arith.constant 0 : i32
    %dma_wait3A_35 = arith.constant 0 : i32
    %dma_wait3A_36 = tpu.memref_slice %arg2[%dma_wait3A_34, %dma_wait3A_35] : memref<200704x64xf32, #tpu.memory_space<hbm>> -> memref<200704x64xf32, #tpu.memory_space<hbm>>
    tpu.wait_indirect_dma semaphore(%arg7 : memref<!tpu.dma_semaphore, #tpu.memory_space<semaphore_mem>>) src(%dma_wait3A_36 : memref<200704x64xf32, #tpu.memory_space<hbm>>) dst(%dma_wait3A_30 : memref<128x64xf32, #tpu.memory_space<vmem>>)
    %add3A_37 = arith.constant 0 : i32
    %add3A_38 = arith.addi %mul3A_2, %add3A_37 : i32
    %rem3A = arith.constant 16384 : i32
    %rem3A_39 = arith.remsi %add3A_38, %rem3A : i32
    %jit3A = arith.constant 8192 : i32
    %div3A = arith.divsi %rem3A_39, %jit3A : i32
    %sign3A = arith.constant 0 : i32
    %sign3A_40 = arith.cmpi sgt, %rem3A_39, %sign3A : i32
    %sign3A_41 = arith.extui %sign3A_40 : i1 to i32
    %sign3A_42 = arith.constant 0 : i32
    %sign3A_43 = arith.cmpi slt, %rem3A_39, %sign3A_42 : i32
    %sign3A_44 = arith.extui %sign3A_43 : i1 to i32
    %sign3A_45 = arith.subi %sign3A_41, %sign3A_44 : i32
    %sign3A_46 = arith.constant 0 : i32
    %sign3A_47 = arith.cmpi sgt, %jit3A, %sign3A_46 : i32
    %sign3A_48 = arith.extui %sign3A_47 : i1 to i32
    %sign3A_49 = arith.constant 0 : i32
    %sign3A_50 = arith.cmpi slt, %jit3A, %sign3A_49 : i32
    %sign3A_51 = arith.extui %sign3A_50 : i1 to i32
    %sign3A_52 = arith.subi %sign3A_48, %sign3A_51 : i32
    %ne3A = arith.cmpi ne, %sign3A_45, %sign3A_52 : i32
    %rem3A_53 = arith.remsi %rem3A_39, %jit3A : i32
    %ne3A_54 = arith.constant 0 : i32
    %ne3A_55 = arith.cmpi ne, %rem3A_53, %ne3A_54 : i32
    %and3A = arith.andi %ne3A, %ne3A_55 : i1
    %sub3A = arith.constant 1 : i32
    %sub3A_56 = arith.subi %div3A, %sub3A : i32
    %select_n3A = arith.select %and3A, %sub3A_56, %div3A : i32
    %jit3A_57 = arith.constant 16384 : i32
    %div3A_58 = arith.divsi %add3A_38, %jit3A_57 : i32
    %sign3A_59 = arith.constant 0 : i32
    %sign3A_60 = arith.cmpi sgt, %add3A_38, %sign3A_59 : i32
    %sign3A_61 = arith.extui %sign3A_60 : i1 to i32
    %sign3A_62 = arith.constant 0 : i32
    %sign3A_63 = arith.cmpi slt, %add3A_38, %sign3A_62 : i32
    %sign3A_64 = arith.extui %sign3A_63 : i1 to i32
    %sign3A_65 = arith.subi %sign3A_61, %sign3A_64 : i32
    %sign3A_66 = arith.constant 0 : i32
    %sign3A_67 = arith.cmpi sgt, %jit3A_57, %sign3A_66 : i32
    %sign3A_68 = arith.extui %sign3A_67 : i1 to i32
    %sign3A_69 = arith.constant 0 : i32
    %sign3A_70 = arith.cmpi slt, %jit3A_57, %sign3A_69 : i32
    %sign3A_71 = arith.extui %sign3A_70 : i1 to i32
    %sign3A_72 = arith.subi %sign3A_68, %sign3A_71 : i32
    %ne3A_73 = arith.cmpi ne, %sign3A_65, %sign3A_72 : i32
    %rem3A_74 = arith.remsi %add3A_38, %jit3A_57 : i32
    %ne3A_75 = arith.constant 0 : i32
    %ne3A_76 = arith.cmpi ne, %rem3A_74, %ne3A_75 : i32
    %and3A_77 = arith.andi %ne3A_73, %ne3A_76 : i1
    %sub3A_78 = arith.constant 1 : i32
    %sub3A_79 = arith.subi %div3A_58, %sub3A_78 : i32
    %select_n3A_80 = arith.select %and3A_77, %sub3A_79, %div3A_58 : i32
    %mul3A_81 = arith.constant 8192 : i32
    %mul3A_82 = arith.muli %select_n3A_80, %mul3A_81 : i32
    %rem3A_83 = arith.constant 8192 : i32
    %rem3A_84 = arith.remsi %rem3A_39, %rem3A_83 : i32
    %add3A_85 = arith.addi %mul3A_82, %rem3A_84 : i32
    %multiple_of3A = tpu.assume_multiple %add3A_85, 128 : i32
    %mul3A_86 = arith.constant 64 : i32
    %mul3A_87 = arith.muli %select_n3A, %mul3A_86 : i32
    %dma_start3A_88 = arith.constant 0 : i32
    %dma_start3A_89 = arith.constant 0 : i32
    %dma_start3A_90 = arith.constant 0 : i32
    %dma_start3A_91 = tpu.memref_slice %arg6[%dma_start3A_88, %dma_start3A_89, %dma_start3A_90] : memref<2x128x64xf32, #tpu.memory_space<vmem>> -> memref<1x128x64xf32, #tpu.memory_space<vmem>>
    %dma_start3A_92 = tpu.memref_squeeze %dma_start3A_91 : memref<1x128x64xf32, #tpu.memory_space<vmem>> -> memref<128x64xf32, #tpu.memory_space<vmem>>
    %dma_start3A_93 = tpu.memref_slice %arg4[%multiple_of3A, %mul3A_87] : memref<40960x128xf32, #tpu.memory_space<hbm>> -> memref<128x64xf32, #tpu.memory_space<hbm>>
    %dma_start3A_94 = tpu.memref_slice %arg4[%multiple_of3A, %mul3A_87] : memref<40960x128xf32, #tpu.memory_space<hbm>> -> memref<128x64xf32, #tpu.memory_space<hbm>>
    %dma_start3A_95 = arith.constant 0 : i32
    %dma_start3A_96 = arith.constant 0 : i32
    %dma_start3A_97 = tpu.memref_slice %arg6[%dma_start3A_88, %dma_start3A_95, %dma_start3A_96] : memref<2x128x64xf32, #tpu.memory_space<vmem>> -> memref<1x128x64xf32, #tpu.memory_space<vmem>>
    %dma_start3A_98 = tpu.memref_squeeze %dma_start3A_97 : memref<1x128x64xf32, #tpu.memory_space<vmem>> -> memref<128x64xf32, #tpu.memory_space<vmem>>
    tpu.enqueue_dma source(%dma_start3A_98 : memref<128x64xf32, #tpu.memory_space<vmem>>) target(%dma_start3A_94 : memref<128x64xf32, #tpu.memory_space<hbm>>) target_semaphore(%arg9 : memref<!tpu.dma_semaphore, #tpu.memory_space<semaphore_mem>>)
    %dma_wait3A_99 = arith.constant 0 : i32
    %dma_wait3A_100 = arith.constant 0 : i32
    %dma_wait3A_101 = arith.constant 0 : i32
    %dma_wait3A_102 = tpu.memref_slice %arg6[%dma_wait3A_99, %dma_wait3A_100, %dma_wait3A_101] : memref<2x128x64xf32, #tpu.memory_space<vmem>> -> memref<1x128x64xf32, #tpu.memory_space<vmem>>
    %dma_wait3A_103 = tpu.memref_squeeze %dma_wait3A_102 : memref<1x128x64xf32, #tpu.memory_space<vmem>> -> memref<128x64xf32, #tpu.memory_space<vmem>>
    %dma_wait3A_104 = tpu.memref_slice %arg4[%multiple_of3A, %mul3A_87] : memref<40960x128xf32, #tpu.memory_space<hbm>> -> memref<128x64xf32, #tpu.memory_space<hbm>>
    %dma_wait3A_105 = tpu.memref_slice %arg4[%multiple_of3A, %mul3A_87] : memref<40960x128xf32, #tpu.memory_space<hbm>> -> memref<128x64xf32, #tpu.memory_space<hbm>>
    %dma_wait3A_106 = arith.constant 0 : i32
    %dma_wait3A_107 = arith.constant 0 : i32
    %dma_wait3A_108 = tpu.memref_slice %arg6[%dma_wait3A_99, %dma_wait3A_106, %dma_wait3A_107] : memref<2x128x64xf32, #tpu.memory_space<vmem>> -> memref<1x128x64xf32, #tpu.memory_space<vmem>>
    %dma_wait3A_109 = tpu.memref_squeeze %dma_wait3A_108 : memref<1x128x64xf32, #tpu.memory_space<vmem>> -> memref<128x64xf32, #tpu.memory_space<vmem>>
    tpu.wait_dma2 semaphore(%arg9 : memref<!tpu.dma_semaphore, #tpu.memory_space<semaphore_mem>>) src(%dma_wait3A_109 : memref<128x64xf32, #tpu.memory_space<vmem>>) dst(%dma_wait3A_105 : memref<128x64xf32, #tpu.memory_space<hbm>>)
    %dma_start3A_110 = arith.constant 2 : i32
    %dma_start3A_111 = arith.constant 0 : i32
    %dma_start3A_112 = arith.constant 0 : i32
    %dma_start3A_113 = arith.constant 0 : i32
    %dma_start3A_114 = tpu.memref_slice %arg6[%dma_start3A_111, %dma_start3A_112, %dma_start3A_113] : memref<2x128x64xf32, #tpu.memory_space<vmem>> -> memref<1x128x64xf32, #tpu.memory_space<vmem>>
    %dma_start3A_115 = tpu.memref_squeeze %dma_start3A_114 : memref<1x128x64xf32, #tpu.memory_space<vmem>> -> memref<128x64xf32, #tpu.memory_space<vmem>>
    %dma_start3A_116 = arith.constant 0 : i32
    %dma_start3A_117 = tpu.memref_slice %arg5[%dma_start3A_110, %dma_start3A_116] : memref<20x128xi32, #tpu.memory_space<vmem>> -> memref<1x128xi32, #tpu.memory_space<vmem>>
    %dma_start3A_118 = tpu.memref_squeeze %dma_start3A_117 : memref<1x128xi32, #tpu.memory_space<vmem>> -> memref<128xi32, #tpu.memory_space<vmem>>
    %dma_start3A_119 = arith.constant 0 : i32
    %dma_start3A_120 = arith.constant 0 : i32
    %dma_start3A_121 = tpu.memref_slice %arg2[%dma_start3A_119, %dma_start3A_120] : memref<200704x64xf32, #tpu.memory_space<hbm>> -> memref<200704x64xf32, #tpu.memory_space<hbm>>
    tpu.enqueue_indirect_dma source(%dma_start3A_121 : memref<200704x64xf32, #tpu.memory_space<hbm>>) target(%dma_start3A_115 : memref<128x64xf32, #tpu.memory_space<vmem>>) offsets(%dma_start3A_118 : memref<128xi32, #tpu.memory_space<vmem>>) semaphore(%arg7 : memref<!tpu.dma_semaphore, #tpu.memory_space<semaphore_mem>>)
    %dma_wait3A_122 = arith.constant 1 : i32
    %dma_wait3A_123 = arith.constant 1 : i32
    %dma_wait3A_124 = arith.constant 0 : i32
    %dma_wait3A_125 = arith.constant 0 : i32
    %dma_wait3A_126 = tpu.memref_slice %arg6[%dma_wait3A_123, %dma_wait3A_124, %dma_wait3A_125] : memref<2x128x64xf32, #tpu.memory_space<vmem>> -> memref<1x128x64xf32, #tpu.memory_space<vmem>>
    %dma_wait3A_127 = tpu.memref_squeeze %dma_wait3A_126 : memref<1x128x64xf32, #tpu.memory_space<vmem>> -> memref<128x64xf32, #tpu.memory_space<vmem>>
    %dma_wait3A_128 = arith.constant 0 : i32
    %dma_wait3A_129 = tpu.memref_slice %arg5[%dma_wait3A_122, %dma_wait3A_128] : memref<20x128xi32, #tpu.memory_space<vmem>> -> memref<1x128xi32, #tpu.memory_space<vmem>>
    %dma_wait3A_130 = tpu.memref_squeeze %dma_wait3A_129 : memref<1x128xi32, #tpu.memory_space<vmem>> -> memref<128xi32, #tpu.memory_space<vmem>>
    %dma_wait3A_131 = arith.constant 0 : i32
    %dma_wait3A_132 = arith.constant 0 : i32
    %dma_wait3A_133 = tpu.memref_slice %arg2[%dma_wait3A_131, %dma_wait3A_132] : memref<200704x64xf32, #tpu.memory_space<hbm>> -> memref<200704x64xf32, #tpu.memory_space<hbm>>
    tpu.wait_indirect_dma semaphore(%arg8 : memref<!tpu.dma_semaphore, #tpu.memory_space<semaphore_mem>>) src(%dma_wait3A_133 : memref<200704x64xf32, #tpu.memory_space<hbm>>) dst(%dma_wait3A_127 : memref<128x64xf32, #tpu.memory_space<vmem>>)
    %add3A_134 = arith.constant 128 : i32
    %add3A_135 = arith.addi %mul3A_2, %add3A_134 : i32
    %rem3A_136 = arith.constant 16384 : i32
    %rem3A_137 = arith.remsi %add3A_135, %rem3A_136 : i32
    %jit3A_138 = arith.constant 8192 : i32
    %div3A_139 = arith.divsi %rem3A_137, %jit3A_138 : i32
    %sign3A_140 = arith.constant 0 : i32
    %sign3A_141 = arith.cmpi sgt, %rem3A_137, %sign3A_140 : i32
    %sign3A_142 = arith.extui %sign3A_141 : i1 to i32
    %sign3A_143 = arith.constant 0 : i32
    %sign3A_144 = arith.cmpi slt, %rem3A_137, %sign3A_143 : i32
    %sign3A_145 = arith.extui %sign3A_144 : i1 to i32
    %sign3A_146 = arith.subi %sign3A_142, %sign3A_145 : i32
    %sign3A_147 = arith.constant 0 : i32
    %sign3A_148 = arith.cmpi sgt, %jit3A_138, %sign3A_147 : i32
    %sign3A_149 = arith.extui %sign3A_148 : i1 to i32
    %sign3A_150 = arith.constant 0 : i32
    %sign3A_151 = arith.cmpi slt, %jit3A_138, %sign3A_150 : i32
    %sign3A_152 = arith.extui %sign3A_151 : i1 to i32
    %sign3A_153 = arith.subi %sign3A_149, %sign3A_152 : i32
    %ne3A_154 = arith.cmpi ne, %sign3A_146, %sign3A_153 : i32
    %rem3A_155 = arith.remsi %rem3A_137, %jit3A_138 : i32
    %ne3A_156 = arith.constant 0 : i32
    %ne3A_157 = arith.cmpi ne, %rem3A_155, %ne3A_156 : i32
    %and3A_158 = arith.andi %ne3A_154, %ne3A_157 : i1
    %sub3A_159 = arith.constant 1 : i32
    %sub3A_160 = arith.subi %div3A_139, %sub3A_159 : i32
    %select_n3A_161 = arith.select %and3A_158, %sub3A_160, %div3A_139 : i32
    %jit3A_162 = arith.constant 16384 : i32
    %div3A_163 = arith.divsi %add3A_135, %jit3A_162 : i32
    %sign3A_164 = arith.constant 0 : i32
    %sign3A_165 = arith.cmpi sgt, %add3A_135, %sign3A_164 : i32
    %sign3A_166 = arith.extui %sign3A_165 : i1 to i32
    %sign3A_167 = arith.constant 0 : i32
    %sign3A_168 = arith.cmpi slt, %add3A_135, %sign3A_167 : i32
    %sign3A_169 = arith.extui %sign3A_168 : i1 to i32
    %sign3A_170 = arith.subi %sign3A_166, %sign3A_169 : i32
    %sign3A_171 = arith.constant 0 : i32
    %sign3A_172 = arith.cmpi sgt, %jit3A_162, %sign3A_171 : i32
    %sign3A_173 = arith.extui %sign3A_172 : i1 to i32
    %sign3A_174 = arith.constant 0 : i32
    %sign3A_175 = arith.cmpi slt, %jit3A_162, %sign3A_174 : i32
    %sign3A_176 = arith.extui %sign3A_175 : i1 to i32
    %sign3A_177 = arith.subi %sign3A_173, %sign3A_176 : i32
    %ne3A_178 = arith.cmpi ne, %sign3A_170, %sign3A_177 : i32
    %rem3A_179 = arith.remsi %add3A_135, %jit3A_162 : i32
    %ne3A_180 = arith.constant 0 : i32
    %ne3A_181 = arith.cmpi ne, %rem3A_179, %ne3A_180 : i32
    %and3A_182 = arith.andi %ne3A_178, %ne3A_181 : i1
    %sub3A_183 = arith.constant 1 : i32
    %sub3A_184 = arith.subi %div3A_163, %sub3A_183 : i32
    %select_n3A_185 = arith.select %and3A_182, %sub3A_184, %div3A_163 : i32
    %mul3A_186 = arith.constant 8192 : i32
    %mul3A_187 = arith.muli %select_n3A_185, %mul3A_186 : i32
    %rem3A_188 = arith.constant 8192 : i32
    %rem3A_189 = arith.remsi %rem3A_137, %rem3A_188 : i32
    %add3A_190 = arith.addi %mul3A_187, %rem3A_189 : i32
    %multiple_of3A_191 = tpu.assume_multiple %add3A_190, 128 : i32
    %mul3A_192 = arith.constant 64 : i32
    %mul3A_193 = arith.muli %select_n3A_161, %mul3A_192 : i32
    %dma_start3A_194 = arith.constant 1 : i32
    %dma_start3A_195 = arith.constant 0 : i32
    %dma_start3A_196 = arith.constant 0 : i32
    %dma_start3A_197 = tpu.memref_slice %arg6[%dma_start3A_194, %dma_start3A_195, %dma_start3A_196] : memref<2x128x64xf32, #tpu.memory_space<vmem>> -> memref<1x128x64xf32, #tpu.memory_space<vmem>>
    %dma_start3A_198 = tpu.memref_squeeze %dma_start3A_197 : memref<1x128x64xf32, #tpu.memory_space<vmem>> -> memref<128x64xf32, #tpu.memory_space<vmem>>
    %dma_start3A_199 = tpu.memref_slice %arg4[%multiple_of3A_191, %mul3A_193] : memref<40960x128xf32, #tpu.memory_space<hbm>> -> memref<128x64xf32, #tpu.memory_space<hbm>>
    %dma_start3A_200 = tpu.memref_slice %arg4[%multiple_of3A_191, %mul3A_193] : memref<40960x128xf32, #tpu.memory_space<hbm>> -> memref<128x64xf32, #tpu.memory_space<hbm>>
    %dma_start3A_201 = arith.constant 0 : i32
    %dma_start3A_202 = arith.constant 0 : i32
    %dma_start3A_203 = tpu.memref_slice %arg6[%dma_start3A_194, %dma_start3A_201, %dma_start3A_202] : memref<2x128x64xf32, #tpu.memory_space<vmem>> -> memref<1x128x64xf32, #tpu.memory_space<vmem>>
    %dma_start3A_204 = tpu.memref_squeeze %dma_start3A_203 : memref<1x128x64xf32, #tpu.memory_space<vmem>> -> memref<128x64xf32, #tpu.memory_space<vmem>>
    tpu.enqueue_dma source(%dma_start3A_204 : memref<128x64xf32, #tpu.memory_space<vmem>>) target(%dma_start3A_200 : memref<128x64xf32, #tpu.memory_space<hbm>>) target_semaphore(%arg10 : memref<!tpu.dma_semaphore, #tpu.memory_space<semaphore_mem>>)
    %dma_wait3A_205 = arith.constant 1 : i32
    %dma_wait3A_206 = arith.constant 0 : i32
    %dma_wait3A_207 = arith.constant 0 : i32
    %dma_wait3A_208 = tpu.memref_slice %arg6[%dma_wait3A_205, %dma_wait3A_206, %dma_wait3A_207] : memref<2x128x64xf32, #tpu.memory_space<vmem>> -> memref<1x128x64xf32, #tpu.memory_space<vmem>>
    %dma_wait3A_209 = tpu.memref_squeeze %dma_wait3A_208 : memref<1x128x64xf32, #tpu.memory_space<vmem>> -> memref<128x64xf32, #tpu.memory_space<vmem>>
    %dma_wait3A_210 = tpu.memref_slice %arg4[%multiple_of3A_191, %mul3A_193] : memref<40960x128xf32, #tpu.memory_space<hbm>> -> memref<128x64xf32, #tpu.memory_space<hbm>>
    %dma_wait3A_211 = tpu.memref_slice %arg4[%multiple_of3A_191, %mul3A_193] : memref<40960x128xf32, #tpu.memory_space<hbm>> -> memref<128x64xf32, #tpu.memory_space<hbm>>
    %dma_wait3A_212 = arith.constant 0 : i32
    %dma_wait3A_213 = arith.constant 0 : i32
    %dma_wait3A_214 = tpu.memref_slice %arg6[%dma_wait3A_205, %dma_wait3A_212, %dma_wait3A_213] : memref<2x128x64xf32, #tpu.memory_space<vmem>> -> memref<1x128x64xf32, #tpu.memory_space<vmem>>
    %dma_wait3A_215 = tpu.memref_squeeze %dma_wait3A_214 : memref<1x128x64xf32, #tpu.memory_space<vmem>> -> memref<128x64xf32, #tpu.memory_space<vmem>>
    tpu.wait_dma2 semaphore(%arg10 : memref<!tpu.dma_semaphore, #tpu.memory_space<semaphore_mem>>) src(%dma_wait3A_215 : memref<128x64xf32, #tpu.memory_space<vmem>>) dst(%dma_wait3A_211 : memref<128x64xf32, #tpu.memory_space<hbm>>)
    %dma_start3A_216 = arith.constant 3 : i32
    %dma_start3A_217 = arith.constant 1 : i32
    %dma_start3A_218 = arith.constant 0 : i32
    %dma_start3A_219 = arith.constant 0 : i32
    %dma_start3A_220 = tpu.memref_slice %arg6[%dma_start3A_217, %dma_start3A_218, %dma_start3A_219] : memref<2x128x64xf32, #tpu.memory_space<vmem>> -> memref<1x128x64xf32, #tpu.memory_space<vmem>>
    %dma_start3A_221 = tpu.memref_squeeze %dma_start3A_220 : memref<1x128x64xf32, #tpu.memory_space<vmem>> -> memref<128x64xf32, #tpu.memory_space<vmem>>
    %dma_start3A_222 = arith.constant 0 : i32
    %dma_start3A_223 = tpu.memref_slice %arg5[%dma_start3A_216, %dma_start3A_222] : memref<20x128xi32, #tpu.memory_space<vmem>> -> memref<1x128xi32, #tpu.memory_space<vmem>>
    %dma_start3A_224 = tpu.memref_squeeze %dma_start3A_223 : memref<1x128xi32, #tpu.memory_space<vmem>> -> memref<128xi32, #tpu.memory_space<vmem>>
    %dma_start3A_225 = arith.constant 0 : i32
    %dma_start3A_226 = arith.constant 0 : i32
    %dma_start3A_227 = tpu.memref_slice %arg2[%dma_start3A_225, %dma_start3A_226] : memref<200704x64xf32, #tpu.memory_space<hbm>> -> memref<200704x64xf32, #tpu.memory_space<hbm>>
    tpu.enqueue_indirect_dma source(%dma_start3A_227 : memref<200704x64xf32, #tpu.memory_space<hbm>>) target(%dma_start3A_221 : memref<128x64xf32, #tpu.memory_space<vmem>>) offsets(%dma_start3A_224 : memref<128xi32, #tpu.memory_space<vmem>>) semaphore(%arg8 : memref<!tpu.dma_semaphore, #tpu.memory_space<semaphore_mem>>)
    %dma_wait3A_228 = arith.constant 2 : i32
    %dma_wait3A_229 = arith.constant 0 : i32
    %dma_wait3A_230 = arith.constant 0 : i32
    %dma_wait3A_231 = arith.constant 0 : i32
    %dma_wait3A_232 = tpu.memref_slice %arg6[%dma_wait3A_229, %dma_wait3A_230, %dma_wait3A_231] : memref<2x128x64xf32, #tpu.memory_space<vmem>> -> memref<1x128x64xf32, #tpu.memory_space<vmem>>
    %dma_wait3A_233 = tpu.memref_squeeze %dma_wait3A_232 : memref<1x128x64xf32, #tpu.memory_space<vmem>> -> memref<128x64xf32, #tpu.memory_space<vmem>>
    %dma_wait3A_234 = arith.constant 0 : i32
    %dma_wait3A_235 = tpu.memref_slice %arg5[%dma_wait3A_228, %dma_wait3A_234] : memref<20x128xi32, #tpu.memory_space<vmem>> -> memref<1x128xi32, #tpu.memory_space<vmem>>
    %dma_wait3A_236 = tpu.memref_squeeze %dma_wait3A_235 : memref<1x128xi32, #tpu.memory_space<vmem>> -> memref<128xi32, #tpu.memory_space<vmem>>
    %dma_wait3A_237 = arith.constant 0 : i32
    %dma_wait3A_238 = arith.constant 0 : i32
    %dma_wait3A_239 = tpu.memref_slice %arg2[%dma_wait3A_237, %dma_wait3A_238] : memref<200704x64xf32, #tpu.memory_space<hbm>> -> memref<200704x64xf32, #tpu.memory_space<hbm>>
    tpu.wait_indirect_dma semaphore(%arg7 : memref<!tpu.dma_semaphore, #tpu.memory_space<semaphore_mem>>) src(%dma_wait3A_239 : memref<200704x64xf32, #tpu.memory_space<hbm>>) dst(%dma_wait3A_233 : memref<128x64xf32, #tpu.memory_space<vmem>>)
    %add3A_240 = arith.constant 256 : i32
    %add3A_241 = arith.addi %mul3A_2, %add3A_240 : i32
    %rem3A_242 = arith.constant 16384 : i32
    %rem3A_243 = arith.remsi %add3A_241, %rem3A_242 : i32
    %jit3A_244 = arith.constant 8192 : i32
    %div3A_245 = arith.divsi %rem3A_243, %jit3A_244 : i32
    %sign3A_246 = arith.constant 0 : i32
    %sign3A_247 = arith.cmpi sgt, %rem3A_243, %sign3A_246 : i32
    %sign3A_248 = arith.extui %sign3A_247 : i1 to i32
    %sign3A_249 = arith.constant 0 : i32
    %sign3A_250 = arith.cmpi slt, %rem3A_243, %sign3A_249 : i32
    %sign3A_251 = arith.extui %sign3A_250 : i1 to i32
    %sign3A_252 = arith.subi %sign3A_248, %sign3A_251 : i32
    %sign3A_253 = arith.constant 0 : i32
    %sign3A_254 = arith.cmpi sgt, %jit3A_244, %sign3A_253 : i32
    %sign3A_255 = arith.extui %sign3A_254 : i1 to i32
    %sign3A_256 = arith.constant 0 : i32
    %sign3A_257 = arith.cmpi slt, %jit3A_244, %sign3A_256 : i32
    %sign3A_258 = arith.extui %sign3A_257 : i1 to i32
    %sign3A_259 = arith.subi %sign3A_255, %sign3A_258 : i32
    %ne3A_260 = arith.cmpi ne, %sign3A_252, %sign3A_259 : i32
    %rem3A_261 = arith.remsi %rem3A_243, %jit3A_244 : i32
    %ne3A_262 = arith.constant 0 : i32
    %ne3A_263 = arith.cmpi ne, %rem3A_261, %ne3A_262 : i32
    %and3A_264 = arith.andi %ne3A_260, %ne3A_263 : i1
    %sub3A_265 = arith.constant 1 : i32
    %sub3A_266 = arith.subi %div3A_245, %sub3A_265 : i32
    %select_n3A_267 = arith.select %and3A_264, %sub3A_266, %div3A_245 : i32
    %jit3A_268 = arith.constant 16384 : i32
    %div3A_269 = arith.divsi %add3A_241, %jit3A_268 : i32
    %sign3A_270 = arith.constant 0 : i32
    %sign3A_271 = arith.cmpi sgt, %add3A_241, %sign3A_270 : i32
    %sign3A_272 = arith.extui %sign3A_271 : i1 to i32
    %sign3A_273 = arith.constant 0 : i32
    %sign3A_274 = arith.cmpi slt, %add3A_241, %sign3A_273 : i32
    %sign3A_275 = arith.extui %sign3A_274 : i1 to i32
    %sign3A_276 = arith.subi %sign3A_272, %sign3A_275 : i32
    %sign3A_277 = arith.constant 0 : i32
    %sign3A_278 = arith.cmpi sgt, %jit3A_268, %sign3A_277 : i32
    %sign3A_279 = arith.extui %sign3A_278 : i1 to i32
    %sign3A_280 = arith.constant 0 : i32
    %sign3A_281 = arith.cmpi slt, %jit3A_268, %sign3A_280 : i32
    %sign3A_282 = arith.extui %sign3A_281 : i1 to i32
    %sign3A_283 = arith.subi %sign3A_279, %sign3A_282 : i32
    %ne3A_284 = arith.cmpi ne, %sign3A_276, %sign3A_283 : i32
    %rem3A_285 = arith.remsi %add3A_241, %jit3A_268 : i32
    %ne3A_286 = arith.constant 0 : i32
    %ne3A_287 = arith.cmpi ne, %rem3A_285, %ne3A_286 : i32
    %and3A_288 = arith.andi %ne3A_284, %ne3A_287 : i1
    %sub3A_289 = arith.constant 1 : i32
    %sub3A_290 = arith.subi %div3A_269, %sub3A_289 : i32
    %select_n3A_291 = arith.select %and3A_288, %sub3A_290, %div3A_269 : i32
    %mul3A_292 = arith.constant 8192 : i32
    %mul3A_293 = arith.muli %select_n3A_291, %mul3A_292 : i32
    %rem3A_294 = arith.constant 8192 : i32
    %rem3A_295 = arith.remsi %rem3A_243, %rem3A_294 : i32
    %add3A_296 = arith.addi %mul3A_293, %rem3A_295 : i32
    %multiple_of3A_297 = tpu.assume_multiple %add3A_296, 128 : i32
    %mul3A_298 = arith.constant 64 : i32
    %mul3A_299 = arith.muli %select_n3A_267, %mul3A_298 : i32
    %dma_start3A_300 = arith.constant 0 : i32
    %dma_start3A_301 = arith.constant 0 : i32
    %dma_start3A_302 = arith.constant 0 : i32
    %dma_start3A_303 = tpu.memref_slice %arg6[%dma_start3A_300, %dma_start3A_301, %dma_start3A_302] : memref<2x128x64xf32, #tpu.memory_space<vmem>> -> memref<1x128x64xf32, #tpu.memory_space<vmem>>
    %dma_start3A_304 = tpu.memref_squeeze %dma_start3A_303 : memref<1x128x64xf32, #tpu.memory_space<vmem>> -> memref<128x64xf32, #tpu.memory_space<vmem>>
    %dma_start3A_305 = tpu.memref_slice %arg4[%multiple_of3A_297, %mul3A_299] : memref<40960x128xf32, #tpu.memory_space<hbm>> -> memref<128x64xf32, #tpu.memory_space<hbm>>
    %dma_start3A_306 = tpu.memref_slice %arg4[%multiple_of3A_297, %mul3A_299] : memref<40960x128xf32, #tpu.memory_space<hbm>> -> memref<128x64xf32, #tpu.memory_space<hbm>>
    %dma_start3A_307 = arith.constant 0 : i32
    %dma_start3A_308 = arith.constant 0 : i32
    %dma_start3A_309 = tpu.memref_slice %arg6[%dma_start3A_300, %dma_start3A_307, %dma_start3A_308] : memref<2x128x64xf32, #tpu.memory_space<vmem>> -> memref<1x128x64xf32, #tpu.memory_space<vmem>>
    %dma_start3A_310 = tpu.memref_squeeze %dma_start3A_309 : memref<1x128x64xf32, #tpu.memory_space<vmem>> -> memref<128x64xf32, #tpu.memory_space<vmem>>
    tpu.enqueue_dma source(%dma_start3A_310 : memref<128x64xf32, #tpu.memory_space<vmem>>) target(%dma_start3A_306 : memref<128x64xf32, #tpu.memory_space<hbm>>) target_semaphore(%arg9 : memref<!tpu.dma_semaphore, #tpu.memory_space<semaphore_mem>>)
    %dma_wait3A_311 = arith.constant 0 : i32
    %dma_wait3A_312 = arith.constant 0 : i32
    %dma_wait3A_313 = arith.constant 0 : i32
    %dma_wait3A_314 = tpu.memref_slice %arg6[%dma_wait3A_311, %dma_wait3A_312, %dma_wait3A_313] : memref<2x128x64xf32, #tpu.memory_space<vmem>> -> memref<1x128x64xf32, #tpu.memory_space<vmem>>
    %dma_wait3A_315 = tpu.memref_squeeze %dma_wait3A_314 : memref<1x128x64xf32, #tpu.memory_space<vmem>> -> memref<128x64xf32, #tpu.memory_space<vmem>>
    %dma_wait3A_316 = tpu.memref_slice %arg4[%multiple_of3A_297, %mul3A_299] : memref<40960x128xf32, #tpu.memory_space<hbm>> -> memref<128x64xf32, #tpu.memory_space<hbm>>
    %dma_wait3A_317 = tpu.memref_slice %arg4[%multiple_of3A_297, %mul3A_299] : memref<40960x128xf32, #tpu.memory_space<hbm>> -> memref<128x64xf32, #tpu.memory_space<hbm>>
    %dma_wait3A_318 = arith.constant 0 : i32
    %dma_wait3A_319 = arith.constant 0 : i32
    %dma_wait3A_320 = tpu.memref_slice %arg6[%dma_wait3A_311, %dma_wait3A_318, %dma_wait3A_319] : memref<2x128x64xf32, #tpu.memory_space<vmem>> -> memref<1x128x64xf32, #tpu.memory_space<vmem>>
    %dma_wait3A_321 = tpu.memref_squeeze %dma_wait3A_320 : memref<1x128x64xf32, #tpu.memory_space<vmem>> -> memref<128x64xf32, #tpu.memory_space<vmem>>
    tpu.wait_dma2 semaphore(%arg9 : memref<!tpu.dma_semaphore, #tpu.memory_space<semaphore_mem>>) src(%dma_wait3A_321 : memref<128x64xf32, #tpu.memory_space<vmem>>) dst(%dma_wait3A_317 : memref<128x64xf32, #tpu.memory_space<hbm>>)
    %dma_start3A_322 = arith.constant 4 : i32
    %dma_start3A_323 = arith.constant 0 : i32
    %dma_start3A_324 = arith.constant 0 : i32
    %dma_start3A_325 = arith.constant 0 : i32
    %dma_start3A_326 = tpu.memref_slice %arg6[%dma_start3A_323, %dma_start3A_324, %dma_start3A_325] : memref<2x128x64xf32, #tpu.memory_space<vmem>> -> memref<1x128x64xf32, #tpu.memory_space<vmem>>
    %dma_start3A_327 = tpu.memref_squeeze %dma_start3A_326 : memref<1x128x64xf32, #tpu.memory_space<vmem>> -> memref<128x64xf32, #tpu.memory_space<vmem>>
    %dma_start3A_328 = arith.constant 0 : i32
    %dma_start3A_329 = tpu.memref_slice %arg5[%dma_start3A_322, %dma_start3A_328] : memref<20x128xi32, #tpu.memory_space<vmem>> -> memref<1x128xi32, #tpu.memory_space<vmem>>
    %dma_start3A_330 = tpu.memref_squeeze %dma_start3A_329 : memref<1x128xi32, #tpu.memory_space<vmem>> -> memref<128xi32, #tpu.memory_space<vmem>>
    %dma_start3A_331 = arith.constant 0 : i32
    %dma_start3A_332 = arith.constant 0 : i32
    %dma_start3A_333 = tpu.memref_slice %arg2[%dma_start3A_331, %dma_start3A_332] : memref<200704x64xf32, #tpu.memory_space<hbm>> -> memref<200704x64xf32, #tpu.memory_space<hbm>>
    tpu.enqueue_indirect_dma source(%dma_start3A_333 : memref<200704x64xf32, #tpu.memory_space<hbm>>) target(%dma_start3A_327 : memref<128x64xf32, #tpu.memory_space<vmem>>) offsets(%dma_start3A_330 : memref<128xi32, #tpu.memory_space<vmem>>) semaphore(%arg7 : memref<!tpu.dma_semaphore, #tpu.memory_space<semaphore_mem>>)
    %dma_wait3A_334 = arith.constant 3 : i32
    %dma_wait3A_335 = arith.constant 1 : i32
    %dma_wait3A_336 = arith.constant 0 : i32
    %dma_wait3A_337 = arith.constant 0 : i32
    %dma_wait3A_338 = tpu.memref_slice %arg6[%dma_wait3A_335, %dma_wait3A_336, %dma_wait3A_337] : memref<2x128x64xf32, #tpu.memory_space<vmem>> -> memref<1x128x64xf32, #tpu.memory_space<vmem>>
    %dma_wait3A_339 = tpu.memref_squeeze %dma_wait3A_338 : memref<1x128x64xf32, #tpu.memory_space<vmem>> -> memref<128x64xf32, #tpu.memory_space<vmem>>
    %dma_wait3A_340 = arith.constant 0 : i32
    %dma_wait3A_341 = tpu.memref_slice %arg5[%dma_wait3A_334, %dma_wait3A_340] : memref<20x128xi32, #tpu.memory_space<vmem>> -> memref<1x128xi32, #tpu.memory_space<vmem>>
    %dma_wait3A_342 = tpu.memref_squeeze %dma_wait3A_341 : memref<1x128xi32, #tpu.memory_space<vmem>> -> memref<128xi32, #tpu.memory_space<vmem>>
    %dma_wait3A_343 = arith.constant 0 : i32
    %dma_wait3A_344 = arith.constant 0 : i32
    %dma_wait3A_345 = tpu.memref_slice %arg2[%dma_wait3A_343, %dma_wait3A_344] : memref<200704x64xf32, #tpu.memory_space<hbm>> -> memref<200704x64xf32, #tpu.memory_space<hbm>>
    tpu.wait_indirect_dma semaphore(%arg8 : memref<!tpu.dma_semaphore, #tpu.memory_space<semaphore_mem>>) src(%dma_wait3A_345 : memref<200704x64xf32, #tpu.memory_space<hbm>>) dst(%dma_wait3A_339 : memref<128x64xf32, #tpu.memory_space<vmem>>)
    %add3A_346 = arith.constant 384 : i32
    %add3A_347 = arith.addi %mul3A_2, %add3A_346 : i32
    %rem3A_348 = arith.constant 16384 : i32
    %rem3A_349 = arith.remsi %add3A_347, %rem3A_348 : i32
    %jit3A_350 = arith.constant 8192 : i32
    %div3A_351 = arith.divsi %rem3A_349, %jit3A_350 : i32
    %sign3A_352 = arith.constant 0 : i32
    %sign3A_353 = arith.cmpi sgt, %rem3A_349, %sign3A_352 : i32
    %sign3A_354 = arith.extui %sign3A_353 : i1 to i32
    %sign3A_355 = arith.constant 0 : i32
    %sign3A_356 = arith.cmpi slt, %rem3A_349, %sign3A_355 : i32
    %sign3A_357 = arith.extui %sign3A_356 : i1 to i32
    %sign3A_358 = arith.subi %sign3A_354, %sign3A_357 : i32
    %sign3A_359 = arith.constant 0 : i32
    %sign3A_360 = arith.cmpi sgt, %jit3A_350, %sign3A_359 : i32
    %sign3A_361 = arith.extui %sign3A_360 : i1 to i32
    %sign3A_362 = arith.constant 0 : i32
    %sign3A_363 = arith.cmpi slt, %jit3A_350, %sign3A_362 : i32
    %sign3A_364 = arith.extui %sign3A_363 : i1 to i32
    %sign3A_365 = arith.subi %sign3A_361, %sign3A_364 : i32
    %ne3A_366 = arith.cmpi ne, %sign3A_358, %sign3A_365 : i32
    %rem3A_367 = arith.remsi %rem3A_349, %jit3A_350 : i32
    %ne3A_368 = arith.constant 0 : i32
    %ne3A_369 = arith.cmpi ne, %rem3A_367, %ne3A_368 : i32
    %and3A_370 = arith.andi %ne3A_366, %ne3A_369 : i1
    %sub3A_371 = arith.constant 1 : i32
    %sub3A_372 = arith.subi %div3A_351, %sub3A_371 : i32
    %select_n3A_373 = arith.select %and3A_370, %sub3A_372, %div3A_351 : i32
    %jit3A_374 = arith.constant 16384 : i32
    %div3A_375 = arith.divsi %add3A_347, %jit3A_374 : i32
    %sign3A_376 = arith.constant 0 : i32
    %sign3A_377 = arith.cmpi sgt, %add3A_347, %sign3A_376 : i32
    %sign3A_378 = arith.extui %sign3A_377 : i1 to i32
    %sign3A_379 = arith.constant 0 : i32
    %sign3A_380 = arith.cmpi slt, %add3A_347, %sign3A_379 : i32
    %sign3A_381 = arith.extui %sign3A_380 : i1 to i32
    %sign3A_382 = arith.subi %sign3A_378, %sign3A_381 : i32
    %sign3A_383 = arith.constant 0 : i32
    %sign3A_384 = arith.cmpi sgt, %jit3A_374, %sign3A_383 : i32
    %sign3A_385 = arith.extui %sign3A_384 : i1 to i32
    %sign3A_386 = arith.constant 0 : i32
    %sign3A_387 = arith.cmpi slt, %jit3A_374, %sign3A_386 : i32
    %sign3A_388 = arith.extui %sign3A_387 : i1 to i32
    %sign3A_389 = arith.subi %sign3A_385, %sign3A_388 : i32
    %ne3A_390 = arith.cmpi ne, %sign3A_382, %sign3A_389 : i32
    %rem3A_391 = arith.remsi %add3A_347, %jit3A_374 : i32
    %ne3A_392 = arith.constant 0 : i32
    %ne3A_393 = arith.cmpi ne, %rem3A_391, %ne3A_392 : i32
    %and3A_394 = arith.andi %ne3A_390, %ne3A_393 : i1
    %sub3A_395 = arith.constant 1 : i32
    %sub3A_396 = arith.subi %div3A_375, %sub3A_395 : i32
    %select_n3A_397 = arith.select %and3A_394, %sub3A_396, %div3A_375 : i32
    %mul3A_398 = arith.constant 8192 : i32
    %mul3A_399 = arith.muli %select_n3A_397, %mul3A_398 : i32
    %rem3A_400 = arith.constant 8192 : i32
    %rem3A_401 = arith.remsi %rem3A_349, %rem3A_400 : i32
    %add3A_402 = arith.addi %mul3A_399, %rem3A_401 : i32
    %multiple_of3A_403 = tpu.assume_multiple %add3A_402, 128 : i32
    %mul3A_404 = arith.constant 64 : i32
    %mul3A_405 = arith.muli %select_n3A_373, %mul3A_404 : i32
    %dma_start3A_406 = arith.constant 1 : i32
    %dma_start3A_407 = arith.constant 0 : i32
    %dma_start3A_408 = arith.constant 0 : i32
    %dma_start3A_409 = tpu.memref_slice %arg6[%dma_start3A_406, %dma_start3A_407, %dma_start3A_408] : memref<2x128x64xf32, #tpu.memory_space<vmem>> -> memref<1x128x64xf32, #tpu.memory_space<vmem>>
    %dma_start3A_410 = tpu.memref_squeeze %dma_start3A_409 : memref<1x128x64xf32, #tpu.memory_space<vmem>> -> memref<128x64xf32, #tpu.memory_space<vmem>>
    %dma_start3A_411 = tpu.memref_slice %arg4[%multiple_of3A_403, %mul3A_405] : memref<40960x128xf32, #tpu.memory_space<hbm>> -> memref<128x64xf32, #tpu.memory_space<hbm>>
    %dma_start3A_412 = tpu.memref_slice %arg4[%multiple_of3A_403, %mul3A_405] : memref<40960x128xf32, #tpu.memory_space<hbm>> -> memref<128x64xf32, #tpu.memory_space<hbm>>
    %dma_start3A_413 = arith.constant 0 : i32
    %dma_start3A_414 = arith.constant 0 : i32
    %dma_start3A_415 = tpu.memref_slice %arg6[%dma_start3A_406, %dma_start3A_413, %dma_start3A_414] : memref<2x128x64xf32, #tpu.memory_space<vmem>> -> memref<1x128x64xf32, #tpu.memory_space<vmem>>
    %dma_start3A_416 = tpu.memref_squeeze %dma_start3A_415 : memref<1x128x64xf32, #tpu.memory_space<vmem>> -> memref<128x64xf32, #tpu.memory_space<vmem>>
    tpu.enqueue_dma source(%dma_start3A_416 : memref<128x64xf32, #tpu.memory_space<vmem>>) target(%dma_start3A_412 : memref<128x64xf32, #tpu.memory_space<hbm>>) target_semaphore(%arg10 : memref<!tpu.dma_semaphore, #tpu.memory_space<semaphore_mem>>)
    %dma_wait3A_417 = arith.constant 1 : i32
    %dma_wait3A_418 = arith.constant 0 : i32
    %dma_wait3A_419 = arith.constant 0 : i32
    %dma_wait3A_420 = tpu.memref_slice %arg6[%dma_wait3A_417, %dma_wait3A_418, %dma_wait3A_419] : memref<2x128x64xf32, #tpu.memory_space<vmem>> -> memref<1x128x64xf32, #tpu.memory_space<vmem>>
    %dma_wait3A_421 = tpu.memref_squeeze %dma_wait3A_420 : memref<1x128x64xf32, #tpu.memory_space<vmem>> -> memref<128x64xf32, #tpu.memory_space<vmem>>
    %dma_wait3A_422 = tpu.memref_slice %arg4[%multiple_of3A_403, %mul3A_405] : memref<40960x128xf32, #tpu.memory_space<hbm>> -> memref<128x64xf32, #tpu.memory_space<hbm>>
    %dma_wait3A_423 = tpu.memref_slice %arg4[%multiple_of3A_403, %mul3A_405] : memref<40960x128xf32, #tpu.memory_space<hbm>> -> memref<128x64xf32, #tpu.memory_space<hbm>>
    %dma_wait3A_424 = arith.constant 0 : i32
    %dma_wait3A_425 = arith.constant 0 : i32
    %dma_wait3A_426 = tpu.memref_slice %arg6[%dma_wait3A_417, %dma_wait3A_424, %dma_wait3A_425] : memref<2x128x64xf32, #tpu.memory_space<vmem>> -> memref<1x128x64xf32, #tpu.memory_space<vmem>>
    %dma_wait3A_427 = tpu.memref_squeeze %dma_wait3A_426 : memref<1x128x64xf32, #tpu.memory_space<vmem>> -> memref<128x64xf32, #tpu.memory_space<vmem>>
    tpu.wait_dma2 semaphore(%arg10 : memref<!tpu.dma_semaphore, #tpu.memory_space<semaphore_mem>>) src(%dma_wait3A_427 : memref<128x64xf32, #tpu.memory_space<vmem>>) dst(%dma_wait3A_423 : memref<128x64xf32, #tpu.memory_space<hbm>>)
    %dma_start3A_428 = arith.constant 5 : i32
    %dma_start3A_429 = arith.constant 1 : i32
    %dma_start3A_430 = arith.constant 0 : i32
    %dma_start3A_431 = arith.constant 0 : i32
    %dma_start3A_432 = tpu.memref_slice %arg6[%dma_start3A_429, %dma_start3A_430, %dma_start3A_431] : memref<2x128x64xf32, #tpu.memory_space<vmem>> -> memref<1x128x64xf32, #tpu.memory_space<vmem>>
    %dma_start3A_433 = tpu.memref_squeeze %dma_start3A_432 : memref<1x128x64xf32, #tpu.memory_space<vmem>> -> memref<128x64xf32, #tpu.memory_space<vmem>>
    %dma_start3A_434 = arith.constant 0 : i32
    %dma_start3A_435 = tpu.memref_slice %arg5[%dma_start3A_428, %dma_start3A_434] : memref<20x128xi32, #tpu.memory_space<vmem>> -> memref<1x128xi32, #tpu.memory_space<vmem>>
    %dma_start3A_436 = tpu.memref_squeeze %dma_start3A_435 : memref<1x128xi32, #tpu.memory_space<vmem>> -> memref<128xi32, #tpu.memory_space<vmem>>
    %dma_start3A_437 = arith.constant 0 : i32
    %dma_start3A_438 = arith.constant 0 : i32
    %dma_start3A_439 = tpu.memref_slice %arg2[%dma_start3A_437, %dma_start3A_438] : memref<200704x64xf32, #tpu.memory_space<hbm>> -> memref<200704x64xf32, #tpu.memory_space<hbm>>
    tpu.enqueue_indirect_dma source(%dma_start3A_439 : memref<200704x64xf32, #tpu.memory_space<hbm>>) target(%dma_start3A_433 : memref<128x64xf32, #tpu.memory_space<vmem>>) offsets(%dma_start3A_436 : memref<128xi32, #tpu.memory_space<vmem>>) semaphore(%arg8 : memref<!tpu.dma_semaphore, #tpu.memory_space<semaphore_mem>>)
    %dma_wait3A_440 = arith.constant 4 : i32
    %dma_wait3A_441 = arith.constant 0 : i32
    %dma_wait3A_442 = arith.constant 0 : i32
    %dma_wait3A_443 = arith.constant 0 : i32
    %dma_wait3A_444 = tpu.memref_slice %arg6[%dma_wait3A_441, %dma_wait3A_442, %dma_wait3A_443] : memref<2x128x64xf32, #tpu.memory_space<vmem>> -> memref<1x128x64xf32, #tpu.memory_space<vmem>>
    %dma_wait3A_445 = tpu.memref_squeeze %dma_wait3A_444 : memref<1x128x64xf32, #tpu.memory_space<vmem>> -> memref<128x64xf32, #tpu.memory_space<vmem>>
    %dma_wait3A_446 = arith.constant 0 : i32
    %dma_wait3A_447 = tpu.memref_slice %arg5[%dma_wait3A_440, %dma_wait3A_446] : memref<20x128xi32, #tpu.memory_space<vmem>> -> memref<1x128xi32, #tpu.memory_space<vmem>>
    %dma_wait3A_448 = tpu.memref_squeeze %dma_wait3A_447 : memref<1x128xi32, #tpu.memory_space<vmem>> -> memref<128xi32, #tpu.memory_space<vmem>>
    %dma_wait3A_449 = arith.constant 0 : i32
    %dma_wait3A_450 = arith.constant 0 : i32
    %dma_wait3A_451 = tpu.memref_slice %arg2[%dma_wait3A_449, %dma_wait3A_450] : memref<200704x64xf32, #tpu.memory_space<hbm>> -> memref<200704x64xf32, #tpu.memory_space<hbm>>
    tpu.wait_indirect_dma semaphore(%arg7 : memref<!tpu.dma_semaphore, #tpu.memory_space<semaphore_mem>>) src(%dma_wait3A_451 : memref<200704x64xf32, #tpu.memory_space<hbm>>) dst(%dma_wait3A_445 : memref<128x64xf32, #tpu.memory_space<vmem>>)
    %add3A_452 = arith.constant 512 : i32
    %add3A_453 = arith.addi %mul3A_2, %add3A_452 : i32
    %rem3A_454 = arith.constant 16384 : i32
    %rem3A_455 = arith.remsi %add3A_453, %rem3A_454 : i32
    %jit3A_456 = arith.constant 8192 : i32
    %div3A_457 = arith.divsi %rem3A_455, %jit3A_456 : i32
    %sign3A_458 = arith.constant 0 : i32
    %sign3A_459 = arith.cmpi sgt, %rem3A_455, %sign3A_458 : i32
    %sign3A_460 = arith.extui %sign3A_459 : i1 to i32
    %sign3A_461 = arith.constant 0 : i32
    %sign3A_462 = arith.cmpi slt, %rem3A_455, %sign3A_461 : i32
    %sign3A_463 = arith.extui %sign3A_462 : i1 to i32
    %sign3A_464 = arith.subi %sign3A_460, %sign3A_463 : i32
    %sign3A_465 = arith.constant 0 : i32
    %sign3A_466 = arith.cmpi sgt, %jit3A_456, %sign3A_465 : i32
    %sign3A_467 = arith.extui %sign3A_466 : i1 to i32
    %sign3A_468 = arith.constant 0 : i32
    %sign3A_469 = arith.cmpi slt, %jit3A_456, %sign3A_468 : i32
    %sign3A_470 = arith.extui %sign3A_469 : i1 to i32
    %sign3A_471 = arith.subi %sign3A_467, %sign3A_470 : i32
    %ne3A_472 = arith.cmpi ne, %sign3A_464, %sign3A_471 : i32
    %rem3A_473 = arith.remsi %rem3A_455, %jit3A_456 : i32
    %ne3A_474 = arith.constant 0 : i32
    %ne3A_475 = arith.cmpi ne, %rem3A_473, %ne3A_474 : i32
    %and3A_476 = arith.andi %ne3A_472, %ne3A_475 : i1
    %sub3A_477 = arith.constant 1 : i32
    %sub3A_478 = arith.subi %div3A_457, %sub3A_477 : i32
    %select_n3A_479 = arith.select %and3A_476, %sub3A_478, %div3A_457 : i32
    %jit3A_480 = arith.constant 16384 : i32
    %div3A_481 = arith.divsi %add3A_453, %jit3A_480 : i32
    %sign3A_482 = arith.constant 0 : i32
    %sign3A_483 = arith.cmpi sgt, %add3A_453, %sign3A_482 : i32
    %sign3A_484 = arith.extui %sign3A_483 : i1 to i32
    %sign3A_485 = arith.constant 0 : i32
    %sign3A_486 = arith.cmpi slt, %add3A_453, %sign3A_485 : i32
    %sign3A_487 = arith.extui %sign3A_486 : i1 to i32
    %sign3A_488 = arith.subi %sign3A_484, %sign3A_487 : i32
    %sign3A_489 = arith.constant 0 : i32
    %sign3A_490 = arith.cmpi sgt, %jit3A_480, %sign3A_489 : i32
    %sign3A_491 = arith.extui %sign3A_490 : i1 to i32
    %sign3A_492 = arith.constant 0 : i32
    %sign3A_493 = arith.cmpi slt, %jit3A_480, %sign3A_492 : i32
    %sign3A_494 = arith.extui %sign3A_493 : i1 to i32
    %sign3A_495 = arith.subi %sign3A_491, %sign3A_494 : i32
    %ne3A_496 = arith.cmpi ne, %sign3A_488, %sign3A_495 : i32
    %rem3A_497 = arith.remsi %add3A_453, %jit3A_480 : i32
    %ne3A_498 = arith.constant 0 : i32
    %ne3A_499 = arith.cmpi ne, %rem3A_497, %ne3A_498 : i32
    %and3A_500 = arith.andi %ne3A_496, %ne3A_499 : i1
    %sub3A_501 = arith.constant 1 : i32
    %sub3A_502 = arith.subi %div3A_481, %sub3A_501 : i32
    %select_n3A_503 = arith.select %and3A_500, %sub3A_502, %div3A_481 : i32
    %mul3A_504 = arith.constant 8192 : i32
    %mul3A_505 = arith.muli %select_n3A_503, %mul3A_504 : i32
    %rem3A_506 = arith.constant 8192 : i32
    %rem3A_507 = arith.remsi %rem3A_455, %rem3A_506 : i32
    %add3A_508 = arith.addi %mul3A_505, %rem3A_507 : i32
    %multiple_of3A_509 = tpu.assume_multiple %add3A_508, 128 : i32
    %mul3A_510 = arith.constant 64 : i32
    %mul3A_511 = arith.muli %select_n3A_479, %mul3A_510 : i32
    %dma_start3A_512 = arith.constant 0 : i32
    %dma_start3A_513 = arith.constant 0 : i32
    %dma_start3A_514 = arith.constant 0 : i32
    %dma_start3A_515 = tpu.memref_slice %arg6[%dma_start3A_512, %dma_start3A_513, %dma_start3A_514] : memref<2x128x64xf32, #tpu.memory_space<vmem>> -> memref<1x128x64xf32, #tpu.memory_space<vmem>>
    %dma_start3A_516 = tpu.memref_squeeze %dma_start3A_515 : memref<1x128x64xf32, #tpu.memory_space<vmem>> -> memref<128x64xf32, #tpu.memory_space<vmem>>
    %dma_start3A_517 = tpu.memref_slice %arg4[%multiple_of3A_509, %mul3A_511] : memref<40960x128xf32, #tpu.memory_space<hbm>> -> memref<128x64xf32, #tpu.memory_space<hbm>>
    %dma_start3A_518 = tpu.memref_slice %arg4[%multiple_of3A_509, %mul3A_511] : memref<40960x128xf32, #tpu.memory_space<hbm>> -> memref<128x64xf32, #tpu.memory_space<hbm>>
    %dma_start3A_519 = arith.constant 0 : i32
    %dma_start3A_520 = arith.constant 0 : i32
    %dma_start3A_521 = tpu.memref_slice %arg6[%dma_start3A_512, %dma_start3A_519, %dma_start3A_520] : memref<2x128x64xf32, #tpu.memory_space<vmem>> -> memref<1x128x64xf32, #tpu.memory_space<vmem>>
    %dma_start3A_522 = tpu.memref_squeeze %dma_start3A_521 : memref<1x128x64xf32, #tpu.memory_space<vmem>> -> memref<128x64xf32, #tpu.memory_space<vmem>>
    tpu.enqueue_dma source(%dma_start3A_522 : memref<128x64xf32, #tpu.memory_space<vmem>>) target(%dma_start3A_518 : memref<128x64xf32, #tpu.memory_space<hbm>>) target_semaphore(%arg9 : memref<!tpu.dma_semaphore, #tpu.memory_space<semaphore_mem>>)
    %dma_wait3A_523 = arith.constant 0 : i32
    %dma_wait3A_524 = arith.constant 0 : i32
    %dma_wait3A_525 = arith.constant 0 : i32
    %dma_wait3A_526 = tpu.memref_slice %arg6[%dma_wait3A_523, %dma_wait3A_524, %dma_wait3A_525] : memref<2x128x64xf32, #tpu.memory_space<vmem>> -> memref<1x128x64xf32, #tpu.memory_space<vmem>>
    %dma_wait3A_527 = tpu.memref_squeeze %dma_wait3A_526 : memref<1x128x64xf32, #tpu.memory_space<vmem>> -> memref<128x64xf32, #tpu.memory_space<vmem>>
    %dma_wait3A_528 = tpu.memref_slice %arg4[%multiple_of3A_509, %mul3A_511] : memref<40960x128xf32, #tpu.memory_space<hbm>> -> memref<128x64xf32, #tpu.memory_space<hbm>>
    %dma_wait3A_529 = tpu.memref_slice %arg4[%multiple_of3A_509, %mul3A_511] : memref<40960x128xf32, #tpu.memory_space<hbm>> -> memref<128x64xf32, #tpu.memory_space<hbm>>
    %dma_wait3A_530 = arith.constant 0 : i32
    %dma_wait3A_531 = arith.constant 0 : i32
    %dma_wait3A_532 = tpu.memref_slice %arg6[%dma_wait3A_523, %dma_wait3A_530, %dma_wait3A_531] : memref<2x128x64xf32, #tpu.memory_space<vmem>> -> memref<1x128x64xf32, #tpu.memory_space<vmem>>
    %dma_wait3A_533 = tpu.memref_squeeze %dma_wait3A_532 : memref<1x128x64xf32, #tpu.memory_space<vmem>> -> memref<128x64xf32, #tpu.memory_space<vmem>>
    tpu.wait_dma2 semaphore(%arg9 : memref<!tpu.dma_semaphore, #tpu.memory_space<semaphore_mem>>) src(%dma_wait3A_533 : memref<128x64xf32, #tpu.memory_space<vmem>>) dst(%dma_wait3A_529 : memref<128x64xf32, #tpu.memory_space<hbm>>)
    %dma_start3A_534 = arith.constant 6 : i32
    %dma_start3A_535 = arith.constant 0 : i32
    %dma_start3A_536 = arith.constant 0 : i32
    %dma_start3A_537 = arith.constant 0 : i32
    %dma_start3A_538 = tpu.memref_slice %arg6[%dma_start3A_535, %dma_start3A_536, %dma_start3A_537] : memref<2x128x64xf32, #tpu.memory_space<vmem>> -> memref<1x128x64xf32, #tpu.memory_space<vmem>>
    %dma_start3A_539 = tpu.memref_squeeze %dma_start3A_538 : memref<1x128x64xf32, #tpu.memory_space<vmem>> -> memref<128x64xf32, #tpu.memory_space<vmem>>
    %dma_start3A_540 = arith.constant 0 : i32
    %dma_start3A_541 = tpu.memref_slice %arg5[%dma_start3A_534, %dma_start3A_540] : memref<20x128xi32, #tpu.memory_space<vmem>> -> memref<1x128xi32, #tpu.memory_space<vmem>>
    %dma_start3A_542 = tpu.memref_squeeze %dma_start3A_541 : memref<1x128xi32, #tpu.memory_space<vmem>> -> memref<128xi32, #tpu.memory_space<vmem>>
    %dma_start3A_543 = arith.constant 0 : i32
    %dma_start3A_544 = arith.constant 0 : i32
    %dma_start3A_545 = tpu.memref_slice %arg2[%dma_start3A_543, %dma_start3A_544] : memref<200704x64xf32, #tpu.memory_space<hbm>> -> memref<200704x64xf32, #tpu.memory_space<hbm>>
    tpu.enqueue_indirect_dma source(%dma_start3A_545 : memref<200704x64xf32, #tpu.memory_space<hbm>>) target(%dma_start3A_539 : memref<128x64xf32, #tpu.memory_space<vmem>>) offsets(%dma_start3A_542 : memref<128xi32, #tpu.memory_space<vmem>>) semaphore(%arg7 : memref<!tpu.dma_semaphore, #tpu.memory_space<semaphore_mem>>)
    %dma_wait3A_546 = arith.constant 5 : i32
    %dma_wait3A_547 = arith.constant 1 : i32
    %dma_wait3A_548 = arith.constant 0 : i32
    %dma_wait3A_549 = arith.constant 0 : i32
    %dma_wait3A_550 = tpu.memref_slice %arg6[%dma_wait3A_547, %dma_wait3A_548, %dma_wait3A_549] : memref<2x128x64xf32, #tpu.memory_space<vmem>> -> memref<1x128x64xf32, #tpu.memory_space<vmem>>
    %dma_wait3A_551 = tpu.memref_squeeze %dma_wait3A_550 : memref<1x128x64xf32, #tpu.memory_space<vmem>> -> memref<128x64xf32, #tpu.memory_space<vmem>>
    %dma_wait3A_552 = arith.constant 0 : i32
    %dma_wait3A_553 = tpu.memref_slice %arg5[%dma_wait3A_546, %dma_wait3A_552] : memref<20x128xi32, #tpu.memory_space<vmem>> -> memref<1x128xi32, #tpu.memory_space<vmem>>
    %dma_wait3A_554 = tpu.memref_squeeze %dma_wait3A_553 : memref<1x128xi32, #tpu.memory_space<vmem>> -> memref<128xi32, #tpu.memory_space<vmem>>
    %dma_wait3A_555 = arith.constant 0 : i32
    %dma_wait3A_556 = arith.constant 0 : i32
    %dma_wait3A_557 = tpu.memref_slice %arg2[%dma_wait3A_555, %dma_wait3A_556] : memref<200704x64xf32, #tpu.memory_space<hbm>> -> memref<200704x64xf32, #tpu.memory_space<hbm>>
    tpu.wait_indirect_dma semaphore(%arg8 : memref<!tpu.dma_semaphore, #tpu.memory_space<semaphore_mem>>) src(%dma_wait3A_557 : memref<200704x64xf32, #tpu.memory_space<hbm>>) dst(%dma_wait3A_551 : memref<128x64xf32, #tpu.memory_space<vmem>>)
    %add3A_558 = arith.constant 640 : i32
    %add3A_559 = arith.addi %mul3A_2, %add3A_558 : i32
    %rem3A_560 = arith.constant 16384 : i32
    %rem3A_561 = arith.remsi %add3A_559, %rem3A_560 : i32
    %jit3A_562 = arith.constant 8192 : i32
    %div3A_563 = arith.divsi %rem3A_561, %jit3A_562 : i32
    %sign3A_564 = arith.constant 0 : i32
    %sign3A_565 = arith.cmpi sgt, %rem3A_561, %sign3A_564 : i32
    %sign3A_566 = arith.extui %sign3A_565 : i1 to i32
    %sign3A_567 = arith.constant 0 : i32
    %sign3A_568 = arith.cmpi slt, %rem3A_561, %sign3A_567 : i32
    %sign3A_569 = arith.extui %sign3A_568 : i1 to i32
    %sign3A_570 = arith.subi %sign3A_566, %sign3A_569 : i32
    %sign3A_571 = arith.constant 0 : i32
    %sign3A_572 = arith.cmpi sgt, %jit3A_562, %sign3A_571 : i32
    %sign3A_573 = arith.extui %sign3A_572 : i1 to i32
    %sign3A_574 = arith.constant 0 : i32
    %sign3A_575 = arith.cmpi slt, %jit3A_562, %sign3A_574 : i32
    %sign3A_576 = arith.extui %sign3A_575 : i1 to i32
    %sign3A_577 = arith.subi %sign3A_573, %sign3A_576 : i32
    %ne3A_578 = arith.cmpi ne, %sign3A_570, %sign3A_577 : i32
    %rem3A_579 = arith.remsi %rem3A_561, %jit3A_562 : i32
    %ne3A_580 = arith.constant 0 : i32
    %ne3A_581 = arith.cmpi ne, %rem3A_579, %ne3A_580 : i32
    %and3A_582 = arith.andi %ne3A_578, %ne3A_581 : i1
    %sub3A_583 = arith.constant 1 : i32
    %sub3A_584 = arith.subi %div3A_563, %sub3A_583 : i32
    %select_n3A_585 = arith.select %and3A_582, %sub3A_584, %div3A_563 : i32
    %jit3A_586 = arith.constant 16384 : i32
    %div3A_587 = arith.divsi %add3A_559, %jit3A_586 : i32
    %sign3A_588 = arith.constant 0 : i32
    %sign3A_589 = arith.cmpi sgt, %add3A_559, %sign3A_588 : i32
    %sign3A_590 = arith.extui %sign3A_589 : i1 to i32
    %sign3A_591 = arith.constant 0 : i32
    %sign3A_592 = arith.cmpi slt, %add3A_559, %sign3A_591 : i32
    %sign3A_593 = arith.extui %sign3A_592 : i1 to i32
    %sign3A_594 = arith.subi %sign3A_590, %sign3A_593 : i32
    %sign3A_595 = arith.constant 0 : i32
    %sign3A_596 = arith.cmpi sgt, %jit3A_586, %sign3A_595 : i32
    %sign3A_597 = arith.extui %sign3A_596 : i1 to i32
    %sign3A_598 = arith.constant 0 : i32
    %sign3A_599 = arith.cmpi slt, %jit3A_586, %sign3A_598 : i32
    %sign3A_600 = arith.extui %sign3A_599 : i1 to i32
    %sign3A_601 = arith.subi %sign3A_597, %sign3A_600 : i32
    %ne3A_602 = arith.cmpi ne, %sign3A_594, %sign3A_601 : i32
    %rem3A_603 = arith.remsi %add3A_559, %jit3A_586 : i32
    %ne3A_604 = arith.constant 0 : i32
    %ne3A_605 = arith.cmpi ne, %rem3A_603, %ne3A_604 : i32
    %and3A_606 = arith.andi %ne3A_602, %ne3A_605 : i1
    %sub3A_607 = arith.constant 1 : i32
    %sub3A_608 = arith.subi %div3A_587, %sub3A_607 : i32
    %select_n3A_609 = arith.select %and3A_606, %sub3A_608, %div3A_587 : i32
    %mul3A_610 = arith.constant 8192 : i32
    %mul3A_611 = arith.muli %select_n3A_609, %mul3A_610 : i32
    %rem3A_612 = arith.constant 8192 : i32
    %rem3A_613 = arith.remsi %rem3A_561, %rem3A_612 : i32
    %add3A_614 = arith.addi %mul3A_611, %rem3A_613 : i32
    %multiple_of3A_615 = tpu.assume_multiple %add3A_614, 128 : i32
    %mul3A_616 = arith.constant 64 : i32
    %mul3A_617 = arith.muli %select_n3A_585, %mul3A_616 : i32
    %dma_start3A_618 = arith.constant 1 : i32
    %dma_start3A_619 = arith.constant 0 : i32
    %dma_start3A_620 = arith.constant 0 : i32
    %dma_start3A_621 = tpu.memref_slice %arg6[%dma_start3A_618, %dma_start3A_619, %dma_start3A_620] : memref<2x128x64xf32, #tpu.memory_space<vmem>> -> memref<1x128x64xf32, #tpu.memory_space<vmem>>
    %dma_start3A_622 = tpu.memref_squeeze %dma_start3A_621 : memref<1x128x64xf32, #tpu.memory_space<vmem>> -> memref<128x64xf32, #tpu.memory_space<vmem>>
    %dma_start3A_623 = tpu.memref_slice %arg4[%multiple_of3A_615, %mul3A_617] : memref<40960x128xf32, #tpu.memory_space<hbm>> -> memref<128x64xf32, #tpu.memory_space<hbm>>
    %dma_start3A_624 = tpu.memref_slice %arg4[%multiple_of3A_615, %mul3A_617] : memref<40960x128xf32, #tpu.memory_space<hbm>> -> memref<128x64xf32, #tpu.memory_space<hbm>>
    %dma_start3A_625 = arith.constant 0 : i32
    %dma_start3A_626 = arith.constant 0 : i32
    %dma_start3A_627 = tpu.memref_slice %arg6[%dma_start3A_618, %dma_start3A_625, %dma_start3A_626] : memref<2x128x64xf32, #tpu.memory_space<vmem>> -> memref<1x128x64xf32, #tpu.memory_space<vmem>>
    %dma_start3A_628 = tpu.memref_squeeze %dma_start3A_627 : memref<1x128x64xf32, #tpu.memory_space<vmem>> -> memref<128x64xf32, #tpu.memory_space<vmem>>
    tpu.enqueue_dma source(%dma_start3A_628 : memref<128x64xf32, #tpu.memory_space<vmem>>) target(%dma_start3A_624 : memref<128x64xf32, #tpu.memory_space<hbm>>) target_semaphore(%arg10 : memref<!tpu.dma_semaphore, #tpu.memory_space<semaphore_mem>>)
    %dma_wait3A_629 = arith.constant 1 : i32
    %dma_wait3A_630 = arith.constant 0 : i32
    %dma_wait3A_631 = arith.constant 0 : i32
    %dma_wait3A_632 = tpu.memref_slice %arg6[%dma_wait3A_629, %dma_wait3A_630, %dma_wait3A_631] : memref<2x128x64xf32, #tpu.memory_space<vmem>> -> memref<1x128x64xf32, #tpu.memory_space<vmem>>
    %dma_wait3A_633 = tpu.memref_squeeze %dma_wait3A_632 : memref<1x128x64xf32, #tpu.memory_space<vmem>> -> memref<128x64xf32, #tpu.memory_space<vmem>>
    %dma_wait3A_634 = tpu.memref_slice %arg4[%multiple_of3A_615, %mul3A_617] : memref<40960x128xf32, #tpu.memory_space<hbm>> -> memref<128x64xf32, #tpu.memory_space<hbm>>
    %dma_wait3A_635 = tpu.memref_slice %arg4[%multiple_of3A_615, %mul3A_617] : memref<40960x128xf32, #tpu.memory_space<hbm>> -> memref<128x64xf32, #tpu.memory_space<hbm>>
    %dma_wait3A_636 = arith.constant 0 : i32
    %dma_wait3A_637 = arith.constant 0 : i32
    %dma_wait3A_638 = tpu.memref_slice %arg6[%dma_wait3A_629, %dma_wait3A_636, %dma_wait3A_637] : memref<2x128x64xf32, #tpu.memory_space<vmem>> -> memref<1x128x64xf32, #tpu.memory_space<vmem>>
    %dma_wait3A_639 = tpu.memref_squeeze %dma_wait3A_638 : memref<1x128x64xf32, #tpu.memory_space<vmem>> -> memref<128x64xf32, #tpu.memory_space<vmem>>
    tpu.wait_dma2 semaphore(%arg10 : memref<!tpu.dma_semaphore, #tpu.memory_space<semaphore_mem>>) src(%dma_wait3A_639 : memref<128x64xf32, #tpu.memory_space<vmem>>) dst(%dma_wait3A_635 : memref<128x64xf32, #tpu.memory_space<hbm>>)
    %dma_start3A_640 = arith.constant 7 : i32
    %dma_start3A_641 = arith.constant 1 : i32
    %dma_start3A_642 = arith.constant 0 : i32
    %dma_start3A_643 = arith.constant 0 : i32
    %dma_start3A_644 = tpu.memref_slice %arg6[%dma_start3A_641, %dma_start3A_642, %dma_start3A_643] : memref<2x128x64xf32, #tpu.memory_space<vmem>> -> memref<1x128x64xf32, #tpu.memory_space<vmem>>
    %dma_start3A_645 = tpu.memref_squeeze %dma_start3A_644 : memref<1x128x64xf32, #tpu.memory_space<vmem>> -> memref<128x64xf32, #tpu.memory_space<vmem>>
    %dma_start3A_646 = arith.constant 0 : i32
    %dma_start3A_647 = tpu.memref_slice %arg5[%dma_start3A_640, %dma_start3A_646] : memref<20x128xi32, #tpu.memory_space<vmem>> -> memref<1x128xi32, #tpu.memory_space<vmem>>
    %dma_start3A_648 = tpu.memref_squeeze %dma_start3A_647 : memref<1x128xi32, #tpu.memory_space<vmem>> -> memref<128xi32, #tpu.memory_space<vmem>>
    %dma_start3A_649 = arith.constant 0 : i32
    %dma_start3A_650 = arith.constant 0 : i32
    %dma_start3A_651 = tpu.memref_slice %arg2[%dma_start3A_649, %dma_start3A_650] : memref<200704x64xf32, #tpu.memory_space<hbm>> -> memref<200704x64xf32, #tpu.memory_space<hbm>>
    tpu.enqueue_indirect_dma source(%dma_start3A_651 : memref<200704x64xf32, #tpu.memory_space<hbm>>) target(%dma_start3A_645 : memref<128x64xf32, #tpu.memory_space<vmem>>) offsets(%dma_start3A_648 : memref<128xi32, #tpu.memory_space<vmem>>) semaphore(%arg8 : memref<!tpu.dma_semaphore, #tpu.memory_space<semaphore_mem>>)
    %dma_wait3A_652 = arith.constant 6 : i32
    %dma_wait3A_653 = arith.constant 0 : i32
    %dma_wait3A_654 = arith.constant 0 : i32
    %dma_wait3A_655 = arith.constant 0 : i32
    %dma_wait3A_656 = tpu.memref_slice %arg6[%dma_wait3A_653, %dma_wait3A_654, %dma_wait3A_655] : memref<2x128x64xf32, #tpu.memory_space<vmem>> -> memref<1x128x64xf32, #tpu.memory_space<vmem>>
    %dma_wait3A_657 = tpu.memref_squeeze %dma_wait3A_656 : memref<1x128x64xf32, #tpu.memory_space<vmem>> -> memref<128x64xf32, #tpu.memory_space<vmem>>
    %dma_wait3A_658 = arith.constant 0 : i32
    %dma_wait3A_659 = tpu.memref_slice %arg5[%dma_wait3A_652, %dma_wait3A_658] : memref<20x128xi32, #tpu.memory_space<vmem>> -> memref<1x128xi32, #tpu.memory_space<vmem>>
    %dma_wait3A_660 = tpu.memref_squeeze %dma_wait3A_659 : memref<1x128xi32, #tpu.memory_space<vmem>> -> memref<128xi32, #tpu.memory_space<vmem>>
    %dma_wait3A_661 = arith.constant 0 : i32
    %dma_wait3A_662 = arith.constant 0 : i32
    %dma_wait3A_663 = tpu.memref_slice %arg2[%dma_wait3A_661, %dma_wait3A_662] : memref<200704x64xf32, #tpu.memory_space<hbm>> -> memref<200704x64xf32, #tpu.memory_space<hbm>>
    tpu.wait_indirect_dma semaphore(%arg7 : memref<!tpu.dma_semaphore, #tpu.memory_space<semaphore_mem>>) src(%dma_wait3A_663 : memref<200704x64xf32, #tpu.memory_space<hbm>>) dst(%dma_wait3A_657 : memref<128x64xf32, #tpu.memory_space<vmem>>)
    %add3A_664 = arith.constant 768 : i32
    %add3A_665 = arith.addi %mul3A_2, %add3A_664 : i32
    %rem3A_666 = arith.constant 16384 : i32
    %rem3A_667 = arith.remsi %add3A_665, %rem3A_666 : i32
    %jit3A_668 = arith.constant 8192 : i32
    %div3A_669 = arith.divsi %rem3A_667, %jit3A_668 : i32
    %sign3A_670 = arith.constant 0 : i32
    %sign3A_671 = arith.cmpi sgt, %rem3A_667, %sign3A_670 : i32
    %sign3A_672 = arith.extui %sign3A_671 : i1 to i32
    %sign3A_673 = arith.constant 0 : i32
    %sign3A_674 = arith.cmpi slt, %rem3A_667, %sign3A_673 : i32
    %sign3A_675 = arith.extui %sign3A_674 : i1 to i32
    %sign3A_676 = arith.subi %sign3A_672, %sign3A_675 : i32
    %sign3A_677 = arith.constant 0 : i32
    %sign3A_678 = arith.cmpi sgt, %jit3A_668, %sign3A_677 : i32
    %sign3A_679 = arith.extui %sign3A_678 : i1 to i32
    %sign3A_680 = arith.constant 0 : i32
    %sign3A_681 = arith.cmpi slt, %jit3A_668, %sign3A_680 : i32
    %sign3A_682 = arith.extui %sign3A_681 : i1 to i32
    %sign3A_683 = arith.subi %sign3A_679, %sign3A_682 : i32
    %ne3A_684 = arith.cmpi ne, %sign3A_676, %sign3A_683 : i32
    %rem3A_685 = arith.remsi %rem3A_667, %jit3A_668 : i32
    %ne3A_686 = arith.constant 0 : i32
    %ne3A_687 = arith.cmpi ne, %rem3A_685, %ne3A_686 : i32
    %and3A_688 = arith.andi %ne3A_684, %ne3A_687 : i1
    %sub3A_689 = arith.constant 1 : i32
    %sub3A_690 = arith.subi %div3A_669, %sub3A_689 : i32
    %select_n3A_691 = arith.select %and3A_688, %sub3A_690, %div3A_669 : i32
    %jit3A_692 = arith.constant 16384 : i32
    %div3A_693 = arith.divsi %add3A_665, %jit3A_692 : i32
    %sign3A_694 = arith.constant 0 : i32
    %sign3A_695 = arith.cmpi sgt, %add3A_665, %sign3A_694 : i32
    %sign3A_696 = arith.extui %sign3A_695 : i1 to i32
    %sign3A_697 = arith.constant 0 : i32
    %sign3A_698 = arith.cmpi slt, %add3A_665, %sign3A_697 : i32
    %sign3A_699 = arith.extui %sign3A_698 : i1 to i32
    %sign3A_700 = arith.subi %sign3A_696, %sign3A_699 : i32
    %sign3A_701 = arith.constant 0 : i32
    %sign3A_702 = arith.cmpi sgt, %jit3A_692, %sign3A_701 : i32
    %sign3A_703 = arith.extui %sign3A_702 : i1 to i32
    %sign3A_704 = arith.constant 0 : i32
    %sign3A_705 = arith.cmpi slt, %jit3A_692, %sign3A_704 : i32
    %sign3A_706 = arith.extui %sign3A_705 : i1 to i32
    %sign3A_707 = arith.subi %sign3A_703, %sign3A_706 : i32
    %ne3A_708 = arith.cmpi ne, %sign3A_700, %sign3A_707 : i32
    %rem3A_709 = arith.remsi %add3A_665, %jit3A_692 : i32
    %ne3A_710 = arith.constant 0 : i32
    %ne3A_711 = arith.cmpi ne, %rem3A_709, %ne3A_710 : i32
    %and3A_712 = arith.andi %ne3A_708, %ne3A_711 : i1
    %sub3A_713 = arith.constant 1 : i32
    %sub3A_714 = arith.subi %div3A_693, %sub3A_713 : i32
    %select_n3A_715 = arith.select %and3A_712, %sub3A_714, %div3A_693 : i32
    %mul3A_716 = arith.constant 8192 : i32
    %mul3A_717 = arith.muli %select_n3A_715, %mul3A_716 : i32
    %rem3A_718 = arith.constant 8192 : i32
    %rem3A_719 = arith.remsi %rem3A_667, %rem3A_718 : i32
    %add3A_720 = arith.addi %mul3A_717, %rem3A_719 : i32
    %multiple_of3A_721 = tpu.assume_multiple %add3A_720, 128 : i32
    %mul3A_722 = arith.constant 64 : i32
    %mul3A_723 = arith.muli %select_n3A_691, %mul3A_722 : i32
    %dma_start3A_724 = arith.constant 0 : i32
    %dma_start3A_725 = arith.constant 0 : i32
    %dma_start3A_726 = arith.constant 0 : i32
    %dma_start3A_727 = tpu.memref_slice %arg6[%dma_start3A_724, %dma_start3A_725, %dma_start3A_726] : memref<2x128x64xf32, #tpu.memory_space<vmem>> -> memref<1x128x64xf32, #tpu.memory_space<vmem>>
    %dma_start3A_728 = tpu.memref_squeeze %dma_start3A_727 : memref<1x128x64xf32, #tpu.memory_space<vmem>> -> memref<128x64xf32, #tpu.memory_space<vmem>>
    %dma_start3A_729 = tpu.memref_slice %arg4[%multiple_of3A_721, %mul3A_723] : memref<40960x128xf32, #tpu.memory_space<hbm>> -> memref<128x64xf32, #tpu.memory_space<hbm>>
    %dma_start3A_730 = tpu.memref_slice %arg4[%multiple_of3A_721, %mul3A_723] : memref<40960x128xf32, #tpu.memory_space<hbm>> -> memref<128x64xf32, #tpu.memory_space<hbm>>
    %dma_start3A_731 = arith.constant 0 : i32
    %dma_start3A_732 = arith.constant 0 : i32
    %dma_start3A_733 = tpu.memref_slice %arg6[%dma_start3A_724, %dma_start3A_731, %dma_start3A_732] : memref<2x128x64xf32, #tpu.memory_space<vmem>> -> memref<1x128x64xf32, #tpu.memory_space<vmem>>
    %dma_start3A_734 = tpu.memref_squeeze %dma_start3A_733 : memref<1x128x64xf32, #tpu.memory_space<vmem>> -> memref<128x64xf32, #tpu.memory_space<vmem>>
    tpu.enqueue_dma source(%dma_start3A_734 : memref<128x64xf32, #tpu.memory_space<vmem>>) target(%dma_start3A_730 : memref<128x64xf32, #tpu.memory_space<hbm>>) target_semaphore(%arg9 : memref<!tpu.dma_semaphore, #tpu.memory_space<semaphore_mem>>)
    %dma_wait3A_735 = arith.constant 0 : i32
    %dma_wait3A_736 = arith.constant 0 : i32
    %dma_wait3A_737 = arith.constant 0 : i32
    %dma_wait3A_738 = tpu.memref_slice %arg6[%dma_wait3A_735, %dma_wait3A_736, %dma_wait3A_737] : memref<2x128x64xf32, #tpu.memory_space<vmem>> -> memref<1x128x64xf32, #tpu.memory_space<vmem>>
    %dma_wait3A_739 = tpu.memref_squeeze %dma_wait3A_738 : memref<1x128x64xf32, #tpu.memory_space<vmem>> -> memref<128x64xf32, #tpu.memory_space<vmem>>
    %dma_wait3A_740 = tpu.memref_slice %arg4[%multiple_of3A_721, %mul3A_723] : memref<40960x128xf32, #tpu.memory_space<hbm>> -> memref<128x64xf32, #tpu.memory_space<hbm>>
    %dma_wait3A_741 = tpu.memref_slice %arg4[%multiple_of3A_721, %mul3A_723] : memref<40960x128xf32, #tpu.memory_space<hbm>> -> memref<128x64xf32, #tpu.memory_space<hbm>>
    %dma_wait3A_742 = arith.constant 0 : i32
    %dma_wait3A_743 = arith.constant 0 : i32
    %dma_wait3A_744 = tpu.memref_slice %arg6[%dma_wait3A_735, %dma_wait3A_742, %dma_wait3A_743] : memref<2x128x64xf32, #tpu.memory_space<vmem>> -> memref<1x128x64xf32, #tpu.memory_space<vmem>>
    %dma_wait3A_745 = tpu.memref_squeeze %dma_wait3A_744 : memref<1x128x64xf32, #tpu.memory_space<vmem>> -> memref<128x64xf32, #tpu.memory_space<vmem>>
    tpu.wait_dma2 semaphore(%arg9 : memref<!tpu.dma_semaphore, #tpu.memory_space<semaphore_mem>>) src(%dma_wait3A_745 : memref<128x64xf32, #tpu.memory_space<vmem>>) dst(%dma_wait3A_741 : memref<128x64xf32, #tpu.memory_space<hbm>>)
    %dma_start3A_746 = arith.constant 8 : i32
    %dma_start3A_747 = arith.constant 0 : i32
    %dma_start3A_748 = arith.constant 0 : i32
    %dma_start3A_749 = arith.constant 0 : i32
    %dma_start3A_750 = tpu.memref_slice %arg6[%dma_start3A_747, %dma_start3A_748, %dma_start3A_749] : memref<2x128x64xf32, #tpu.memory_space<vmem>> -> memref<1x128x64xf32, #tpu.memory_space<vmem>>
    %dma_start3A_751 = tpu.memref_squeeze %dma_start3A_750 : memref<1x128x64xf32, #tpu.memory_space<vmem>> -> memref<128x64xf32, #tpu.memory_space<vmem>>
    %dma_start3A_752 = arith.constant 0 : i32
    %dma_start3A_753 = tpu.memref_slice %arg5[%dma_start3A_746, %dma_start3A_752] : memref<20x128xi32, #tpu.memory_space<vmem>> -> memref<1x128xi32, #tpu.memory_space<vmem>>
    %dma_start3A_754 = tpu.memref_squeeze %dma_start3A_753 : memref<1x128xi32, #tpu.memory_space<vmem>> -> memref<128xi32, #tpu.memory_space<vmem>>
    %dma_start3A_755 = arith.constant 0 : i32
    %dma_start3A_756 = arith.constant 0 : i32
    %dma_start3A_757 = tpu.memref_slice %arg2[%dma_start3A_755, %dma_start3A_756] : memref<200704x64xf32, #tpu.memory_space<hbm>> -> memref<200704x64xf32, #tpu.memory_space<hbm>>
    tpu.enqueue_indirect_dma source(%dma_start3A_757 : memref<200704x64xf32, #tpu.memory_space<hbm>>) target(%dma_start3A_751 : memref<128x64xf32, #tpu.memory_space<vmem>>) offsets(%dma_start3A_754 : memref<128xi32, #tpu.memory_space<vmem>>) semaphore(%arg7 : memref<!tpu.dma_semaphore, #tpu.memory_space<semaphore_mem>>)
    %dma_wait3A_758 = arith.constant 7 : i32
    %dma_wait3A_759 = arith.constant 1 : i32
    %dma_wait3A_760 = arith.constant 0 : i32
    %dma_wait3A_761 = arith.constant 0 : i32
    %dma_wait3A_762 = tpu.memref_slice %arg6[%dma_wait3A_759, %dma_wait3A_760, %dma_wait3A_761] : memref<2x128x64xf32, #tpu.memory_space<vmem>> -> memref<1x128x64xf32, #tpu.memory_space<vmem>>
    %dma_wait3A_763 = tpu.memref_squeeze %dma_wait3A_762 : memref<1x128x64xf32, #tpu.memory_space<vmem>> -> memref<128x64xf32, #tpu.memory_space<vmem>>
    %dma_wait3A_764 = arith.constant 0 : i32
    %dma_wait3A_765 = tpu.memref_slice %arg5[%dma_wait3A_758, %dma_wait3A_764] : memref<20x128xi32, #tpu.memory_space<vmem>> -> memref<1x128xi32, #tpu.memory_space<vmem>>
    %dma_wait3A_766 = tpu.memref_squeeze %dma_wait3A_765 : memref<1x128xi32, #tpu.memory_space<vmem>> -> memref<128xi32, #tpu.memory_space<vmem>>
    %dma_wait3A_767 = arith.constant 0 : i32
    %dma_wait3A_768 = arith.constant 0 : i32
    %dma_wait3A_769 = tpu.memref_slice %arg2[%dma_wait3A_767, %dma_wait3A_768] : memref<200704x64xf32, #tpu.memory_space<hbm>> -> memref<200704x64xf32, #tpu.memory_space<hbm>>
    tpu.wait_indirect_dma semaphore(%arg8 : memref<!tpu.dma_semaphore, #tpu.memory_space<semaphore_mem>>) src(%dma_wait3A_769 : memref<200704x64xf32, #tpu.memory_space<hbm>>) dst(%dma_wait3A_763 : memref<128x64xf32, #tpu.memory_space<vmem>>)
    %add3A_770 = arith.constant 896 : i32
    %add3A_771 = arith.addi %mul3A_2, %add3A_770 : i32
    %rem3A_772 = arith.constant 16384 : i32
    %rem3A_773 = arith.remsi %add3A_771, %rem3A_772 : i32
    %jit3A_774 = arith.constant 8192 : i32
    %div3A_775 = arith.divsi %rem3A_773, %jit3A_774 : i32
    %sign3A_776 = arith.constant 0 : i32
    %sign3A_777 = arith.cmpi sgt, %rem3A_773, %sign3A_776 : i32
    %sign3A_778 = arith.extui %sign3A_777 : i1 to i32
    %sign3A_779 = arith.constant 0 : i32
    %sign3A_780 = arith.cmpi slt, %rem3A_773, %sign3A_779 : i32
    %sign3A_781 = arith.extui %sign3A_780 : i1 to i32
    %sign3A_782 = arith.subi %sign3A_778, %sign3A_781 : i32
    %sign3A_783 = arith.constant 0 : i32
    %sign3A_784 = arith.cmpi sgt, %jit3A_774, %sign3A_783 : i32
    %sign3A_785 = arith.extui %sign3A_784 : i1 to i32
    %sign3A_786 = arith.constant 0 : i32
    %sign3A_787 = arith.cmpi slt, %jit3A_774, %sign3A_786 : i32
    %sign3A_788 = arith.extui %sign3A_787 : i1 to i32
    %sign3A_789 = arith.subi %sign3A_785, %sign3A_788 : i32
    %ne3A_790 = arith.cmpi ne, %sign3A_782, %sign3A_789 : i32
    %rem3A_791 = arith.remsi %rem3A_773, %jit3A_774 : i32
    %ne3A_792 = arith.constant 0 : i32
    %ne3A_793 = arith.cmpi ne, %rem3A_791, %ne3A_792 : i32
    %and3A_794 = arith.andi %ne3A_790, %ne3A_793 : i1
    %sub3A_795 = arith.constant 1 : i32
    %sub3A_796 = arith.subi %div3A_775, %sub3A_795 : i32
    %select_n3A_797 = arith.select %and3A_794, %sub3A_796, %div3A_775 : i32
    %jit3A_798 = arith.constant 16384 : i32
    %div3A_799 = arith.divsi %add3A_771, %jit3A_798 : i32
    %sign3A_800 = arith.constant 0 : i32
    %sign3A_801 = arith.cmpi sgt, %add3A_771, %sign3A_800 : i32
    %sign3A_802 = arith.extui %sign3A_801 : i1 to i32
    %sign3A_803 = arith.constant 0 : i32
    %sign3A_804 = arith.cmpi slt, %add3A_771, %sign3A_803 : i32
    %sign3A_805 = arith.extui %sign3A_804 : i1 to i32
    %sign3A_806 = arith.subi %sign3A_802, %sign3A_805 : i32
    %sign3A_807 = arith.constant 0 : i32
    %sign3A_808 = arith.cmpi sgt, %jit3A_798, %sign3A_807 : i32
    %sign3A_809 = arith.extui %sign3A_808 : i1 to i32
    %sign3A_810 = arith.constant 0 : i32
    %sign3A_811 = arith.cmpi slt, %jit3A_798, %sign3A_810 : i32
    %sign3A_812 = arith.extui %sign3A_811 : i1 to i32
    %sign3A_813 = arith.subi %sign3A_809, %sign3A_812 : i32
    %ne3A_814 = arith.cmpi ne, %sign3A_806, %sign3A_813 : i32
    %rem3A_815 = arith.remsi %add3A_771, %jit3A_798 : i32
    %ne3A_816 = arith.constant 0 : i32
    %ne3A_817 = arith.cmpi ne, %rem3A_815, %ne3A_816 : i32
    %and3A_818 = arith.andi %ne3A_814, %ne3A_817 : i1
    %sub3A_819 = arith.constant 1 : i32
    %sub3A_820 = arith.subi %div3A_799, %sub3A_819 : i32
    %select_n3A_821 = arith.select %and3A_818, %sub3A_820, %div3A_799 : i32
    %mul3A_822 = arith.constant 8192 : i32
    %mul3A_823 = arith.muli %select_n3A_821, %mul3A_822 : i32
    %rem3A_824 = arith.constant 8192 : i32
    %rem3A_825 = arith.remsi %rem3A_773, %rem3A_824 : i32
    %add3A_826 = arith.addi %mul3A_823, %rem3A_825 : i32
    %multiple_of3A_827 = tpu.assume_multiple %add3A_826, 128 : i32
    %mul3A_828 = arith.constant 64 : i32
    %mul3A_829 = arith.muli %select_n3A_797, %mul3A_828 : i32
    %dma_start3A_830 = arith.constant 1 : i32
    %dma_start3A_831 = arith.constant 0 : i32
    %dma_start3A_832 = arith.constant 0 : i32
    %dma_start3A_833 = tpu.memref_slice %arg6[%dma_start3A_830, %dma_start3A_831, %dma_start3A_832] : memref<2x128x64xf32, #tpu.memory_space<vmem>> -> memref<1x128x64xf32, #tpu.memory_space<vmem>>
    %dma_start3A_834 = tpu.memref_squeeze %dma_start3A_833 : memref<1x128x64xf32, #tpu.memory_space<vmem>> -> memref<128x64xf32, #tpu.memory_space<vmem>>
    %dma_start3A_835 = tpu.memref_slice %arg4[%multiple_of3A_827, %mul3A_829] : memref<40960x128xf32, #tpu.memory_space<hbm>> -> memref<128x64xf32, #tpu.memory_space<hbm>>
    %dma_start3A_836 = tpu.memref_slice %arg4[%multiple_of3A_827, %mul3A_829] : memref<40960x128xf32, #tpu.memory_space<hbm>> -> memref<128x64xf32, #tpu.memory_space<hbm>>
    %dma_start3A_837 = arith.constant 0 : i32
    %dma_start3A_838 = arith.constant 0 : i32
    %dma_start3A_839 = tpu.memref_slice %arg6[%dma_start3A_830, %dma_start3A_837, %dma_start3A_838] : memref<2x128x64xf32, #tpu.memory_space<vmem>> -> memref<1x128x64xf32, #tpu.memory_space<vmem>>
    %dma_start3A_840 = tpu.memref_squeeze %dma_start3A_839 : memref<1x128x64xf32, #tpu.memory_space<vmem>> -> memref<128x64xf32, #tpu.memory_space<vmem>>
    tpu.enqueue_dma source(%dma_start3A_840 : memref<128x64xf32, #tpu.memory_space<vmem>>) target(%dma_start3A_836 : memref<128x64xf32, #tpu.memory_space<hbm>>) target_semaphore(%arg10 : memref<!tpu.dma_semaphore, #tpu.memory_space<semaphore_mem>>)
    %dma_wait3A_841 = arith.constant 1 : i32
    %dma_wait3A_842 = arith.constant 0 : i32
    %dma_wait3A_843 = arith.constant 0 : i32
    %dma_wait3A_844 = tpu.memref_slice %arg6[%dma_wait3A_841, %dma_wait3A_842, %dma_wait3A_843] : memref<2x128x64xf32, #tpu.memory_space<vmem>> -> memref<1x128x64xf32, #tpu.memory_space<vmem>>
    %dma_wait3A_845 = tpu.memref_squeeze %dma_wait3A_844 : memref<1x128x64xf32, #tpu.memory_space<vmem>> -> memref<128x64xf32, #tpu.memory_space<vmem>>
    %dma_wait3A_846 = tpu.memref_slice %arg4[%multiple_of3A_827, %mul3A_829] : memref<40960x128xf32, #tpu.memory_space<hbm>> -> memref<128x64xf32, #tpu.memory_space<hbm>>
    %dma_wait3A_847 = tpu.memref_slice %arg4[%multiple_of3A_827, %mul3A_829] : memref<40960x128xf32, #tpu.memory_space<hbm>> -> memref<128x64xf32, #tpu.memory_space<hbm>>
    %dma_wait3A_848 = arith.constant 0 : i32
    %dma_wait3A_849 = arith.constant 0 : i32
    %dma_wait3A_850 = tpu.memref_slice %arg6[%dma_wait3A_841, %dma_wait3A_848, %dma_wait3A_849] : memref<2x128x64xf32, #tpu.memory_space<vmem>> -> memref<1x128x64xf32, #tpu.memory_space<vmem>>
    %dma_wait3A_851 = tpu.memref_squeeze %dma_wait3A_850 : memref<1x128x64xf32, #tpu.memory_space<vmem>> -> memref<128x64xf32, #tpu.memory_space<vmem>>
    tpu.wait_dma2 semaphore(%arg10 : memref<!tpu.dma_semaphore, #tpu.memory_space<semaphore_mem>>) src(%dma_wait3A_851 : memref<128x64xf32, #tpu.memory_space<vmem>>) dst(%dma_wait3A_847 : memref<128x64xf32, #tpu.memory_space<hbm>>)
    %dma_start3A_852 = arith.constant 9 : i32
    %dma_start3A_853 = arith.constant 1 : i32
    %dma_start3A_854 = arith.constant 0 : i32
    %dma_start3A_855 = arith.constant 0 : i32
    %dma_start3A_856 = tpu.memref_slice %arg6[%dma_start3A_853, %dma_start3A_854, %dma_start3A_855] : memref<2x128x64xf32, #tpu.memory_space<vmem>> -> memref<1x128x64xf32, #tpu.memory_space<vmem>>
    %dma_start3A_857 = tpu.memref_squeeze %dma_start3A_856 : memref<1x128x64xf32, #tpu.memory_space<vmem>> -> memref<128x64xf32, #tpu.memory_space<vmem>>
    %dma_start3A_858 = arith.constant 0 : i32
    %dma_start3A_859 = tpu.memref_slice %arg5[%dma_start3A_852, %dma_start3A_858] : memref<20x128xi32, #tpu.memory_space<vmem>> -> memref<1x128xi32, #tpu.memory_space<vmem>>
    %dma_start3A_860 = tpu.memref_squeeze %dma_start3A_859 : memref<1x128xi32, #tpu.memory_space<vmem>> -> memref<128xi32, #tpu.memory_space<vmem>>
    %dma_start3A_861 = arith.constant 0 : i32
    %dma_start3A_862 = arith.constant 0 : i32
    %dma_start3A_863 = tpu.memref_slice %arg2[%dma_start3A_861, %dma_start3A_862] : memref<200704x64xf32, #tpu.memory_space<hbm>> -> memref<200704x64xf32, #tpu.memory_space<hbm>>
    tpu.enqueue_indirect_dma source(%dma_start3A_863 : memref<200704x64xf32, #tpu.memory_space<hbm>>) target(%dma_start3A_857 : memref<128x64xf32, #tpu.memory_space<vmem>>) offsets(%dma_start3A_860 : memref<128xi32, #tpu.memory_space<vmem>>) semaphore(%arg8 : memref<!tpu.dma_semaphore, #tpu.memory_space<semaphore_mem>>)
    %dma_wait3A_864 = arith.constant 8 : i32
    %dma_wait3A_865 = arith.constant 0 : i32
    %dma_wait3A_866 = arith.constant 0 : i32
    %dma_wait3A_867 = arith.constant 0 : i32
    %dma_wait3A_868 = tpu.memref_slice %arg6[%dma_wait3A_865, %dma_wait3A_866, %dma_wait3A_867] : memref<2x128x64xf32, #tpu.memory_space<vmem>> -> memref<1x128x64xf32, #tpu.memory_space<vmem>>
    %dma_wait3A_869 = tpu.memref_squeeze %dma_wait3A_868 : memref<1x128x64xf32, #tpu.memory_space<vmem>> -> memref<128x64xf32, #tpu.memory_space<vmem>>
    %dma_wait3A_870 = arith.constant 0 : i32
    %dma_wait3A_871 = tpu.memref_slice %arg5[%dma_wait3A_864, %dma_wait3A_870] : memref<20x128xi32, #tpu.memory_space<vmem>> -> memref<1x128xi32, #tpu.memory_space<vmem>>
    %dma_wait3A_872 = tpu.memref_squeeze %dma_wait3A_871 : memref<1x128xi32, #tpu.memory_space<vmem>> -> memref<128xi32, #tpu.memory_space<vmem>>
    %dma_wait3A_873 = arith.constant 0 : i32
    %dma_wait3A_874 = arith.constant 0 : i32
    %dma_wait3A_875 = tpu.memref_slice %arg2[%dma_wait3A_873, %dma_wait3A_874] : memref<200704x64xf32, #tpu.memory_space<hbm>> -> memref<200704x64xf32, #tpu.memory_space<hbm>>
    tpu.wait_indirect_dma semaphore(%arg7 : memref<!tpu.dma_semaphore, #tpu.memory_space<semaphore_mem>>) src(%dma_wait3A_875 : memref<200704x64xf32, #tpu.memory_space<hbm>>) dst(%dma_wait3A_869 : memref<128x64xf32, #tpu.memory_space<vmem>>)
    %add3A_876 = arith.constant 1024 : i32
    %add3A_877 = arith.addi %mul3A_2, %add3A_876 : i32
    %rem3A_878 = arith.constant 16384 : i32
    %rem3A_879 = arith.remsi %add3A_877, %rem3A_878 : i32
    %jit3A_880 = arith.constant 8192 : i32
    %div3A_881 = arith.divsi %rem3A_879, %jit3A_880 : i32
    %sign3A_882 = arith.constant 0 : i32
    %sign3A_883 = arith.cmpi sgt, %rem3A_879, %sign3A_882 : i32
    %sign3A_884 = arith.extui %sign3A_883 : i1 to i32
    %sign3A_885 = arith.constant 0 : i32
    %sign3A_886 = arith.cmpi slt, %rem3A_879, %sign3A_885 : i32
    %sign3A_887 = arith.extui %sign3A_886 : i1 to i32
    %sign3A_888 = arith.subi %sign3A_884, %sign3A_887 : i32
    %sign3A_889 = arith.constant 0 : i32
    %sign3A_890 = arith.cmpi sgt, %jit3A_880, %sign3A_889 : i32
    %sign3A_891 = arith.extui %sign3A_890 : i1 to i32
    %sign3A_892 = arith.constant 0 : i32
    %sign3A_893 = arith.cmpi slt, %jit3A_880, %sign3A_892 : i32
    %sign3A_894 = arith.extui %sign3A_893 : i1 to i32
    %sign3A_895 = arith.subi %sign3A_891, %sign3A_894 : i32
    %ne3A_896 = arith.cmpi ne, %sign3A_888, %sign3A_895 : i32
    %rem3A_897 = arith.remsi %rem3A_879, %jit3A_880 : i32
    %ne3A_898 = arith.constant 0 : i32
    %ne3A_899 = arith.cmpi ne, %rem3A_897, %ne3A_898 : i32
    %and3A_900 = arith.andi %ne3A_896, %ne3A_899 : i1
    %sub3A_901 = arith.constant 1 : i32
    %sub3A_902 = arith.subi %div3A_881, %sub3A_901 : i32
    %select_n3A_903 = arith.select %and3A_900, %sub3A_902, %div3A_881 : i32
    %jit3A_904 = arith.constant 16384 : i32
    %div3A_905 = arith.divsi %add3A_877, %jit3A_904 : i32
    %sign3A_906 = arith.constant 0 : i32
    %sign3A_907 = arith.cmpi sgt, %add3A_877, %sign3A_906 : i32
    %sign3A_908 = arith.extui %sign3A_907 : i1 to i32
    %sign3A_909 = arith.constant 0 : i32
    %sign3A_910 = arith.cmpi slt, %add3A_877, %sign3A_909 : i32
    %sign3A_911 = arith.extui %sign3A_910 : i1 to i32
    %sign3A_912 = arith.subi %sign3A_908, %sign3A_911 : i32
    %sign3A_913 = arith.constant 0 : i32
    %sign3A_914 = arith.cmpi sgt, %jit3A_904, %sign3A_913 : i32
    %sign3A_915 = arith.extui %sign3A_914 : i1 to i32
    %sign3A_916 = arith.constant 0 : i32
    %sign3A_917 = arith.cmpi slt, %jit3A_904, %sign3A_916 : i32
    %sign3A_918 = arith.extui %sign3A_917 : i1 to i32
    %sign3A_919 = arith.subi %sign3A_915, %sign3A_918 : i32
    %ne3A_920 = arith.cmpi ne, %sign3A_912, %sign3A_919 : i32
    %rem3A_921 = arith.remsi %add3A_877, %jit3A_904 : i32
    %ne3A_922 = arith.constant 0 : i32
    %ne3A_923 = arith.cmpi ne, %rem3A_921, %ne3A_922 : i32
    %and3A_924 = arith.andi %ne3A_920, %ne3A_923 : i1
    %sub3A_925 = arith.constant 1 : i32
    %sub3A_926 = arith.subi %div3A_905, %sub3A_925 : i32
    %select_n3A_927 = arith.select %and3A_924, %sub3A_926, %div3A_905 : i32
    %mul3A_928 = arith.constant 8192 : i32
    %mul3A_929 = arith.muli %select_n3A_927, %mul3A_928 : i32
    %rem3A_930 = arith.constant 8192 : i32
    %rem3A_931 = arith.remsi %rem3A_879, %rem3A_930 : i32
    %add3A_932 = arith.addi %mul3A_929, %rem3A_931 : i32
    %multiple_of3A_933 = tpu.assume_multiple %add3A_932, 128 : i32
    %mul3A_934 = arith.constant 64 : i32
    %mul3A_935 = arith.muli %select_n3A_903, %mul3A_934 : i32
    %dma_start3A_936 = arith.constant 0 : i32
    %dma_start3A_937 = arith.constant 0 : i32
    %dma_start3A_938 = arith.constant 0 : i32
    %dma_start3A_939 = tpu.memref_slice %arg6[%dma_start3A_936, %dma_start3A_937, %dma_start3A_938] : memref<2x128x64xf32, #tpu.memory_space<vmem>> -> memref<1x128x64xf32, #tpu.memory_space<vmem>>
    %dma_start3A_940 = tpu.memref_squeeze %dma_start3A_939 : memref<1x128x64xf32, #tpu.memory_space<vmem>> -> memref<128x64xf32, #tpu.memory_space<vmem>>
    %dma_start3A_941 = tpu.memref_slice %arg4[%multiple_of3A_933, %mul3A_935] : memref<40960x128xf32, #tpu.memory_space<hbm>> -> memref<128x64xf32, #tpu.memory_space<hbm>>
    %dma_start3A_942 = tpu.memref_slice %arg4[%multiple_of3A_933, %mul3A_935] : memref<40960x128xf32, #tpu.memory_space<hbm>> -> memref<128x64xf32, #tpu.memory_space<hbm>>
    %dma_start3A_943 = arith.constant 0 : i32
    %dma_start3A_944 = arith.constant 0 : i32
    %dma_start3A_945 = tpu.memref_slice %arg6[%dma_start3A_936, %dma_start3A_943, %dma_start3A_944] : memref<2x128x64xf32, #tpu.memory_space<vmem>> -> memref<1x128x64xf32, #tpu.memory_space<vmem>>
    %dma_start3A_946 = tpu.memref_squeeze %dma_start3A_945 : memref<1x128x64xf32, #tpu.memory_space<vmem>> -> memref<128x64xf32, #tpu.memory_space<vmem>>
    tpu.enqueue_dma source(%dma_start3A_946 : memref<128x64xf32, #tpu.memory_space<vmem>>) target(%dma_start3A_942 : memref<128x64xf32, #tpu.memory_space<hbm>>) target_semaphore(%arg9 : memref<!tpu.dma_semaphore, #tpu.memory_space<semaphore_mem>>)
    %dma_wait3A_947 = arith.constant 0 : i32
    %dma_wait3A_948 = arith.constant 0 : i32
    %dma_wait3A_949 = arith.constant 0 : i32
    %dma_wait3A_950 = tpu.memref_slice %arg6[%dma_wait3A_947, %dma_wait3A_948, %dma_wait3A_949] : memref<2x128x64xf32, #tpu.memory_space<vmem>> -> memref<1x128x64xf32, #tpu.memory_space<vmem>>
    %dma_wait3A_951 = tpu.memref_squeeze %dma_wait3A_950 : memref<1x128x64xf32, #tpu.memory_space<vmem>> -> memref<128x64xf32, #tpu.memory_space<vmem>>
    %dma_wait3A_952 = tpu.memref_slice %arg4[%multiple_of3A_933, %mul3A_935] : memref<40960x128xf32, #tpu.memory_space<hbm>> -> memref<128x64xf32, #tpu.memory_space<hbm>>
    %dma_wait3A_953 = tpu.memref_slice %arg4[%multiple_of3A_933, %mul3A_935] : memref<40960x128xf32, #tpu.memory_space<hbm>> -> memref<128x64xf32, #tpu.memory_space<hbm>>
    %dma_wait3A_954 = arith.constant 0 : i32
    %dma_wait3A_955 = arith.constant 0 : i32
    %dma_wait3A_956 = tpu.memref_slice %arg6[%dma_wait3A_947, %dma_wait3A_954, %dma_wait3A_955] : memref<2x128x64xf32, #tpu.memory_space<vmem>> -> memref<1x128x64xf32, #tpu.memory_space<vmem>>
    %dma_wait3A_957 = tpu.memref_squeeze %dma_wait3A_956 : memref<1x128x64xf32, #tpu.memory_space<vmem>> -> memref<128x64xf32, #tpu.memory_space<vmem>>
    tpu.wait_dma2 semaphore(%arg9 : memref<!tpu.dma_semaphore, #tpu.memory_space<semaphore_mem>>) src(%dma_wait3A_957 : memref<128x64xf32, #tpu.memory_space<vmem>>) dst(%dma_wait3A_953 : memref<128x64xf32, #tpu.memory_space<hbm>>)
    %dma_start3A_958 = arith.constant 10 : i32
    %dma_start3A_959 = arith.constant 0 : i32
    %dma_start3A_960 = arith.constant 0 : i32
    %dma_start3A_961 = arith.constant 0 : i32
    %dma_start3A_962 = tpu.memref_slice %arg6[%dma_start3A_959, %dma_start3A_960, %dma_start3A_961] : memref<2x128x64xf32, #tpu.memory_space<vmem>> -> memref<1x128x64xf32, #tpu.memory_space<vmem>>
    %dma_start3A_963 = tpu.memref_squeeze %dma_start3A_962 : memref<1x128x64xf32, #tpu.memory_space<vmem>> -> memref<128x64xf32, #tpu.memory_space<vmem>>
    %dma_start3A_964 = arith.constant 0 : i32
    %dma_start3A_965 = tpu.memref_slice %arg5[%dma_start3A_958, %dma_start3A_964] : memref<20x128xi32, #tpu.memory_space<vmem>> -> memref<1x128xi32, #tpu.memory_space<vmem>>
    %dma_start3A_966 = tpu.memref_squeeze %dma_start3A_965 : memref<1x128xi32, #tpu.memory_space<vmem>> -> memref<128xi32, #tpu.memory_space<vmem>>
    %dma_start3A_967 = arith.constant 0 : i32
    %dma_start3A_968 = arith.constant 0 : i32
    %dma_start3A_969 = tpu.memref_slice %arg2[%dma_start3A_967, %dma_start3A_968] : memref<200704x64xf32, #tpu.memory_space<hbm>> -> memref<200704x64xf32, #tpu.memory_space<hbm>>
    tpu.enqueue_indirect_dma source(%dma_start3A_969 : memref<200704x64xf32, #tpu.memory_space<hbm>>) target(%dma_start3A_963 : memref<128x64xf32, #tpu.memory_space<vmem>>) offsets(%dma_start3A_966 : memref<128xi32, #tpu.memory_space<vmem>>) semaphore(%arg7 : memref<!tpu.dma_semaphore, #tpu.memory_space<semaphore_mem>>)
    %dma_wait3A_970 = arith.constant 9 : i32
    %dma_wait3A_971 = arith.constant 1 : i32
    %dma_wait3A_972 = arith.constant 0 : i32
    %dma_wait3A_973 = arith.constant 0 : i32
    %dma_wait3A_974 = tpu.memref_slice %arg6[%dma_wait3A_971, %dma_wait3A_972, %dma_wait3A_973] : memref<2x128x64xf32, #tpu.memory_space<vmem>> -> memref<1x128x64xf32, #tpu.memory_space<vmem>>
    %dma_wait3A_975 = tpu.memref_squeeze %dma_wait3A_974 : memref<1x128x64xf32, #tpu.memory_space<vmem>> -> memref<128x64xf32, #tpu.memory_space<vmem>>
    %dma_wait3A_976 = arith.constant 0 : i32
    %dma_wait3A_977 = tpu.memref_slice %arg5[%dma_wait3A_970, %dma_wait3A_976] : memref<20x128xi32, #tpu.memory_space<vmem>> -> memref<1x128xi32, #tpu.memory_space<vmem>>
    %dma_wait3A_978 = tpu.memref_squeeze %dma_wait3A_977 : memref<1x128xi32, #tpu.memory_space<vmem>> -> memref<128xi32, #tpu.memory_space<vmem>>
    %dma_wait3A_979 = arith.constant 0 : i32
    %dma_wait3A_980 = arith.constant 0 : i32
    %dma_wait3A_981 = tpu.memref_slice %arg2[%dma_wait3A_979, %dma_wait3A_980] : memref<200704x64xf32, #tpu.memory_space<hbm>> -> memref<200704x64xf32, #tpu.memory_space<hbm>>
    tpu.wait_indirect_dma semaphore(%arg8 : memref<!tpu.dma_semaphore, #tpu.memory_space<semaphore_mem>>) src(%dma_wait3A_981 : memref<200704x64xf32, #tpu.memory_space<hbm>>) dst(%dma_wait3A_975 : memref<128x64xf32, #tpu.memory_space<vmem>>)
    %add3A_982 = arith.constant 1152 : i32
    %add3A_983 = arith.addi %mul3A_2, %add3A_982 : i32
    %rem3A_984 = arith.constant 16384 : i32
    %rem3A_985 = arith.remsi %add3A_983, %rem3A_984 : i32
    %jit3A_986 = arith.constant 8192 : i32
    %div3A_987 = arith.divsi %rem3A_985, %jit3A_986 : i32
    %sign3A_988 = arith.constant 0 : i32
    %sign3A_989 = arith.cmpi sgt, %rem3A_985, %sign3A_988 : i32
    %sign3A_990 = arith.extui %sign3A_989 : i1 to i32
    %sign3A_991 = arith.constant 0 : i32
    %sign3A_992 = arith.cmpi slt, %rem3A_985, %sign3A_991 : i32
    %sign3A_993 = arith.extui %sign3A_992 : i1 to i32
    %sign3A_994 = arith.subi %sign3A_990, %sign3A_993 : i32
    %sign3A_995 = arith.constant 0 : i32
    %sign3A_996 = arith.cmpi sgt, %jit3A_986, %sign3A_995 : i32
    %sign3A_997 = arith.extui %sign3A_996 : i1 to i32
    %sign3A_998 = arith.constant 0 : i32
    %sign3A_999 = arith.cmpi slt, %jit3A_986, %sign3A_998 : i32
    %sign3A_1000 = arith.extui %sign3A_999 : i1 to i32
    %sign3A_1001 = arith.subi %sign3A_997, %sign3A_1000 : i32
    %ne3A_1002 = arith.cmpi ne, %sign3A_994, %sign3A_1001 : i32
    %rem3A_1003 = arith.remsi %rem3A_985, %jit3A_986 : i32
    %ne3A_1004 = arith.constant 0 : i32
    %ne3A_1005 = arith.cmpi ne, %rem3A_1003, %ne3A_1004 : i32
    %and3A_1006 = arith.andi %ne3A_1002, %ne3A_1005 : i1
    %sub3A_1007 = arith.constant 1 : i32
    %sub3A_1008 = arith.subi %div3A_987, %sub3A_1007 : i32
    %select_n3A_1009 = arith.select %and3A_1006, %sub3A_1008, %div3A_987 : i32
    %jit3A_1010 = arith.constant 16384 : i32
    %div3A_1011 = arith.divsi %add3A_983, %jit3A_1010 : i32
    %sign3A_1012 = arith.constant 0 : i32
    %sign3A_1013 = arith.cmpi sgt, %add3A_983, %sign3A_1012 : i32
    %sign3A_1014 = arith.extui %sign3A_1013 : i1 to i32
    %sign3A_1015 = arith.constant 0 : i32
    %sign3A_1016 = arith.cmpi slt, %add3A_983, %sign3A_1015 : i32
    %sign3A_1017 = arith.extui %sign3A_1016 : i1 to i32
    %sign3A_1018 = arith.subi %sign3A_1014, %sign3A_1017 : i32
    %sign3A_1019 = arith.constant 0 : i32
    %sign3A_1020 = arith.cmpi sgt, %jit3A_1010, %sign3A_1019 : i32
    %sign3A_1021 = arith.extui %sign3A_1020 : i1 to i32
    %sign3A_1022 = arith.constant 0 : i32
    %sign3A_1023 = arith.cmpi slt, %jit3A_1010, %sign3A_1022 : i32
    %sign3A_1024 = arith.extui %sign3A_1023 : i1 to i32
    %sign3A_1025 = arith.subi %sign3A_1021, %sign3A_1024 : i32
    %ne3A_1026 = arith.cmpi ne, %sign3A_1018, %sign3A_1025 : i32
    %rem3A_1027 = arith.remsi %add3A_983, %jit3A_1010 : i32
    %ne3A_1028 = arith.constant 0 : i32
    %ne3A_1029 = arith.cmpi ne, %rem3A_1027, %ne3A_1028 : i32
    %and3A_1030 = arith.andi %ne3A_1026, %ne3A_1029 : i1
    %sub3A_1031 = arith.constant 1 : i32
    %sub3A_1032 = arith.subi %div3A_1011, %sub3A_1031 : i32
    %select_n3A_1033 = arith.select %and3A_1030, %sub3A_1032, %div3A_1011 : i32
    %mul3A_1034 = arith.constant 8192 : i32
    %mul3A_1035 = arith.muli %select_n3A_1033, %mul3A_1034 : i32
    %rem3A_1036 = arith.constant 8192 : i32
    %rem3A_1037 = arith.remsi %rem3A_985, %rem3A_1036 : i32
    %add3A_1038 = arith.addi %mul3A_1035, %rem3A_1037 : i32
    %multiple_of3A_1039 = tpu.assume_multiple %add3A_1038, 128 : i32
    %mul3A_1040 = arith.constant 64 : i32
    %mul3A_1041 = arith.muli %select_n3A_1009, %mul3A_1040 : i32
    %dma_start3A_1042 = arith.constant 1 : i32
    %dma_start3A_1043 = arith.constant 0 : i32
    %dma_start3A_1044 = arith.constant 0 : i32
    %dma_start3A_1045 = tpu.memref_slice %arg6[%dma_start3A_1042, %dma_start3A_1043, %dma_start3A_1044] : memref<2x128x64xf32, #tpu.memory_space<vmem>> -> memref<1x128x64xf32, #tpu.memory_space<vmem>>
    %dma_start3A_1046 = tpu.memref_squeeze %dma_start3A_1045 : memref<1x128x64xf32, #tpu.memory_space<vmem>> -> memref<128x64xf32, #tpu.memory_space<vmem>>
    %dma_start3A_1047 = tpu.memref_slice %arg4[%multiple_of3A_1039, %mul3A_1041] : memref<40960x128xf32, #tpu.memory_space<hbm>> -> memref<128x64xf32, #tpu.memory_space<hbm>>
    %dma_start3A_1048 = tpu.memref_slice %arg4[%multiple_of3A_1039, %mul3A_1041] : memref<40960x128xf32, #tpu.memory_space<hbm>> -> memref<128x64xf32, #tpu.memory_space<hbm>>
    %dma_start3A_1049 = arith.constant 0 : i32
    %dma_start3A_1050 = arith.constant 0 : i32
    %dma_start3A_1051 = tpu.memref_slice %arg6[%dma_start3A_1042, %dma_start3A_1049, %dma_start3A_1050] : memref<2x128x64xf32, #tpu.memory_space<vmem>> -> memref<1x128x64xf32, #tpu.memory_space<vmem>>
    %dma_start3A_1052 = tpu.memref_squeeze %dma_start3A_1051 : memref<1x128x64xf32, #tpu.memory_space<vmem>> -> memref<128x64xf32, #tpu.memory_space<vmem>>
    tpu.enqueue_dma source(%dma_start3A_1052 : memref<128x64xf32, #tpu.memory_space<vmem>>) target(%dma_start3A_1048 : memref<128x64xf32, #tpu.memory_space<hbm>>) target_semaphore(%arg10 : memref<!tpu.dma_semaphore, #tpu.memory_space<semaphore_mem>>)
    %dma_wait3A_1053 = arith.constant 1 : i32
    %dma_wait3A_1054 = arith.constant 0 : i32
    %dma_wait3A_1055 = arith.constant 0 : i32
    %dma_wait3A_1056 = tpu.memref_slice %arg6[%dma_wait3A_1053, %dma_wait3A_1054, %dma_wait3A_1055] : memref<2x128x64xf32, #tpu.memory_space<vmem>> -> memref<1x128x64xf32, #tpu.memory_space<vmem>>
    %dma_wait3A_1057 = tpu.memref_squeeze %dma_wait3A_1056 : memref<1x128x64xf32, #tpu.memory_space<vmem>> -> memref<128x64xf32, #tpu.memory_space<vmem>>
    %dma_wait3A_1058 = tpu.memref_slice %arg4[%multiple_of3A_1039, %mul3A_1041] : memref<40960x128xf32, #tpu.memory_space<hbm>> -> memref<128x64xf32, #tpu.memory_space<hbm>>
    %dma_wait3A_1059 = tpu.memref_slice %arg4[%multiple_of3A_1039, %mul3A_1041] : memref<40960x128xf32, #tpu.memory_space<hbm>> -> memref<128x64xf32, #tpu.memory_space<hbm>>
    %dma_wait3A_1060 = arith.constant 0 : i32
    %dma_wait3A_1061 = arith.constant 0 : i32
    %dma_wait3A_1062 = tpu.memref_slice %arg6[%dma_wait3A_1053, %dma_wait3A_1060, %dma_wait3A_1061] : memref<2x128x64xf32, #tpu.memory_space<vmem>> -> memref<1x128x64xf32, #tpu.memory_space<vmem>>
    %dma_wait3A_1063 = tpu.memref_squeeze %dma_wait3A_1062 : memref<1x128x64xf32, #tpu.memory_space<vmem>> -> memref<128x64xf32, #tpu.memory_space<vmem>>
    tpu.wait_dma2 semaphore(%arg10 : memref<!tpu.dma_semaphore, #tpu.memory_space<semaphore_mem>>) src(%dma_wait3A_1063 : memref<128x64xf32, #tpu.memory_space<vmem>>) dst(%dma_wait3A_1059 : memref<128x64xf32, #tpu.memory_space<hbm>>)
    %dma_start3A_1064 = arith.constant 11 : i32
    %dma_start3A_1065 = arith.constant 1 : i32
    %dma_start3A_1066 = arith.constant 0 : i32
    %dma_start3A_1067 = arith.constant 0 : i32
    %dma_start3A_1068 = tpu.memref_slice %arg6[%dma_start3A_1065, %dma_start3A_1066, %dma_start3A_1067] : memref<2x128x64xf32, #tpu.memory_space<vmem>> -> memref<1x128x64xf32, #tpu.memory_space<vmem>>
    %dma_start3A_1069 = tpu.memref_squeeze %dma_start3A_1068 : memref<1x128x64xf32, #tpu.memory_space<vmem>> -> memref<128x64xf32, #tpu.memory_space<vmem>>
    %dma_start3A_1070 = arith.constant 0 : i32
    %dma_start3A_1071 = tpu.memref_slice %arg5[%dma_start3A_1064, %dma_start3A_1070] : memref<20x128xi32, #tpu.memory_space<vmem>> -> memref<1x128xi32, #tpu.memory_space<vmem>>
    %dma_start3A_1072 = tpu.memref_squeeze %dma_start3A_1071 : memref<1x128xi32, #tpu.memory_space<vmem>> -> memref<128xi32, #tpu.memory_space<vmem>>
    %dma_start3A_1073 = arith.constant 0 : i32
    %dma_start3A_1074 = arith.constant 0 : i32
    %dma_start3A_1075 = tpu.memref_slice %arg2[%dma_start3A_1073, %dma_start3A_1074] : memref<200704x64xf32, #tpu.memory_space<hbm>> -> memref<200704x64xf32, #tpu.memory_space<hbm>>
    tpu.enqueue_indirect_dma source(%dma_start3A_1075 : memref<200704x64xf32, #tpu.memory_space<hbm>>) target(%dma_start3A_1069 : memref<128x64xf32, #tpu.memory_space<vmem>>) offsets(%dma_start3A_1072 : memref<128xi32, #tpu.memory_space<vmem>>) semaphore(%arg8 : memref<!tpu.dma_semaphore, #tpu.memory_space<semaphore_mem>>)
    %dma_wait3A_1076 = arith.constant 10 : i32
    %dma_wait3A_1077 = arith.constant 0 : i32
    %dma_wait3A_1078 = arith.constant 0 : i32
    %dma_wait3A_1079 = arith.constant 0 : i32
    %dma_wait3A_1080 = tpu.memref_slice %arg6[%dma_wait3A_1077, %dma_wait3A_1078, %dma_wait3A_1079] : memref<2x128x64xf32, #tpu.memory_space<vmem>> -> memref<1x128x64xf32, #tpu.memory_space<vmem>>
    %dma_wait3A_1081 = tpu.memref_squeeze %dma_wait3A_1080 : memref<1x128x64xf32, #tpu.memory_space<vmem>> -> memref<128x64xf32, #tpu.memory_space<vmem>>
    %dma_wait3A_1082 = arith.constant 0 : i32
    %dma_wait3A_1083 = tpu.memref_slice %arg5[%dma_wait3A_1076, %dma_wait3A_1082] : memref<20x128xi32, #tpu.memory_space<vmem>> -> memref<1x128xi32, #tpu.memory_space<vmem>>
    %dma_wait3A_1084 = tpu.memref_squeeze %dma_wait3A_1083 : memref<1x128xi32, #tpu.memory_space<vmem>> -> memref<128xi32, #tpu.memory_space<vmem>>
    %dma_wait3A_1085 = arith.constant 0 : i32
    %dma_wait3A_1086 = arith.constant 0 : i32
    %dma_wait3A_1087 = tpu.memref_slice %arg2[%dma_wait3A_1085, %dma_wait3A_1086] : memref<200704x64xf32, #tpu.memory_space<hbm>> -> memref<200704x64xf32, #tpu.memory_space<hbm>>
    tpu.wait_indirect_dma semaphore(%arg7 : memref<!tpu.dma_semaphore, #tpu.memory_space<semaphore_mem>>) src(%dma_wait3A_1087 : memref<200704x64xf32, #tpu.memory_space<hbm>>) dst(%dma_wait3A_1081 : memref<128x64xf32, #tpu.memory_space<vmem>>)
    %add3A_1088 = arith.constant 1280 : i32
    %add3A_1089 = arith.addi %mul3A_2, %add3A_1088 : i32
    %rem3A_1090 = arith.constant 16384 : i32
    %rem3A_1091 = arith.remsi %add3A_1089, %rem3A_1090 : i32
    %jit3A_1092 = arith.constant 8192 : i32
    %div3A_1093 = arith.divsi %rem3A_1091, %jit3A_1092 : i32
    %sign3A_1094 = arith.constant 0 : i32
    %sign3A_1095 = arith.cmpi sgt, %rem3A_1091, %sign3A_1094 : i32
    %sign3A_1096 = arith.extui %sign3A_1095 : i1 to i32
    %sign3A_1097 = arith.constant 0 : i32
    %sign3A_1098 = arith.cmpi slt, %rem3A_1091, %sign3A_1097 : i32
    %sign3A_1099 = arith.extui %sign3A_1098 : i1 to i32
    %sign3A_1100 = arith.subi %sign3A_1096, %sign3A_1099 : i32
    %sign3A_1101 = arith.constant 0 : i32
    %sign3A_1102 = arith.cmpi sgt, %jit3A_1092, %sign3A_1101 : i32
    %sign3A_1103 = arith.extui %sign3A_1102 : i1 to i32
    %sign3A_1104 = arith.constant 0 : i32
    %sign3A_1105 = arith.cmpi slt, %jit3A_1092, %sign3A_1104 : i32
    %sign3A_1106 = arith.extui %sign3A_1105 : i1 to i32
    %sign3A_1107 = arith.subi %sign3A_1103, %sign3A_1106 : i32
    %ne3A_1108 = arith.cmpi ne, %sign3A_1100, %sign3A_1107 : i32
    %rem3A_1109 = arith.remsi %rem3A_1091, %jit3A_1092 : i32
    %ne3A_1110 = arith.constant 0 : i32
    %ne3A_1111 = arith.cmpi ne, %rem3A_1109, %ne3A_1110 : i32
    %and3A_1112 = arith.andi %ne3A_1108, %ne3A_1111 : i1
    %sub3A_1113 = arith.constant 1 : i32
    %sub3A_1114 = arith.subi %div3A_1093, %sub3A_1113 : i32
    %select_n3A_1115 = arith.select %and3A_1112, %sub3A_1114, %div3A_1093 : i32
    %jit3A_1116 = arith.constant 16384 : i32
    %div3A_1117 = arith.divsi %add3A_1089, %jit3A_1116 : i32
    %sign3A_1118 = arith.constant 0 : i32
    %sign3A_1119 = arith.cmpi sgt, %add3A_1089, %sign3A_1118 : i32
    %sign3A_1120 = arith.extui %sign3A_1119 : i1 to i32
    %sign3A_1121 = arith.constant 0 : i32
    %sign3A_1122 = arith.cmpi slt, %add3A_1089, %sign3A_1121 : i32
    %sign3A_1123 = arith.extui %sign3A_1122 : i1 to i32
    %sign3A_1124 = arith.subi %sign3A_1120, %sign3A_1123 : i32
    %sign3A_1125 = arith.constant 0 : i32
    %sign3A_1126 = arith.cmpi sgt, %jit3A_1116, %sign3A_1125 : i32
    %sign3A_1127 = arith.extui %sign3A_1126 : i1 to i32
    %sign3A_1128 = arith.constant 0 : i32
    %sign3A_1129 = arith.cmpi slt, %jit3A_1116, %sign3A_1128 : i32
    %sign3A_1130 = arith.extui %sign3A_1129 : i1 to i32
    %sign3A_1131 = arith.subi %sign3A_1127, %sign3A_1130 : i32
    %ne3A_1132 = arith.cmpi ne, %sign3A_1124, %sign3A_1131 : i32
    %rem3A_1133 = arith.remsi %add3A_1089, %jit3A_1116 : i32
    %ne3A_1134 = arith.constant 0 : i32
    %ne3A_1135 = arith.cmpi ne, %rem3A_1133, %ne3A_1134 : i32
    %and3A_1136 = arith.andi %ne3A_1132, %ne3A_1135 : i1
    %sub3A_1137 = arith.constant 1 : i32
    %sub3A_1138 = arith.subi %div3A_1117, %sub3A_1137 : i32
    %select_n3A_1139 = arith.select %and3A_1136, %sub3A_1138, %div3A_1117 : i32
    %mul3A_1140 = arith.constant 8192 : i32
    %mul3A_1141 = arith.muli %select_n3A_1139, %mul3A_1140 : i32
    %rem3A_1142 = arith.constant 8192 : i32
    %rem3A_1143 = arith.remsi %rem3A_1091, %rem3A_1142 : i32
    %add3A_1144 = arith.addi %mul3A_1141, %rem3A_1143 : i32
    %multiple_of3A_1145 = tpu.assume_multiple %add3A_1144, 128 : i32
    %mul3A_1146 = arith.constant 64 : i32
    %mul3A_1147 = arith.muli %select_n3A_1115, %mul3A_1146 : i32
    %dma_start3A_1148 = arith.constant 0 : i32
    %dma_start3A_1149 = arith.constant 0 : i32
    %dma_start3A_1150 = arith.constant 0 : i32
    %dma_start3A_1151 = tpu.memref_slice %arg6[%dma_start3A_1148, %dma_start3A_1149, %dma_start3A_1150] : memref<2x128x64xf32, #tpu.memory_space<vmem>> -> memref<1x128x64xf32, #tpu.memory_space<vmem>>
    %dma_start3A_1152 = tpu.memref_squeeze %dma_start3A_1151 : memref<1x128x64xf32, #tpu.memory_space<vmem>> -> memref<128x64xf32, #tpu.memory_space<vmem>>
    %dma_start3A_1153 = tpu.memref_slice %arg4[%multiple_of3A_1145, %mul3A_1147] : memref<40960x128xf32, #tpu.memory_space<hbm>> -> memref<128x64xf32, #tpu.memory_space<hbm>>
    %dma_start3A_1154 = tpu.memref_slice %arg4[%multiple_of3A_1145, %mul3A_1147] : memref<40960x128xf32, #tpu.memory_space<hbm>> -> memref<128x64xf32, #tpu.memory_space<hbm>>
    %dma_start3A_1155 = arith.constant 0 : i32
    %dma_start3A_1156 = arith.constant 0 : i32
    %dma_start3A_1157 = tpu.memref_slice %arg6[%dma_start3A_1148, %dma_start3A_1155, %dma_start3A_1156] : memref<2x128x64xf32, #tpu.memory_space<vmem>> -> memref<1x128x64xf32, #tpu.memory_space<vmem>>
    %dma_start3A_1158 = tpu.memref_squeeze %dma_start3A_1157 : memref<1x128x64xf32, #tpu.memory_space<vmem>> -> memref<128x64xf32, #tpu.memory_space<vmem>>
    tpu.enqueue_dma source(%dma_start3A_1158 : memref<128x64xf32, #tpu.memory_space<vmem>>) target(%dma_start3A_1154 : memref<128x64xf32, #tpu.memory_space<hbm>>) target_semaphore(%arg9 : memref<!tpu.dma_semaphore, #tpu.memory_space<semaphore_mem>>)
    %dma_wait3A_1159 = arith.constant 0 : i32
    %dma_wait3A_1160 = arith.constant 0 : i32
    %dma_wait3A_1161 = arith.constant 0 : i32
    %dma_wait3A_1162 = tpu.memref_slice %arg6[%dma_wait3A_1159, %dma_wait3A_1160, %dma_wait3A_1161] : memref<2x128x64xf32, #tpu.memory_space<vmem>> -> memref<1x128x64xf32, #tpu.memory_space<vmem>>
    %dma_wait3A_1163 = tpu.memref_squeeze %dma_wait3A_1162 : memref<1x128x64xf32, #tpu.memory_space<vmem>> -> memref<128x64xf32, #tpu.memory_space<vmem>>
    %dma_wait3A_1164 = tpu.memref_slice %arg4[%multiple_of3A_1145, %mul3A_1147] : memref<40960x128xf32, #tpu.memory_space<hbm>> -> memref<128x64xf32, #tpu.memory_space<hbm>>
    %dma_wait3A_1165 = tpu.memref_slice %arg4[%multiple_of3A_1145, %mul3A_1147] : memref<40960x128xf32, #tpu.memory_space<hbm>> -> memref<128x64xf32, #tpu.memory_space<hbm>>
    %dma_wait3A_1166 = arith.constant 0 : i32
    %dma_wait3A_1167 = arith.constant 0 : i32
    %dma_wait3A_1168 = tpu.memref_slice %arg6[%dma_wait3A_1159, %dma_wait3A_1166, %dma_wait3A_1167] : memref<2x128x64xf32, #tpu.memory_space<vmem>> -> memref<1x128x64xf32, #tpu.memory_space<vmem>>
    %dma_wait3A_1169 = tpu.memref_squeeze %dma_wait3A_1168 : memref<1x128x64xf32, #tpu.memory_space<vmem>> -> memref<128x64xf32, #tpu.memory_space<vmem>>
    tpu.wait_dma2 semaphore(%arg9 : memref<!tpu.dma_semaphore, #tpu.memory_space<semaphore_mem>>) src(%dma_wait3A_1169 : memref<128x64xf32, #tpu.memory_space<vmem>>) dst(%dma_wait3A_1165 : memref<128x64xf32, #tpu.memory_space<hbm>>)
    %dma_start3A_1170 = arith.constant 12 : i32
    %dma_start3A_1171 = arith.constant 0 : i32
    %dma_start3A_1172 = arith.constant 0 : i32
    %dma_start3A_1173 = arith.constant 0 : i32
    %dma_start3A_1174 = tpu.memref_slice %arg6[%dma_start3A_1171, %dma_start3A_1172, %dma_start3A_1173] : memref<2x128x64xf32, #tpu.memory_space<vmem>> -> memref<1x128x64xf32, #tpu.memory_space<vmem>>
    %dma_start3A_1175 = tpu.memref_squeeze %dma_start3A_1174 : memref<1x128x64xf32, #tpu.memory_space<vmem>> -> memref<128x64xf32, #tpu.memory_space<vmem>>
    %dma_start3A_1176 = arith.constant 0 : i32
    %dma_start3A_1177 = tpu.memref_slice %arg5[%dma_start3A_1170, %dma_start3A_1176] : memref<20x128xi32, #tpu.memory_space<vmem>> -> memref<1x128xi32, #tpu.memory_space<vmem>>
    %dma_start3A_1178 = tpu.memref_squeeze %dma_start3A_1177 : memref<1x128xi32, #tpu.memory_space<vmem>> -> memref<128xi32, #tpu.memory_space<vmem>>
    %dma_start3A_1179 = arith.constant 0 : i32
    %dma_start3A_1180 = arith.constant 0 : i32
    %dma_start3A_1181 = tpu.memref_slice %arg2[%dma_start3A_1179, %dma_start3A_1180] : memref<200704x64xf32, #tpu.memory_space<hbm>> -> memref<200704x64xf32, #tpu.memory_space<hbm>>
    tpu.enqueue_indirect_dma source(%dma_start3A_1181 : memref<200704x64xf32, #tpu.memory_space<hbm>>) target(%dma_start3A_1175 : memref<128x64xf32, #tpu.memory_space<vmem>>) offsets(%dma_start3A_1178 : memref<128xi32, #tpu.memory_space<vmem>>) semaphore(%arg7 : memref<!tpu.dma_semaphore, #tpu.memory_space<semaphore_mem>>)
    %dma_wait3A_1182 = arith.constant 11 : i32
    %dma_wait3A_1183 = arith.constant 1 : i32
    %dma_wait3A_1184 = arith.constant 0 : i32
    %dma_wait3A_1185 = arith.constant 0 : i32
    %dma_wait3A_1186 = tpu.memref_slice %arg6[%dma_wait3A_1183, %dma_wait3A_1184, %dma_wait3A_1185] : memref<2x128x64xf32, #tpu.memory_space<vmem>> -> memref<1x128x64xf32, #tpu.memory_space<vmem>>
    %dma_wait3A_1187 = tpu.memref_squeeze %dma_wait3A_1186 : memref<1x128x64xf32, #tpu.memory_space<vmem>> -> memref<128x64xf32, #tpu.memory_space<vmem>>
    %dma_wait3A_1188 = arith.constant 0 : i32
    %dma_wait3A_1189 = tpu.memref_slice %arg5[%dma_wait3A_1182, %dma_wait3A_1188] : memref<20x128xi32, #tpu.memory_space<vmem>> -> memref<1x128xi32, #tpu.memory_space<vmem>>
    %dma_wait3A_1190 = tpu.memref_squeeze %dma_wait3A_1189 : memref<1x128xi32, #tpu.memory_space<vmem>> -> memref<128xi32, #tpu.memory_space<vmem>>
    %dma_wait3A_1191 = arith.constant 0 : i32
    %dma_wait3A_1192 = arith.constant 0 : i32
    %dma_wait3A_1193 = tpu.memref_slice %arg2[%dma_wait3A_1191, %dma_wait3A_1192] : memref<200704x64xf32, #tpu.memory_space<hbm>> -> memref<200704x64xf32, #tpu.memory_space<hbm>>
    tpu.wait_indirect_dma semaphore(%arg8 : memref<!tpu.dma_semaphore, #tpu.memory_space<semaphore_mem>>) src(%dma_wait3A_1193 : memref<200704x64xf32, #tpu.memory_space<hbm>>) dst(%dma_wait3A_1187 : memref<128x64xf32, #tpu.memory_space<vmem>>)
    %add3A_1194 = arith.constant 1408 : i32
    %add3A_1195 = arith.addi %mul3A_2, %add3A_1194 : i32
    %rem3A_1196 = arith.constant 16384 : i32
    %rem3A_1197 = arith.remsi %add3A_1195, %rem3A_1196 : i32
    %jit3A_1198 = arith.constant 8192 : i32
    %div3A_1199 = arith.divsi %rem3A_1197, %jit3A_1198 : i32
    %sign3A_1200 = arith.constant 0 : i32
    %sign3A_1201 = arith.cmpi sgt, %rem3A_1197, %sign3A_1200 : i32
    %sign3A_1202 = arith.extui %sign3A_1201 : i1 to i32
    %sign3A_1203 = arith.constant 0 : i32
    %sign3A_1204 = arith.cmpi slt, %rem3A_1197, %sign3A_1203 : i32
    %sign3A_1205 = arith.extui %sign3A_1204 : i1 to i32
    %sign3A_1206 = arith.subi %sign3A_1202, %sign3A_1205 : i32
    %sign3A_1207 = arith.constant 0 : i32
    %sign3A_1208 = arith.cmpi sgt, %jit3A_1198, %sign3A_1207 : i32
    %sign3A_1209 = arith.extui %sign3A_1208 : i1 to i32
    %sign3A_1210 = arith.constant 0 : i32
    %sign3A_1211 = arith.cmpi slt, %jit3A_1198, %sign3A_1210 : i32
    %sign3A_1212 = arith.extui %sign3A_1211 : i1 to i32
    %sign3A_1213 = arith.subi %sign3A_1209, %sign3A_1212 : i32
    %ne3A_1214 = arith.cmpi ne, %sign3A_1206, %sign3A_1213 : i32
    %rem3A_1215 = arith.remsi %rem3A_1197, %jit3A_1198 : i32
    %ne3A_1216 = arith.constant 0 : i32
    %ne3A_1217 = arith.cmpi ne, %rem3A_1215, %ne3A_1216 : i32
    %and3A_1218 = arith.andi %ne3A_1214, %ne3A_1217 : i1
    %sub3A_1219 = arith.constant 1 : i32
    %sub3A_1220 = arith.subi %div3A_1199, %sub3A_1219 : i32
    %select_n3A_1221 = arith.select %and3A_1218, %sub3A_1220, %div3A_1199 : i32
    %jit3A_1222 = arith.constant 16384 : i32
    %div3A_1223 = arith.divsi %add3A_1195, %jit3A_1222 : i32
    %sign3A_1224 = arith.constant 0 : i32
    %sign3A_1225 = arith.cmpi sgt, %add3A_1195, %sign3A_1224 : i32
    %sign3A_1226 = arith.extui %sign3A_1225 : i1 to i32
    %sign3A_1227 = arith.constant 0 : i32
    %sign3A_1228 = arith.cmpi slt, %add3A_1195, %sign3A_1227 : i32
    %sign3A_1229 = arith.extui %sign3A_1228 : i1 to i32
    %sign3A_1230 = arith.subi %sign3A_1226, %sign3A_1229 : i32
    %sign3A_1231 = arith.constant 0 : i32
    %sign3A_1232 = arith.cmpi sgt, %jit3A_1222, %sign3A_1231 : i32
    %sign3A_1233 = arith.extui %sign3A_1232 : i1 to i32
    %sign3A_1234 = arith.constant 0 : i32
    %sign3A_1235 = arith.cmpi slt, %jit3A_1222, %sign3A_1234 : i32
    %sign3A_1236 = arith.extui %sign3A_1235 : i1 to i32
    %sign3A_1237 = arith.subi %sign3A_1233, %sign3A_1236 : i32
    %ne3A_1238 = arith.cmpi ne, %sign3A_1230, %sign3A_1237 : i32
    %rem3A_1239 = arith.remsi %add3A_1195, %jit3A_1222 : i32
    %ne3A_1240 = arith.constant 0 : i32
    %ne3A_1241 = arith.cmpi ne, %rem3A_1239, %ne3A_1240 : i32
    %and3A_1242 = arith.andi %ne3A_1238, %ne3A_1241 : i1
    %sub3A_1243 = arith.constant 1 : i32
    %sub3A_1244 = arith.subi %div3A_1223, %sub3A_1243 : i32
    %select_n3A_1245 = arith.select %and3A_1242, %sub3A_1244, %div3A_1223 : i32
    %mul3A_1246 = arith.constant 8192 : i32
    %mul3A_1247 = arith.muli %select_n3A_1245, %mul3A_1246 : i32
    %rem3A_1248 = arith.constant 8192 : i32
    %rem3A_1249 = arith.remsi %rem3A_1197, %rem3A_1248 : i32
    %add3A_1250 = arith.addi %mul3A_1247, %rem3A_1249 : i32
    %multiple_of3A_1251 = tpu.assume_multiple %add3A_1250, 128 : i32
    %mul3A_1252 = arith.constant 64 : i32
    %mul3A_1253 = arith.muli %select_n3A_1221, %mul3A_1252 : i32
    %dma_start3A_1254 = arith.constant 1 : i32
    %dma_start3A_1255 = arith.constant 0 : i32
    %dma_start3A_1256 = arith.constant 0 : i32
    %dma_start3A_1257 = tpu.memref_slice %arg6[%dma_start3A_1254, %dma_start3A_1255, %dma_start3A_1256] : memref<2x128x64xf32, #tpu.memory_space<vmem>> -> memref<1x128x64xf32, #tpu.memory_space<vmem>>
    %dma_start3A_1258 = tpu.memref_squeeze %dma_start3A_1257 : memref<1x128x64xf32, #tpu.memory_space<vmem>> -> memref<128x64xf32, #tpu.memory_space<vmem>>
    %dma_start3A_1259 = tpu.memref_slice %arg4[%multiple_of3A_1251, %mul3A_1253] : memref<40960x128xf32, #tpu.memory_space<hbm>> -> memref<128x64xf32, #tpu.memory_space<hbm>>
    %dma_start3A_1260 = tpu.memref_slice %arg4[%multiple_of3A_1251, %mul3A_1253] : memref<40960x128xf32, #tpu.memory_space<hbm>> -> memref<128x64xf32, #tpu.memory_space<hbm>>
    %dma_start3A_1261 = arith.constant 0 : i32
    %dma_start3A_1262 = arith.constant 0 : i32
    %dma_start3A_1263 = tpu.memref_slice %arg6[%dma_start3A_1254, %dma_start3A_1261, %dma_start3A_1262] : memref<2x128x64xf32, #tpu.memory_space<vmem>> -> memref<1x128x64xf32, #tpu.memory_space<vmem>>
    %dma_start3A_1264 = tpu.memref_squeeze %dma_start3A_1263 : memref<1x128x64xf32, #tpu.memory_space<vmem>> -> memref<128x64xf32, #tpu.memory_space<vmem>>
    tpu.enqueue_dma source(%dma_start3A_1264 : memref<128x64xf32, #tpu.memory_space<vmem>>) target(%dma_start3A_1260 : memref<128x64xf32, #tpu.memory_space<hbm>>) target_semaphore(%arg10 : memref<!tpu.dma_semaphore, #tpu.memory_space<semaphore_mem>>)
    %dma_wait3A_1265 = arith.constant 1 : i32
    %dma_wait3A_1266 = arith.constant 0 : i32
    %dma_wait3A_1267 = arith.constant 0 : i32
    %dma_wait3A_1268 = tpu.memref_slice %arg6[%dma_wait3A_1265, %dma_wait3A_1266, %dma_wait3A_1267] : memref<2x128x64xf32, #tpu.memory_space<vmem>> -> memref<1x128x64xf32, #tpu.memory_space<vmem>>
    %dma_wait3A_1269 = tpu.memref_squeeze %dma_wait3A_1268 : memref<1x128x64xf32, #tpu.memory_space<vmem>> -> memref<128x64xf32, #tpu.memory_space<vmem>>
    %dma_wait3A_1270 = tpu.memref_slice %arg4[%multiple_of3A_1251, %mul3A_1253] : memref<40960x128xf32, #tpu.memory_space<hbm>> -> memref<128x64xf32, #tpu.memory_space<hbm>>
    %dma_wait3A_1271 = tpu.memref_slice %arg4[%multiple_of3A_1251, %mul3A_1253] : memref<40960x128xf32, #tpu.memory_space<hbm>> -> memref<128x64xf32, #tpu.memory_space<hbm>>
    %dma_wait3A_1272 = arith.constant 0 : i32
    %dma_wait3A_1273 = arith.constant 0 : i32
    %dma_wait3A_1274 = tpu.memref_slice %arg6[%dma_wait3A_1265, %dma_wait3A_1272, %dma_wait3A_1273] : memref<2x128x64xf32, #tpu.memory_space<vmem>> -> memref<1x128x64xf32, #tpu.memory_space<vmem>>
    %dma_wait3A_1275 = tpu.memref_squeeze %dma_wait3A_1274 : memref<1x128x64xf32, #tpu.memory_space<vmem>> -> memref<128x64xf32, #tpu.memory_space<vmem>>
    tpu.wait_dma2 semaphore(%arg10 : memref<!tpu.dma_semaphore, #tpu.memory_space<semaphore_mem>>) src(%dma_wait3A_1275 : memref<128x64xf32, #tpu.memory_space<vmem>>) dst(%dma_wait3A_1271 : memref<128x64xf32, #tpu.memory_space<hbm>>)
    %dma_start3A_1276 = arith.constant 13 : i32
    %dma_start3A_1277 = arith.constant 1 : i32
    %dma_start3A_1278 = arith.constant 0 : i32
    %dma_start3A_1279 = arith.constant 0 : i32
    %dma_start3A_1280 = tpu.memref_slice %arg6[%dma_start3A_1277, %dma_start3A_1278, %dma_start3A_1279] : memref<2x128x64xf32, #tpu.memory_space<vmem>> -> memref<1x128x64xf32, #tpu.memory_space<vmem>>
    %dma_start3A_1281 = tpu.memref_squeeze %dma_start3A_1280 : memref<1x128x64xf32, #tpu.memory_space<vmem>> -> memref<128x64xf32, #tpu.memory_space<vmem>>
    %dma_start3A_1282 = arith.constant 0 : i32
    %dma_start3A_1283 = tpu.memref_slice %arg5[%dma_start3A_1276, %dma_start3A_1282] : memref<20x128xi32, #tpu.memory_space<vmem>> -> memref<1x128xi32, #tpu.memory_space<vmem>>
    %dma_start3A_1284 = tpu.memref_squeeze %dma_start3A_1283 : memref<1x128xi32, #tpu.memory_space<vmem>> -> memref<128xi32, #tpu.memory_space<vmem>>
    %dma_start3A_1285 = arith.constant 0 : i32
    %dma_start3A_1286 = arith.constant 0 : i32
    %dma_start3A_1287 = tpu.memref_slice %arg2[%dma_start3A_1285, %dma_start3A_1286] : memref<200704x64xf32, #tpu.memory_space<hbm>> -> memref<200704x64xf32, #tpu.memory_space<hbm>>
    tpu.enqueue_indirect_dma source(%dma_start3A_1287 : memref<200704x64xf32, #tpu.memory_space<hbm>>) target(%dma_start3A_1281 : memref<128x64xf32, #tpu.memory_space<vmem>>) offsets(%dma_start3A_1284 : memref<128xi32, #tpu.memory_space<vmem>>) semaphore(%arg8 : memref<!tpu.dma_semaphore, #tpu.memory_space<semaphore_mem>>)
    %dma_wait3A_1288 = arith.constant 12 : i32
    %dma_wait3A_1289 = arith.constant 0 : i32
    %dma_wait3A_1290 = arith.constant 0 : i32
    %dma_wait3A_1291 = arith.constant 0 : i32
    %dma_wait3A_1292 = tpu.memref_slice %arg6[%dma_wait3A_1289, %dma_wait3A_1290, %dma_wait3A_1291] : memref<2x128x64xf32, #tpu.memory_space<vmem>> -> memref<1x128x64xf32, #tpu.memory_space<vmem>>
    %dma_wait3A_1293 = tpu.memref_squeeze %dma_wait3A_1292 : memref<1x128x64xf32, #tpu.memory_space<vmem>> -> memref<128x64xf32, #tpu.memory_space<vmem>>
    %dma_wait3A_1294 = arith.constant 0 : i32
    %dma_wait3A_1295 = tpu.memref_slice %arg5[%dma_wait3A_1288, %dma_wait3A_1294] : memref<20x128xi32, #tpu.memory_space<vmem>> -> memref<1x128xi32, #tpu.memory_space<vmem>>
    %dma_wait3A_1296 = tpu.memref_squeeze %dma_wait3A_1295 : memref<1x128xi32, #tpu.memory_space<vmem>> -> memref<128xi32, #tpu.memory_space<vmem>>
    %dma_wait3A_1297 = arith.constant 0 : i32
    %dma_wait3A_1298 = arith.constant 0 : i32
    %dma_wait3A_1299 = tpu.memref_slice %arg2[%dma_wait3A_1297, %dma_wait3A_1298] : memref<200704x64xf32, #tpu.memory_space<hbm>> -> memref<200704x64xf32, #tpu.memory_space<hbm>>
    tpu.wait_indirect_dma semaphore(%arg7 : memref<!tpu.dma_semaphore, #tpu.memory_space<semaphore_mem>>) src(%dma_wait3A_1299 : memref<200704x64xf32, #tpu.memory_space<hbm>>) dst(%dma_wait3A_1293 : memref<128x64xf32, #tpu.memory_space<vmem>>)
    %add3A_1300 = arith.constant 1536 : i32
    %add3A_1301 = arith.addi %mul3A_2, %add3A_1300 : i32
    %rem3A_1302 = arith.constant 16384 : i32
    %rem3A_1303 = arith.remsi %add3A_1301, %rem3A_1302 : i32
    %jit3A_1304 = arith.constant 8192 : i32
    %div3A_1305 = arith.divsi %rem3A_1303, %jit3A_1304 : i32
    %sign3A_1306 = arith.constant 0 : i32
    %sign3A_1307 = arith.cmpi sgt, %rem3A_1303, %sign3A_1306 : i32
    %sign3A_1308 = arith.extui %sign3A_1307 : i1 to i32
    %sign3A_1309 = arith.constant 0 : i32
    %sign3A_1310 = arith.cmpi slt, %rem3A_1303, %sign3A_1309 : i32
    %sign3A_1311 = arith.extui %sign3A_1310 : i1 to i32
    %sign3A_1312 = arith.subi %sign3A_1308, %sign3A_1311 : i32
    %sign3A_1313 = arith.constant 0 : i32
    %sign3A_1314 = arith.cmpi sgt, %jit3A_1304, %sign3A_1313 : i32
    %sign3A_1315 = arith.extui %sign3A_1314 : i1 to i32
    %sign3A_1316 = arith.constant 0 : i32
    %sign3A_1317 = arith.cmpi slt, %jit3A_1304, %sign3A_1316 : i32
    %sign3A_1318 = arith.extui %sign3A_1317 : i1 to i32
    %sign3A_1319 = arith.subi %sign3A_1315, %sign3A_1318 : i32
    %ne3A_1320 = arith.cmpi ne, %sign3A_1312, %sign3A_1319 : i32
    %rem3A_1321 = arith.remsi %rem3A_1303, %jit3A_1304 : i32
    %ne3A_1322 = arith.constant 0 : i32
    %ne3A_1323 = arith.cmpi ne, %rem3A_1321, %ne3A_1322 : i32
    %and3A_1324 = arith.andi %ne3A_1320, %ne3A_1323 : i1
    %sub3A_1325 = arith.constant 1 : i32
    %sub3A_1326 = arith.subi %div3A_1305, %sub3A_1325 : i32
    %select_n3A_1327 = arith.select %and3A_1324, %sub3A_1326, %div3A_1305 : i32
    %jit3A_1328 = arith.constant 16384 : i32
    %div3A_1329 = arith.divsi %add3A_1301, %jit3A_1328 : i32
    %sign3A_1330 = arith.constant 0 : i32
    %sign3A_1331 = arith.cmpi sgt, %add3A_1301, %sign3A_1330 : i32
    %sign3A_1332 = arith.extui %sign3A_1331 : i1 to i32
    %sign3A_1333 = arith.constant 0 : i32
    %sign3A_1334 = arith.cmpi slt, %add3A_1301, %sign3A_1333 : i32
    %sign3A_1335 = arith.extui %sign3A_1334 : i1 to i32
    %sign3A_1336 = arith.subi %sign3A_1332, %sign3A_1335 : i32
    %sign3A_1337 = arith.constant 0 : i32
    %sign3A_1338 = arith.cmpi sgt, %jit3A_1328, %sign3A_1337 : i32
    %sign3A_1339 = arith.extui %sign3A_1338 : i1 to i32
    %sign3A_1340 = arith.constant 0 : i32
    %sign3A_1341 = arith.cmpi slt, %jit3A_1328, %sign3A_1340 : i32
    %sign3A_1342 = arith.extui %sign3A_1341 : i1 to i32
    %sign3A_1343 = arith.subi %sign3A_1339, %sign3A_1342 : i32
    %ne3A_1344 = arith.cmpi ne, %sign3A_1336, %sign3A_1343 : i32
    %rem3A_1345 = arith.remsi %add3A_1301, %jit3A_1328 : i32
    %ne3A_1346 = arith.constant 0 : i32
    %ne3A_1347 = arith.cmpi ne, %rem3A_1345, %ne3A_1346 : i32
    %and3A_1348 = arith.andi %ne3A_1344, %ne3A_1347 : i1
    %sub3A_1349 = arith.constant 1 : i32
    %sub3A_1350 = arith.subi %div3A_1329, %sub3A_1349 : i32
    %select_n3A_1351 = arith.select %and3A_1348, %sub3A_1350, %div3A_1329 : i32
    %mul3A_1352 = arith.constant 8192 : i32
    %mul3A_1353 = arith.muli %select_n3A_1351, %mul3A_1352 : i32
    %rem3A_1354 = arith.constant 8192 : i32
    %rem3A_1355 = arith.remsi %rem3A_1303, %rem3A_1354 : i32
    %add3A_1356 = arith.addi %mul3A_1353, %rem3A_1355 : i32
    %multiple_of3A_1357 = tpu.assume_multiple %add3A_1356, 128 : i32
    %mul3A_1358 = arith.constant 64 : i32
    %mul3A_1359 = arith.muli %select_n3A_1327, %mul3A_1358 : i32
    %dma_start3A_1360 = arith.constant 0 : i32
    %dma_start3A_1361 = arith.constant 0 : i32
    %dma_start3A_1362 = arith.constant 0 : i32
    %dma_start3A_1363 = tpu.memref_slice %arg6[%dma_start3A_1360, %dma_start3A_1361, %dma_start3A_1362] : memref<2x128x64xf32, #tpu.memory_space<vmem>> -> memref<1x128x64xf32, #tpu.memory_space<vmem>>
    %dma_start3A_1364 = tpu.memref_squeeze %dma_start3A_1363 : memref<1x128x64xf32, #tpu.memory_space<vmem>> -> memref<128x64xf32, #tpu.memory_space<vmem>>
    %dma_start3A_1365 = tpu.memref_slice %arg4[%multiple_of3A_1357, %mul3A_1359] : memref<40960x128xf32, #tpu.memory_space<hbm>> -> memref<128x64xf32, #tpu.memory_space<hbm>>
    %dma_start3A_1366 = tpu.memref_slice %arg4[%multiple_of3A_1357, %mul3A_1359] : memref<40960x128xf32, #tpu.memory_space<hbm>> -> memref<128x64xf32, #tpu.memory_space<hbm>>
    %dma_start3A_1367 = arith.constant 0 : i32
    %dma_start3A_1368 = arith.constant 0 : i32
    %dma_start3A_1369 = tpu.memref_slice %arg6[%dma_start3A_1360, %dma_start3A_1367, %dma_start3A_1368] : memref<2x128x64xf32, #tpu.memory_space<vmem>> -> memref<1x128x64xf32, #tpu.memory_space<vmem>>
    %dma_start3A_1370 = tpu.memref_squeeze %dma_start3A_1369 : memref<1x128x64xf32, #tpu.memory_space<vmem>> -> memref<128x64xf32, #tpu.memory_space<vmem>>
    tpu.enqueue_dma source(%dma_start3A_1370 : memref<128x64xf32, #tpu.memory_space<vmem>>) target(%dma_start3A_1366 : memref<128x64xf32, #tpu.memory_space<hbm>>) target_semaphore(%arg9 : memref<!tpu.dma_semaphore, #tpu.memory_space<semaphore_mem>>)
    %dma_wait3A_1371 = arith.constant 0 : i32
    %dma_wait3A_1372 = arith.constant 0 : i32
    %dma_wait3A_1373 = arith.constant 0 : i32
    %dma_wait3A_1374 = tpu.memref_slice %arg6[%dma_wait3A_1371, %dma_wait3A_1372, %dma_wait3A_1373] : memref<2x128x64xf32, #tpu.memory_space<vmem>> -> memref<1x128x64xf32, #tpu.memory_space<vmem>>
    %dma_wait3A_1375 = tpu.memref_squeeze %dma_wait3A_1374 : memref<1x128x64xf32, #tpu.memory_space<vmem>> -> memref<128x64xf32, #tpu.memory_space<vmem>>
    %dma_wait3A_1376 = tpu.memref_slice %arg4[%multiple_of3A_1357, %mul3A_1359] : memref<40960x128xf32, #tpu.memory_space<hbm>> -> memref<128x64xf32, #tpu.memory_space<hbm>>
    %dma_wait3A_1377 = tpu.memref_slice %arg4[%multiple_of3A_1357, %mul3A_1359] : memref<40960x128xf32, #tpu.memory_space<hbm>> -> memref<128x64xf32, #tpu.memory_space<hbm>>
    %dma_wait3A_1378 = arith.constant 0 : i32
    %dma_wait3A_1379 = arith.constant 0 : i32
    %dma_wait3A_1380 = tpu.memref_slice %arg6[%dma_wait3A_1371, %dma_wait3A_1378, %dma_wait3A_1379] : memref<2x128x64xf32, #tpu.memory_space<vmem>> -> memref<1x128x64xf32, #tpu.memory_space<vmem>>
    %dma_wait3A_1381 = tpu.memref_squeeze %dma_wait3A_1380 : memref<1x128x64xf32, #tpu.memory_space<vmem>> -> memref<128x64xf32, #tpu.memory_space<vmem>>
    tpu.wait_dma2 semaphore(%arg9 : memref<!tpu.dma_semaphore, #tpu.memory_space<semaphore_mem>>) src(%dma_wait3A_1381 : memref<128x64xf32, #tpu.memory_space<vmem>>) dst(%dma_wait3A_1377 : memref<128x64xf32, #tpu.memory_space<hbm>>)
    %dma_start3A_1382 = arith.constant 14 : i32
    %dma_start3A_1383 = arith.constant 0 : i32
    %dma_start3A_1384 = arith.constant 0 : i32
    %dma_start3A_1385 = arith.constant 0 : i32
    %dma_start3A_1386 = tpu.memref_slice %arg6[%dma_start3A_1383, %dma_start3A_1384, %dma_start3A_1385] : memref<2x128x64xf32, #tpu.memory_space<vmem>> -> memref<1x128x64xf32, #tpu.memory_space<vmem>>
    %dma_start3A_1387 = tpu.memref_squeeze %dma_start3A_1386 : memref<1x128x64xf32, #tpu.memory_space<vmem>> -> memref<128x64xf32, #tpu.memory_space<vmem>>
    %dma_start3A_1388 = arith.constant 0 : i32
    %dma_start3A_1389 = tpu.memref_slice %arg5[%dma_start3A_1382, %dma_start3A_1388] : memref<20x128xi32, #tpu.memory_space<vmem>> -> memref<1x128xi32, #tpu.memory_space<vmem>>
    %dma_start3A_1390 = tpu.memref_squeeze %dma_start3A_1389 : memref<1x128xi32, #tpu.memory_space<vmem>> -> memref<128xi32, #tpu.memory_space<vmem>>
    %dma_start3A_1391 = arith.constant 0 : i32
    %dma_start3A_1392 = arith.constant 0 : i32
    %dma_start3A_1393 = tpu.memref_slice %arg2[%dma_start3A_1391, %dma_start3A_1392] : memref<200704x64xf32, #tpu.memory_space<hbm>> -> memref<200704x64xf32, #tpu.memory_space<hbm>>
    tpu.enqueue_indirect_dma source(%dma_start3A_1393 : memref<200704x64xf32, #tpu.memory_space<hbm>>) target(%dma_start3A_1387 : memref<128x64xf32, #tpu.memory_space<vmem>>) offsets(%dma_start3A_1390 : memref<128xi32, #tpu.memory_space<vmem>>) semaphore(%arg7 : memref<!tpu.dma_semaphore, #tpu.memory_space<semaphore_mem>>)
    %dma_wait3A_1394 = arith.constant 13 : i32
    %dma_wait3A_1395 = arith.constant 1 : i32
    %dma_wait3A_1396 = arith.constant 0 : i32
    %dma_wait3A_1397 = arith.constant 0 : i32
    %dma_wait3A_1398 = tpu.memref_slice %arg6[%dma_wait3A_1395, %dma_wait3A_1396, %dma_wait3A_1397] : memref<2x128x64xf32, #tpu.memory_space<vmem>> -> memref<1x128x64xf32, #tpu.memory_space<vmem>>
    %dma_wait3A_1399 = tpu.memref_squeeze %dma_wait3A_1398 : memref<1x128x64xf32, #tpu.memory_space<vmem>> -> memref<128x64xf32, #tpu.memory_space<vmem>>
    %dma_wait3A_1400 = arith.constant 0 : i32
    %dma_wait3A_1401 = tpu.memref_slice %arg5[%dma_wait3A_1394, %dma_wait3A_1400] : memref<20x128xi32, #tpu.memory_space<vmem>> -> memref<1x128xi32, #tpu.memory_space<vmem>>
    %dma_wait3A_1402 = tpu.memref_squeeze %dma_wait3A_1401 : memref<1x128xi32, #tpu.memory_space<vmem>> -> memref<128xi32, #tpu.memory_space<vmem>>
    %dma_wait3A_1403 = arith.constant 0 : i32
    %dma_wait3A_1404 = arith.constant 0 : i32
    %dma_wait3A_1405 = tpu.memref_slice %arg2[%dma_wait3A_1403, %dma_wait3A_1404] : memref<200704x64xf32, #tpu.memory_space<hbm>> -> memref<200704x64xf32, #tpu.memory_space<hbm>>
    tpu.wait_indirect_dma semaphore(%arg8 : memref<!tpu.dma_semaphore, #tpu.memory_space<semaphore_mem>>) src(%dma_wait3A_1405 : memref<200704x64xf32, #tpu.memory_space<hbm>>) dst(%dma_wait3A_1399 : memref<128x64xf32, #tpu.memory_space<vmem>>)
    %add3A_1406 = arith.constant 1664 : i32
    %add3A_1407 = arith.addi %mul3A_2, %add3A_1406 : i32
    %rem3A_1408 = arith.constant 16384 : i32
    %rem3A_1409 = arith.remsi %add3A_1407, %rem3A_1408 : i32
    %jit3A_1410 = arith.constant 8192 : i32
    %div3A_1411 = arith.divsi %rem3A_1409, %jit3A_1410 : i32
    %sign3A_1412 = arith.constant 0 : i32
    %sign3A_1413 = arith.cmpi sgt, %rem3A_1409, %sign3A_1412 : i32
    %sign3A_1414 = arith.extui %sign3A_1413 : i1 to i32
    %sign3A_1415 = arith.constant 0 : i32
    %sign3A_1416 = arith.cmpi slt, %rem3A_1409, %sign3A_1415 : i32
    %sign3A_1417 = arith.extui %sign3A_1416 : i1 to i32
    %sign3A_1418 = arith.subi %sign3A_1414, %sign3A_1417 : i32
    %sign3A_1419 = arith.constant 0 : i32
    %sign3A_1420 = arith.cmpi sgt, %jit3A_1410, %sign3A_1419 : i32
    %sign3A_1421 = arith.extui %sign3A_1420 : i1 to i32
    %sign3A_1422 = arith.constant 0 : i32
    %sign3A_1423 = arith.cmpi slt, %jit3A_1410, %sign3A_1422 : i32
    %sign3A_1424 = arith.extui %sign3A_1423 : i1 to i32
    %sign3A_1425 = arith.subi %sign3A_1421, %sign3A_1424 : i32
    %ne3A_1426 = arith.cmpi ne, %sign3A_1418, %sign3A_1425 : i32
    %rem3A_1427 = arith.remsi %rem3A_1409, %jit3A_1410 : i32
    %ne3A_1428 = arith.constant 0 : i32
    %ne3A_1429 = arith.cmpi ne, %rem3A_1427, %ne3A_1428 : i32
    %and3A_1430 = arith.andi %ne3A_1426, %ne3A_1429 : i1
    %sub3A_1431 = arith.constant 1 : i32
    %sub3A_1432 = arith.subi %div3A_1411, %sub3A_1431 : i32
    %select_n3A_1433 = arith.select %and3A_1430, %sub3A_1432, %div3A_1411 : i32
    %jit3A_1434 = arith.constant 16384 : i32
    %div3A_1435 = arith.divsi %add3A_1407, %jit3A_1434 : i32
    %sign3A_1436 = arith.constant 0 : i32
    %sign3A_1437 = arith.cmpi sgt, %add3A_1407, %sign3A_1436 : i32
    %sign3A_1438 = arith.extui %sign3A_1437 : i1 to i32
    %sign3A_1439 = arith.constant 0 : i32
    %sign3A_1440 = arith.cmpi slt, %add3A_1407, %sign3A_1439 : i32
    %sign3A_1441 = arith.extui %sign3A_1440 : i1 to i32
    %sign3A_1442 = arith.subi %sign3A_1438, %sign3A_1441 : i32
    %sign3A_1443 = arith.constant 0 : i32
    %sign3A_1444 = arith.cmpi sgt, %jit3A_1434, %sign3A_1443 : i32
    %sign3A_1445 = arith.extui %sign3A_1444 : i1 to i32
    %sign3A_1446 = arith.constant 0 : i32
    %sign3A_1447 = arith.cmpi slt, %jit3A_1434, %sign3A_1446 : i32
    %sign3A_1448 = arith.extui %sign3A_1447 : i1 to i32
    %sign3A_1449 = arith.subi %sign3A_1445, %sign3A_1448 : i32
    %ne3A_1450 = arith.cmpi ne, %sign3A_1442, %sign3A_1449 : i32
    %rem3A_1451 = arith.remsi %add3A_1407, %jit3A_1434 : i32
    %ne3A_1452 = arith.constant 0 : i32
    %ne3A_1453 = arith.cmpi ne, %rem3A_1451, %ne3A_1452 : i32
    %and3A_1454 = arith.andi %ne3A_1450, %ne3A_1453 : i1
    %sub3A_1455 = arith.constant 1 : i32
    %sub3A_1456 = arith.subi %div3A_1435, %sub3A_1455 : i32
    %select_n3A_1457 = arith.select %and3A_1454, %sub3A_1456, %div3A_1435 : i32
    %mul3A_1458 = arith.constant 8192 : i32
    %mul3A_1459 = arith.muli %select_n3A_1457, %mul3A_1458 : i32
    %rem3A_1460 = arith.constant 8192 : i32
    %rem3A_1461 = arith.remsi %rem3A_1409, %rem3A_1460 : i32
    %add3A_1462 = arith.addi %mul3A_1459, %rem3A_1461 : i32
    %multiple_of3A_1463 = tpu.assume_multiple %add3A_1462, 128 : i32
    %mul3A_1464 = arith.constant 64 : i32
    %mul3A_1465 = arith.muli %select_n3A_1433, %mul3A_1464 : i32
    %dma_start3A_1466 = arith.constant 1 : i32
    %dma_start3A_1467 = arith.constant 0 : i32
    %dma_start3A_1468 = arith.constant 0 : i32
    %dma_start3A_1469 = tpu.memref_slice %arg6[%dma_start3A_1466, %dma_start3A_1467, %dma_start3A_1468] : memref<2x128x64xf32, #tpu.memory_space<vmem>> -> memref<1x128x64xf32, #tpu.memory_space<vmem>>
    %dma_start3A_1470 = tpu.memref_squeeze %dma_start3A_1469 : memref<1x128x64xf32, #tpu.memory_space<vmem>> -> memref<128x64xf32, #tpu.memory_space<vmem>>
    %dma_start3A_1471 = tpu.memref_slice %arg4[%multiple_of3A_1463, %mul3A_1465] : memref<40960x128xf32, #tpu.memory_space<hbm>> -> memref<128x64xf32, #tpu.memory_space<hbm>>
    %dma_start3A_1472 = tpu.memref_slice %arg4[%multiple_of3A_1463, %mul3A_1465] : memref<40960x128xf32, #tpu.memory_space<hbm>> -> memref<128x64xf32, #tpu.memory_space<hbm>>
    %dma_start3A_1473 = arith.constant 0 : i32
    %dma_start3A_1474 = arith.constant 0 : i32
    %dma_start3A_1475 = tpu.memref_slice %arg6[%dma_start3A_1466, %dma_start3A_1473, %dma_start3A_1474] : memref<2x128x64xf32, #tpu.memory_space<vmem>> -> memref<1x128x64xf32, #tpu.memory_space<vmem>>
    %dma_start3A_1476 = tpu.memref_squeeze %dma_start3A_1475 : memref<1x128x64xf32, #tpu.memory_space<vmem>> -> memref<128x64xf32, #tpu.memory_space<vmem>>
    tpu.enqueue_dma source(%dma_start3A_1476 : memref<128x64xf32, #tpu.memory_space<vmem>>) target(%dma_start3A_1472 : memref<128x64xf32, #tpu.memory_space<hbm>>) target_semaphore(%arg10 : memref<!tpu.dma_semaphore, #tpu.memory_space<semaphore_mem>>)
    %dma_wait3A_1477 = arith.constant 1 : i32
    %dma_wait3A_1478 = arith.constant 0 : i32
    %dma_wait3A_1479 = arith.constant 0 : i32
    %dma_wait3A_1480 = tpu.memref_slice %arg6[%dma_wait3A_1477, %dma_wait3A_1478, %dma_wait3A_1479] : memref<2x128x64xf32, #tpu.memory_space<vmem>> -> memref<1x128x64xf32, #tpu.memory_space<vmem>>
    %dma_wait3A_1481 = tpu.memref_squeeze %dma_wait3A_1480 : memref<1x128x64xf32, #tpu.memory_space<vmem>> -> memref<128x64xf32, #tpu.memory_space<vmem>>
    %dma_wait3A_1482 = tpu.memref_slice %arg4[%multiple_of3A_1463, %mul3A_1465] : memref<40960x128xf32, #tpu.memory_space<hbm>> -> memref<128x64xf32, #tpu.memory_space<hbm>>
    %dma_wait3A_1483 = tpu.memref_slice %arg4[%multiple_of3A_1463, %mul3A_1465] : memref<40960x128xf32, #tpu.memory_space<hbm>> -> memref<128x64xf32, #tpu.memory_space<hbm>>
    %dma_wait3A_1484 = arith.constant 0 : i32
    %dma_wait3A_1485 = arith.constant 0 : i32
    %dma_wait3A_1486 = tpu.memref_slice %arg6[%dma_wait3A_1477, %dma_wait3A_1484, %dma_wait3A_1485] : memref<2x128x64xf32, #tpu.memory_space<vmem>> -> memref<1x128x64xf32, #tpu.memory_space<vmem>>
    %dma_wait3A_1487 = tpu.memref_squeeze %dma_wait3A_1486 : memref<1x128x64xf32, #tpu.memory_space<vmem>> -> memref<128x64xf32, #tpu.memory_space<vmem>>
    tpu.wait_dma2 semaphore(%arg10 : memref<!tpu.dma_semaphore, #tpu.memory_space<semaphore_mem>>) src(%dma_wait3A_1487 : memref<128x64xf32, #tpu.memory_space<vmem>>) dst(%dma_wait3A_1483 : memref<128x64xf32, #tpu.memory_space<hbm>>)
    %dma_start3A_1488 = arith.constant 15 : i32
    %dma_start3A_1489 = arith.constant 1 : i32
    %dma_start3A_1490 = arith.constant 0 : i32
    %dma_start3A_1491 = arith.constant 0 : i32
    %dma_start3A_1492 = tpu.memref_slice %arg6[%dma_start3A_1489, %dma_start3A_1490, %dma_start3A_1491] : memref<2x128x64xf32, #tpu.memory_space<vmem>> -> memref<1x128x64xf32, #tpu.memory_space<vmem>>
    %dma_start3A_1493 = tpu.memref_squeeze %dma_start3A_1492 : memref<1x128x64xf32, #tpu.memory_space<vmem>> -> memref<128x64xf32, #tpu.memory_space<vmem>>
    %dma_start3A_1494 = arith.constant 0 : i32
    %dma_start3A_1495 = tpu.memref_slice %arg5[%dma_start3A_1488, %dma_start3A_1494] : memref<20x128xi32, #tpu.memory_space<vmem>> -> memref<1x128xi32, #tpu.memory_space<vmem>>
    %dma_start3A_1496 = tpu.memref_squeeze %dma_start3A_1495 : memref<1x128xi32, #tpu.memory_space<vmem>> -> memref<128xi32, #tpu.memory_space<vmem>>
    %dma_start3A_1497 = arith.constant 0 : i32
    %dma_start3A_1498 = arith.constant 0 : i32
    %dma_start3A_1499 = tpu.memref_slice %arg2[%dma_start3A_1497, %dma_start3A_1498] : memref<200704x64xf32, #tpu.memory_space<hbm>> -> memref<200704x64xf32, #tpu.memory_space<hbm>>
    tpu.enqueue_indirect_dma source(%dma_start3A_1499 : memref<200704x64xf32, #tpu.memory_space<hbm>>) target(%dma_start3A_1493 : memref<128x64xf32, #tpu.memory_space<vmem>>) offsets(%dma_start3A_1496 : memref<128xi32, #tpu.memory_space<vmem>>) semaphore(%arg8 : memref<!tpu.dma_semaphore, #tpu.memory_space<semaphore_mem>>)
    %dma_wait3A_1500 = arith.constant 14 : i32
    %dma_wait3A_1501 = arith.constant 0 : i32
    %dma_wait3A_1502 = arith.constant 0 : i32
    %dma_wait3A_1503 = arith.constant 0 : i32
    %dma_wait3A_1504 = tpu.memref_slice %arg6[%dma_wait3A_1501, %dma_wait3A_1502, %dma_wait3A_1503] : memref<2x128x64xf32, #tpu.memory_space<vmem>> -> memref<1x128x64xf32, #tpu.memory_space<vmem>>
    %dma_wait3A_1505 = tpu.memref_squeeze %dma_wait3A_1504 : memref<1x128x64xf32, #tpu.memory_space<vmem>> -> memref<128x64xf32, #tpu.memory_space<vmem>>
    %dma_wait3A_1506 = arith.constant 0 : i32
    %dma_wait3A_1507 = tpu.memref_slice %arg5[%dma_wait3A_1500, %dma_wait3A_1506] : memref<20x128xi32, #tpu.memory_space<vmem>> -> memref<1x128xi32, #tpu.memory_space<vmem>>
    %dma_wait3A_1508 = tpu.memref_squeeze %dma_wait3A_1507 : memref<1x128xi32, #tpu.memory_space<vmem>> -> memref<128xi32, #tpu.memory_space<vmem>>
    %dma_wait3A_1509 = arith.constant 0 : i32
    %dma_wait3A_1510 = arith.constant 0 : i32
    %dma_wait3A_1511 = tpu.memref_slice %arg2[%dma_wait3A_1509, %dma_wait3A_1510] : memref<200704x64xf32, #tpu.memory_space<hbm>> -> memref<200704x64xf32, #tpu.memory_space<hbm>>
    tpu.wait_indirect_dma semaphore(%arg7 : memref<!tpu.dma_semaphore, #tpu.memory_space<semaphore_mem>>) src(%dma_wait3A_1511 : memref<200704x64xf32, #tpu.memory_space<hbm>>) dst(%dma_wait3A_1505 : memref<128x64xf32, #tpu.memory_space<vmem>>)
    %add3A_1512 = arith.constant 1792 : i32
    %add3A_1513 = arith.addi %mul3A_2, %add3A_1512 : i32
    %rem3A_1514 = arith.constant 16384 : i32
    %rem3A_1515 = arith.remsi %add3A_1513, %rem3A_1514 : i32
    %jit3A_1516 = arith.constant 8192 : i32
    %div3A_1517 = arith.divsi %rem3A_1515, %jit3A_1516 : i32
    %sign3A_1518 = arith.constant 0 : i32
    %sign3A_1519 = arith.cmpi sgt, %rem3A_1515, %sign3A_1518 : i32
    %sign3A_1520 = arith.extui %sign3A_1519 : i1 to i32
    %sign3A_1521 = arith.constant 0 : i32
    %sign3A_1522 = arith.cmpi slt, %rem3A_1515, %sign3A_1521 : i32
    %sign3A_1523 = arith.extui %sign3A_1522 : i1 to i32
    %sign3A_1524 = arith.subi %sign3A_1520, %sign3A_1523 : i32
    %sign3A_1525 = arith.constant 0 : i32
    %sign3A_1526 = arith.cmpi sgt, %jit3A_1516, %sign3A_1525 : i32
    %sign3A_1527 = arith.extui %sign3A_1526 : i1 to i32
    %sign3A_1528 = arith.constant 0 : i32
    %sign3A_1529 = arith.cmpi slt, %jit3A_1516, %sign3A_1528 : i32
    %sign3A_1530 = arith.extui %sign3A_1529 : i1 to i32
    %sign3A_1531 = arith.subi %sign3A_1527, %sign3A_1530 : i32
    %ne3A_1532 = arith.cmpi ne, %sign3A_1524, %sign3A_1531 : i32
    %rem3A_1533 = arith.remsi %rem3A_1515, %jit3A_1516 : i32
    %ne3A_1534 = arith.constant 0 : i32
    %ne3A_1535 = arith.cmpi ne, %rem3A_1533, %ne3A_1534 : i32
    %and3A_1536 = arith.andi %ne3A_1532, %ne3A_1535 : i1
    %sub3A_1537 = arith.constant 1 : i32
    %sub3A_1538 = arith.subi %div3A_1517, %sub3A_1537 : i32
    %select_n3A_1539 = arith.select %and3A_1536, %sub3A_1538, %div3A_1517 : i32
    %jit3A_1540 = arith.constant 16384 : i32
    %div3A_1541 = arith.divsi %add3A_1513, %jit3A_1540 : i32
    %sign3A_1542 = arith.constant 0 : i32
    %sign3A_1543 = arith.cmpi sgt, %add3A_1513, %sign3A_1542 : i32
    %sign3A_1544 = arith.extui %sign3A_1543 : i1 to i32
    %sign3A_1545 = arith.constant 0 : i32
    %sign3A_1546 = arith.cmpi slt, %add3A_1513, %sign3A_1545 : i32
    %sign3A_1547 = arith.extui %sign3A_1546 : i1 to i32
    %sign3A_1548 = arith.subi %sign3A_1544, %sign3A_1547 : i32
    %sign3A_1549 = arith.constant 0 : i32
    %sign3A_1550 = arith.cmpi sgt, %jit3A_1540, %sign3A_1549 : i32
    %sign3A_1551 = arith.extui %sign3A_1550 : i1 to i32
    %sign3A_1552 = arith.constant 0 : i32
    %sign3A_1553 = arith.cmpi slt, %jit3A_1540, %sign3A_1552 : i32
    %sign3A_1554 = arith.extui %sign3A_1553 : i1 to i32
    %sign3A_1555 = arith.subi %sign3A_1551, %sign3A_1554 : i32
    %ne3A_1556 = arith.cmpi ne, %sign3A_1548, %sign3A_1555 : i32
    %rem3A_1557 = arith.remsi %add3A_1513, %jit3A_1540 : i32
    %ne3A_1558 = arith.constant 0 : i32
    %ne3A_1559 = arith.cmpi ne, %rem3A_1557, %ne3A_1558 : i32
    %and3A_1560 = arith.andi %ne3A_1556, %ne3A_1559 : i1
    %sub3A_1561 = arith.constant 1 : i32
    %sub3A_1562 = arith.subi %div3A_1541, %sub3A_1561 : i32
    %select_n3A_1563 = arith.select %and3A_1560, %sub3A_1562, %div3A_1541 : i32
    %mul3A_1564 = arith.constant 8192 : i32
    %mul3A_1565 = arith.muli %select_n3A_1563, %mul3A_1564 : i32
    %rem3A_1566 = arith.constant 8192 : i32
    %rem3A_1567 = arith.remsi %rem3A_1515, %rem3A_1566 : i32
    %add3A_1568 = arith.addi %mul3A_1565, %rem3A_1567 : i32
    %multiple_of3A_1569 = tpu.assume_multiple %add3A_1568, 128 : i32
    %mul3A_1570 = arith.constant 64 : i32
    %mul3A_1571 = arith.muli %select_n3A_1539, %mul3A_1570 : i32
    %dma_start3A_1572 = arith.constant 0 : i32
    %dma_start3A_1573 = arith.constant 0 : i32
    %dma_start3A_1574 = arith.constant 0 : i32
    %dma_start3A_1575 = tpu.memref_slice %arg6[%dma_start3A_1572, %dma_start3A_1573, %dma_start3A_1574] : memref<2x128x64xf32, #tpu.memory_space<vmem>> -> memref<1x128x64xf32, #tpu.memory_space<vmem>>
    %dma_start3A_1576 = tpu.memref_squeeze %dma_start3A_1575 : memref<1x128x64xf32, #tpu.memory_space<vmem>> -> memref<128x64xf32, #tpu.memory_space<vmem>>
    %dma_start3A_1577 = tpu.memref_slice %arg4[%multiple_of3A_1569, %mul3A_1571] : memref<40960x128xf32, #tpu.memory_space<hbm>> -> memref<128x64xf32, #tpu.memory_space<hbm>>
    %dma_start3A_1578 = tpu.memref_slice %arg4[%multiple_of3A_1569, %mul3A_1571] : memref<40960x128xf32, #tpu.memory_space<hbm>> -> memref<128x64xf32, #tpu.memory_space<hbm>>
    %dma_start3A_1579 = arith.constant 0 : i32
    %dma_start3A_1580 = arith.constant 0 : i32
    %dma_start3A_1581 = tpu.memref_slice %arg6[%dma_start3A_1572, %dma_start3A_1579, %dma_start3A_1580] : memref<2x128x64xf32, #tpu.memory_space<vmem>> -> memref<1x128x64xf32, #tpu.memory_space<vmem>>
    %dma_start3A_1582 = tpu.memref_squeeze %dma_start3A_1581 : memref<1x128x64xf32, #tpu.memory_space<vmem>> -> memref<128x64xf32, #tpu.memory_space<vmem>>
    tpu.enqueue_dma source(%dma_start3A_1582 : memref<128x64xf32, #tpu.memory_space<vmem>>) target(%dma_start3A_1578 : memref<128x64xf32, #tpu.memory_space<hbm>>) target_semaphore(%arg9 : memref<!tpu.dma_semaphore, #tpu.memory_space<semaphore_mem>>)
    %dma_wait3A_1583 = arith.constant 0 : i32
    %dma_wait3A_1584 = arith.constant 0 : i32
    %dma_wait3A_1585 = arith.constant 0 : i32
    %dma_wait3A_1586 = tpu.memref_slice %arg6[%dma_wait3A_1583, %dma_wait3A_1584, %dma_wait3A_1585] : memref<2x128x64xf32, #tpu.memory_space<vmem>> -> memref<1x128x64xf32, #tpu.memory_space<vmem>>
    %dma_wait3A_1587 = tpu.memref_squeeze %dma_wait3A_1586 : memref<1x128x64xf32, #tpu.memory_space<vmem>> -> memref<128x64xf32, #tpu.memory_space<vmem>>
    %dma_wait3A_1588 = tpu.memref_slice %arg4[%multiple_of3A_1569, %mul3A_1571] : memref<40960x128xf32, #tpu.memory_space<hbm>> -> memref<128x64xf32, #tpu.memory_space<hbm>>
    %dma_wait3A_1589 = tpu.memref_slice %arg4[%multiple_of3A_1569, %mul3A_1571] : memref<40960x128xf32, #tpu.memory_space<hbm>> -> memref<128x64xf32, #tpu.memory_space<hbm>>
    %dma_wait3A_1590 = arith.constant 0 : i32
    %dma_wait3A_1591 = arith.constant 0 : i32
    %dma_wait3A_1592 = tpu.memref_slice %arg6[%dma_wait3A_1583, %dma_wait3A_1590, %dma_wait3A_1591] : memref<2x128x64xf32, #tpu.memory_space<vmem>> -> memref<1x128x64xf32, #tpu.memory_space<vmem>>
    %dma_wait3A_1593 = tpu.memref_squeeze %dma_wait3A_1592 : memref<1x128x64xf32, #tpu.memory_space<vmem>> -> memref<128x64xf32, #tpu.memory_space<vmem>>
    tpu.wait_dma2 semaphore(%arg9 : memref<!tpu.dma_semaphore, #tpu.memory_space<semaphore_mem>>) src(%dma_wait3A_1593 : memref<128x64xf32, #tpu.memory_space<vmem>>) dst(%dma_wait3A_1589 : memref<128x64xf32, #tpu.memory_space<hbm>>)
    %dma_start3A_1594 = arith.constant 16 : i32
    %dma_start3A_1595 = arith.constant 0 : i32
    %dma_start3A_1596 = arith.constant 0 : i32
    %dma_start3A_1597 = arith.constant 0 : i32
    %dma_start3A_1598 = tpu.memref_slice %arg6[%dma_start3A_1595, %dma_start3A_1596, %dma_start3A_1597] : memref<2x128x64xf32, #tpu.memory_space<vmem>> -> memref<1x128x64xf32, #tpu.memory_space<vmem>>
    %dma_start3A_1599 = tpu.memref_squeeze %dma_start3A_1598 : memref<1x128x64xf32, #tpu.memory_space<vmem>> -> memref<128x64xf32, #tpu.memory_space<vmem>>
    %dma_start3A_1600 = arith.constant 0 : i32
    %dma_start3A_1601 = tpu.memref_slice %arg5[%dma_start3A_1594, %dma_start3A_1600] : memref<20x128xi32, #tpu.memory_space<vmem>> -> memref<1x128xi32, #tpu.memory_space<vmem>>
    %dma_start3A_1602 = tpu.memref_squeeze %dma_start3A_1601 : memref<1x128xi32, #tpu.memory_space<vmem>> -> memref<128xi32, #tpu.memory_space<vmem>>
    %dma_start3A_1603 = arith.constant 0 : i32
    %dma_start3A_1604 = arith.constant 0 : i32
    %dma_start3A_1605 = tpu.memref_slice %arg2[%dma_start3A_1603, %dma_start3A_1604] : memref<200704x64xf32, #tpu.memory_space<hbm>> -> memref<200704x64xf32, #tpu.memory_space<hbm>>
    tpu.enqueue_indirect_dma source(%dma_start3A_1605 : memref<200704x64xf32, #tpu.memory_space<hbm>>) target(%dma_start3A_1599 : memref<128x64xf32, #tpu.memory_space<vmem>>) offsets(%dma_start3A_1602 : memref<128xi32, #tpu.memory_space<vmem>>) semaphore(%arg7 : memref<!tpu.dma_semaphore, #tpu.memory_space<semaphore_mem>>)
    %dma_wait3A_1606 = arith.constant 15 : i32
    %dma_wait3A_1607 = arith.constant 1 : i32
    %dma_wait3A_1608 = arith.constant 0 : i32
    %dma_wait3A_1609 = arith.constant 0 : i32
    %dma_wait3A_1610 = tpu.memref_slice %arg6[%dma_wait3A_1607, %dma_wait3A_1608, %dma_wait3A_1609] : memref<2x128x64xf32, #tpu.memory_space<vmem>> -> memref<1x128x64xf32, #tpu.memory_space<vmem>>
    %dma_wait3A_1611 = tpu.memref_squeeze %dma_wait3A_1610 : memref<1x128x64xf32, #tpu.memory_space<vmem>> -> memref<128x64xf32, #tpu.memory_space<vmem>>
    %dma_wait3A_1612 = arith.constant 0 : i32
    %dma_wait3A_1613 = tpu.memref_slice %arg5[%dma_wait3A_1606, %dma_wait3A_1612] : memref<20x128xi32, #tpu.memory_space<vmem>> -> memref<1x128xi32, #tpu.memory_space<vmem>>
    %dma_wait3A_1614 = tpu.memref_squeeze %dma_wait3A_1613 : memref<1x128xi32, #tpu.memory_space<vmem>> -> memref<128xi32, #tpu.memory_space<vmem>>
    %dma_wait3A_1615 = arith.constant 0 : i32
    %dma_wait3A_1616 = arith.constant 0 : i32
    %dma_wait3A_1617 = tpu.memref_slice %arg2[%dma_wait3A_1615, %dma_wait3A_1616] : memref<200704x64xf32, #tpu.memory_space<hbm>> -> memref<200704x64xf32, #tpu.memory_space<hbm>>
    tpu.wait_indirect_dma semaphore(%arg8 : memref<!tpu.dma_semaphore, #tpu.memory_space<semaphore_mem>>) src(%dma_wait3A_1617 : memref<200704x64xf32, #tpu.memory_space<hbm>>) dst(%dma_wait3A_1611 : memref<128x64xf32, #tpu.memory_space<vmem>>)
    %add3A_1618 = arith.constant 1920 : i32
    %add3A_1619 = arith.addi %mul3A_2, %add3A_1618 : i32
    %rem3A_1620 = arith.constant 16384 : i32
    %rem3A_1621 = arith.remsi %add3A_1619, %rem3A_1620 : i32
    %jit3A_1622 = arith.constant 8192 : i32
    %div3A_1623 = arith.divsi %rem3A_1621, %jit3A_1622 : i32
    %sign3A_1624 = arith.constant 0 : i32
    %sign3A_1625 = arith.cmpi sgt, %rem3A_1621, %sign3A_1624 : i32
    %sign3A_1626 = arith.extui %sign3A_1625 : i1 to i32
    %sign3A_1627 = arith.constant 0 : i32
    %sign3A_1628 = arith.cmpi slt, %rem3A_1621, %sign3A_1627 : i32
    %sign3A_1629 = arith.extui %sign3A_1628 : i1 to i32
    %sign3A_1630 = arith.subi %sign3A_1626, %sign3A_1629 : i32
    %sign3A_1631 = arith.constant 0 : i32
    %sign3A_1632 = arith.cmpi sgt, %jit3A_1622, %sign3A_1631 : i32
    %sign3A_1633 = arith.extui %sign3A_1632 : i1 to i32
    %sign3A_1634 = arith.constant 0 : i32
    %sign3A_1635 = arith.cmpi slt, %jit3A_1622, %sign3A_1634 : i32
    %sign3A_1636 = arith.extui %sign3A_1635 : i1 to i32
    %sign3A_1637 = arith.subi %sign3A_1633, %sign3A_1636 : i32
    %ne3A_1638 = arith.cmpi ne, %sign3A_1630, %sign3A_1637 : i32
    %rem3A_1639 = arith.remsi %rem3A_1621, %jit3A_1622 : i32
    %ne3A_1640 = arith.constant 0 : i32
    %ne3A_1641 = arith.cmpi ne, %rem3A_1639, %ne3A_1640 : i32
    %and3A_1642 = arith.andi %ne3A_1638, %ne3A_1641 : i1
    %sub3A_1643 = arith.constant 1 : i32
    %sub3A_1644 = arith.subi %div3A_1623, %sub3A_1643 : i32
    %select_n3A_1645 = arith.select %and3A_1642, %sub3A_1644, %div3A_1623 : i32
    %jit3A_1646 = arith.constant 16384 : i32
    %div3A_1647 = arith.divsi %add3A_1619, %jit3A_1646 : i32
    %sign3A_1648 = arith.constant 0 : i32
    %sign3A_1649 = arith.cmpi sgt, %add3A_1619, %sign3A_1648 : i32
    %sign3A_1650 = arith.extui %sign3A_1649 : i1 to i32
    %sign3A_1651 = arith.constant 0 : i32
    %sign3A_1652 = arith.cmpi slt, %add3A_1619, %sign3A_1651 : i32
    %sign3A_1653 = arith.extui %sign3A_1652 : i1 to i32
    %sign3A_1654 = arith.subi %sign3A_1650, %sign3A_1653 : i32
    %sign3A_1655 = arith.constant 0 : i32
    %sign3A_1656 = arith.cmpi sgt, %jit3A_1646, %sign3A_1655 : i32
    %sign3A_1657 = arith.extui %sign3A_1656 : i1 to i32
    %sign3A_1658 = arith.constant 0 : i32
    %sign3A_1659 = arith.cmpi slt, %jit3A_1646, %sign3A_1658 : i32
    %sign3A_1660 = arith.extui %sign3A_1659 : i1 to i32
    %sign3A_1661 = arith.subi %sign3A_1657, %sign3A_1660 : i32
    %ne3A_1662 = arith.cmpi ne, %sign3A_1654, %sign3A_1661 : i32
    %rem3A_1663 = arith.remsi %add3A_1619, %jit3A_1646 : i32
    %ne3A_1664 = arith.constant 0 : i32
    %ne3A_1665 = arith.cmpi ne, %rem3A_1663, %ne3A_1664 : i32
    %and3A_1666 = arith.andi %ne3A_1662, %ne3A_1665 : i1
    %sub3A_1667 = arith.constant 1 : i32
    %sub3A_1668 = arith.subi %div3A_1647, %sub3A_1667 : i32
    %select_n3A_1669 = arith.select %and3A_1666, %sub3A_1668, %div3A_1647 : i32
    %mul3A_1670 = arith.constant 8192 : i32
    %mul3A_1671 = arith.muli %select_n3A_1669, %mul3A_1670 : i32
    %rem3A_1672 = arith.constant 8192 : i32
    %rem3A_1673 = arith.remsi %rem3A_1621, %rem3A_1672 : i32
    %add3A_1674 = arith.addi %mul3A_1671, %rem3A_1673 : i32
    %multiple_of3A_1675 = tpu.assume_multiple %add3A_1674, 128 : i32
    %mul3A_1676 = arith.constant 64 : i32
    %mul3A_1677 = arith.muli %select_n3A_1645, %mul3A_1676 : i32
    %dma_start3A_1678 = arith.constant 1 : i32
    %dma_start3A_1679 = arith.constant 0 : i32
    %dma_start3A_1680 = arith.constant 0 : i32
    %dma_start3A_1681 = tpu.memref_slice %arg6[%dma_start3A_1678, %dma_start3A_1679, %dma_start3A_1680] : memref<2x128x64xf32, #tpu.memory_space<vmem>> -> memref<1x128x64xf32, #tpu.memory_space<vmem>>
    %dma_start3A_1682 = tpu.memref_squeeze %dma_start3A_1681 : memref<1x128x64xf32, #tpu.memory_space<vmem>> -> memref<128x64xf32, #tpu.memory_space<vmem>>
    %dma_start3A_1683 = tpu.memref_slice %arg4[%multiple_of3A_1675, %mul3A_1677] : memref<40960x128xf32, #tpu.memory_space<hbm>> -> memref<128x64xf32, #tpu.memory_space<hbm>>
    %dma_start3A_1684 = tpu.memref_slice %arg4[%multiple_of3A_1675, %mul3A_1677] : memref<40960x128xf32, #tpu.memory_space<hbm>> -> memref<128x64xf32, #tpu.memory_space<hbm>>
    %dma_start3A_1685 = arith.constant 0 : i32
    %dma_start3A_1686 = arith.constant 0 : i32
    %dma_start3A_1687 = tpu.memref_slice %arg6[%dma_start3A_1678, %dma_start3A_1685, %dma_start3A_1686] : memref<2x128x64xf32, #tpu.memory_space<vmem>> -> memref<1x128x64xf32, #tpu.memory_space<vmem>>
    %dma_start3A_1688 = tpu.memref_squeeze %dma_start3A_1687 : memref<1x128x64xf32, #tpu.memory_space<vmem>> -> memref<128x64xf32, #tpu.memory_space<vmem>>
    tpu.enqueue_dma source(%dma_start3A_1688 : memref<128x64xf32, #tpu.memory_space<vmem>>) target(%dma_start3A_1684 : memref<128x64xf32, #tpu.memory_space<hbm>>) target_semaphore(%arg10 : memref<!tpu.dma_semaphore, #tpu.memory_space<semaphore_mem>>)
    %dma_wait3A_1689 = arith.constant 1 : i32
    %dma_wait3A_1690 = arith.constant 0 : i32
    %dma_wait3A_1691 = arith.constant 0 : i32
    %dma_wait3A_1692 = tpu.memref_slice %arg6[%dma_wait3A_1689, %dma_wait3A_1690, %dma_wait3A_1691] : memref<2x128x64xf32, #tpu.memory_space<vmem>> -> memref<1x128x64xf32, #tpu.memory_space<vmem>>
    %dma_wait3A_1693 = tpu.memref_squeeze %dma_wait3A_1692 : memref<1x128x64xf32, #tpu.memory_space<vmem>> -> memref<128x64xf32, #tpu.memory_space<vmem>>
    %dma_wait3A_1694 = tpu.memref_slice %arg4[%multiple_of3A_1675, %mul3A_1677] : memref<40960x128xf32, #tpu.memory_space<hbm>> -> memref<128x64xf32, #tpu.memory_space<hbm>>
    %dma_wait3A_1695 = tpu.memref_slice %arg4[%multiple_of3A_1675, %mul3A_1677] : memref<40960x128xf32, #tpu.memory_space<hbm>> -> memref<128x64xf32, #tpu.memory_space<hbm>>
    %dma_wait3A_1696 = arith.constant 0 : i32
    %dma_wait3A_1697 = arith.constant 0 : i32
    %dma_wait3A_1698 = tpu.memref_slice %arg6[%dma_wait3A_1689, %dma_wait3A_1696, %dma_wait3A_1697] : memref<2x128x64xf32, #tpu.memory_space<vmem>> -> memref<1x128x64xf32, #tpu.memory_space<vmem>>
    %dma_wait3A_1699 = tpu.memref_squeeze %dma_wait3A_1698 : memref<1x128x64xf32, #tpu.memory_space<vmem>> -> memref<128x64xf32, #tpu.memory_space<vmem>>
    tpu.wait_dma2 semaphore(%arg10 : memref<!tpu.dma_semaphore, #tpu.memory_space<semaphore_mem>>) src(%dma_wait3A_1699 : memref<128x64xf32, #tpu.memory_space<vmem>>) dst(%dma_wait3A_1695 : memref<128x64xf32, #tpu.memory_space<hbm>>)
    %dma_start3A_1700 = arith.constant 17 : i32
    %dma_start3A_1701 = arith.constant 1 : i32
    %dma_start3A_1702 = arith.constant 0 : i32
    %dma_start3A_1703 = arith.constant 0 : i32
    %dma_start3A_1704 = tpu.memref_slice %arg6[%dma_start3A_1701, %dma_start3A_1702, %dma_start3A_1703] : memref<2x128x64xf32, #tpu.memory_space<vmem>> -> memref<1x128x64xf32, #tpu.memory_space<vmem>>
    %dma_start3A_1705 = tpu.memref_squeeze %dma_start3A_1704 : memref<1x128x64xf32, #tpu.memory_space<vmem>> -> memref<128x64xf32, #tpu.memory_space<vmem>>
    %dma_start3A_1706 = arith.constant 0 : i32
    %dma_start3A_1707 = tpu.memref_slice %arg5[%dma_start3A_1700, %dma_start3A_1706] : memref<20x128xi32, #tpu.memory_space<vmem>> -> memref<1x128xi32, #tpu.memory_space<vmem>>
    %dma_start3A_1708 = tpu.memref_squeeze %dma_start3A_1707 : memref<1x128xi32, #tpu.memory_space<vmem>> -> memref<128xi32, #tpu.memory_space<vmem>>
    %dma_start3A_1709 = arith.constant 0 : i32
    %dma_start3A_1710 = arith.constant 0 : i32
    %dma_start3A_1711 = tpu.memref_slice %arg2[%dma_start3A_1709, %dma_start3A_1710] : memref<200704x64xf32, #tpu.memory_space<hbm>> -> memref<200704x64xf32, #tpu.memory_space<hbm>>
    tpu.enqueue_indirect_dma source(%dma_start3A_1711 : memref<200704x64xf32, #tpu.memory_space<hbm>>) target(%dma_start3A_1705 : memref<128x64xf32, #tpu.memory_space<vmem>>) offsets(%dma_start3A_1708 : memref<128xi32, #tpu.memory_space<vmem>>) semaphore(%arg8 : memref<!tpu.dma_semaphore, #tpu.memory_space<semaphore_mem>>)
    %dma_wait3A_1712 = arith.constant 16 : i32
    %dma_wait3A_1713 = arith.constant 0 : i32
    %dma_wait3A_1714 = arith.constant 0 : i32
    %dma_wait3A_1715 = arith.constant 0 : i32
    %dma_wait3A_1716 = tpu.memref_slice %arg6[%dma_wait3A_1713, %dma_wait3A_1714, %dma_wait3A_1715] : memref<2x128x64xf32, #tpu.memory_space<vmem>> -> memref<1x128x64xf32, #tpu.memory_space<vmem>>
    %dma_wait3A_1717 = tpu.memref_squeeze %dma_wait3A_1716 : memref<1x128x64xf32, #tpu.memory_space<vmem>> -> memref<128x64xf32, #tpu.memory_space<vmem>>
    %dma_wait3A_1718 = arith.constant 0 : i32
    %dma_wait3A_1719 = tpu.memref_slice %arg5[%dma_wait3A_1712, %dma_wait3A_1718] : memref<20x128xi32, #tpu.memory_space<vmem>> -> memref<1x128xi32, #tpu.memory_space<vmem>>
    %dma_wait3A_1720 = tpu.memref_squeeze %dma_wait3A_1719 : memref<1x128xi32, #tpu.memory_space<vmem>> -> memref<128xi32, #tpu.memory_space<vmem>>
    %dma_wait3A_1721 = arith.constant 0 : i32
    %dma_wait3A_1722 = arith.constant 0 : i32
    %dma_wait3A_1723 = tpu.memref_slice %arg2[%dma_wait3A_1721, %dma_wait3A_1722] : memref<200704x64xf32, #tpu.memory_space<hbm>> -> memref<200704x64xf32, #tpu.memory_space<hbm>>
    tpu.wait_indirect_dma semaphore(%arg7 : memref<!tpu.dma_semaphore, #tpu.memory_space<semaphore_mem>>) src(%dma_wait3A_1723 : memref<200704x64xf32, #tpu.memory_space<hbm>>) dst(%dma_wait3A_1717 : memref<128x64xf32, #tpu.memory_space<vmem>>)
    %add3A_1724 = arith.constant 2048 : i32
    %add3A_1725 = arith.addi %mul3A_2, %add3A_1724 : i32
    %rem3A_1726 = arith.constant 16384 : i32
    %rem3A_1727 = arith.remsi %add3A_1725, %rem3A_1726 : i32
    %jit3A_1728 = arith.constant 8192 : i32
    %div3A_1729 = arith.divsi %rem3A_1727, %jit3A_1728 : i32
    %sign3A_1730 = arith.constant 0 : i32
    %sign3A_1731 = arith.cmpi sgt, %rem3A_1727, %sign3A_1730 : i32
    %sign3A_1732 = arith.extui %sign3A_1731 : i1 to i32
    %sign3A_1733 = arith.constant 0 : i32
    %sign3A_1734 = arith.cmpi slt, %rem3A_1727, %sign3A_1733 : i32
    %sign3A_1735 = arith.extui %sign3A_1734 : i1 to i32
    %sign3A_1736 = arith.subi %sign3A_1732, %sign3A_1735 : i32
    %sign3A_1737 = arith.constant 0 : i32
    %sign3A_1738 = arith.cmpi sgt, %jit3A_1728, %sign3A_1737 : i32
    %sign3A_1739 = arith.extui %sign3A_1738 : i1 to i32
    %sign3A_1740 = arith.constant 0 : i32
    %sign3A_1741 = arith.cmpi slt, %jit3A_1728, %sign3A_1740 : i32
    %sign3A_1742 = arith.extui %sign3A_1741 : i1 to i32
    %sign3A_1743 = arith.subi %sign3A_1739, %sign3A_1742 : i32
    %ne3A_1744 = arith.cmpi ne, %sign3A_1736, %sign3A_1743 : i32
    %rem3A_1745 = arith.remsi %rem3A_1727, %jit3A_1728 : i32
    %ne3A_1746 = arith.constant 0 : i32
    %ne3A_1747 = arith.cmpi ne, %rem3A_1745, %ne3A_1746 : i32
    %and3A_1748 = arith.andi %ne3A_1744, %ne3A_1747 : i1
    %sub3A_1749 = arith.constant 1 : i32
    %sub3A_1750 = arith.subi %div3A_1729, %sub3A_1749 : i32
    %select_n3A_1751 = arith.select %and3A_1748, %sub3A_1750, %div3A_1729 : i32
    %jit3A_1752 = arith.constant 16384 : i32
    %div3A_1753 = arith.divsi %add3A_1725, %jit3A_1752 : i32
    %sign3A_1754 = arith.constant 0 : i32
    %sign3A_1755 = arith.cmpi sgt, %add3A_1725, %sign3A_1754 : i32
    %sign3A_1756 = arith.extui %sign3A_1755 : i1 to i32
    %sign3A_1757 = arith.constant 0 : i32
    %sign3A_1758 = arith.cmpi slt, %add3A_1725, %sign3A_1757 : i32
    %sign3A_1759 = arith.extui %sign3A_1758 : i1 to i32
    %sign3A_1760 = arith.subi %sign3A_1756, %sign3A_1759 : i32
    %sign3A_1761 = arith.constant 0 : i32
    %sign3A_1762 = arith.cmpi sgt, %jit3A_1752, %sign3A_1761 : i32
    %sign3A_1763 = arith.extui %sign3A_1762 : i1 to i32
    %sign3A_1764 = arith.constant 0 : i32
    %sign3A_1765 = arith.cmpi slt, %jit3A_1752, %sign3A_1764 : i32
    %sign3A_1766 = arith.extui %sign3A_1765 : i1 to i32
    %sign3A_1767 = arith.subi %sign3A_1763, %sign3A_1766 : i32
    %ne3A_1768 = arith.cmpi ne, %sign3A_1760, %sign3A_1767 : i32
    %rem3A_1769 = arith.remsi %add3A_1725, %jit3A_1752 : i32
    %ne3A_1770 = arith.constant 0 : i32
    %ne3A_1771 = arith.cmpi ne, %rem3A_1769, %ne3A_1770 : i32
    %and3A_1772 = arith.andi %ne3A_1768, %ne3A_1771 : i1
    %sub3A_1773 = arith.constant 1 : i32
    %sub3A_1774 = arith.subi %div3A_1753, %sub3A_1773 : i32
    %select_n3A_1775 = arith.select %and3A_1772, %sub3A_1774, %div3A_1753 : i32
    %mul3A_1776 = arith.constant 8192 : i32
    %mul3A_1777 = arith.muli %select_n3A_1775, %mul3A_1776 : i32
    %rem3A_1778 = arith.constant 8192 : i32
    %rem3A_1779 = arith.remsi %rem3A_1727, %rem3A_1778 : i32
    %add3A_1780 = arith.addi %mul3A_1777, %rem3A_1779 : i32
    %multiple_of3A_1781 = tpu.assume_multiple %add3A_1780, 128 : i32
    %mul3A_1782 = arith.constant 64 : i32
    %mul3A_1783 = arith.muli %select_n3A_1751, %mul3A_1782 : i32
    %dma_start3A_1784 = arith.constant 0 : i32
    %dma_start3A_1785 = arith.constant 0 : i32
    %dma_start3A_1786 = arith.constant 0 : i32
    %dma_start3A_1787 = tpu.memref_slice %arg6[%dma_start3A_1784, %dma_start3A_1785, %dma_start3A_1786] : memref<2x128x64xf32, #tpu.memory_space<vmem>> -> memref<1x128x64xf32, #tpu.memory_space<vmem>>
    %dma_start3A_1788 = tpu.memref_squeeze %dma_start3A_1787 : memref<1x128x64xf32, #tpu.memory_space<vmem>> -> memref<128x64xf32, #tpu.memory_space<vmem>>
    %dma_start3A_1789 = tpu.memref_slice %arg4[%multiple_of3A_1781, %mul3A_1783] : memref<40960x128xf32, #tpu.memory_space<hbm>> -> memref<128x64xf32, #tpu.memory_space<hbm>>
    %dma_start3A_1790 = tpu.memref_slice %arg4[%multiple_of3A_1781, %mul3A_1783] : memref<40960x128xf32, #tpu.memory_space<hbm>> -> memref<128x64xf32, #tpu.memory_space<hbm>>
    %dma_start3A_1791 = arith.constant 0 : i32
    %dma_start3A_1792 = arith.constant 0 : i32
    %dma_start3A_1793 = tpu.memref_slice %arg6[%dma_start3A_1784, %dma_start3A_1791, %dma_start3A_1792] : memref<2x128x64xf32, #tpu.memory_space<vmem>> -> memref<1x128x64xf32, #tpu.memory_space<vmem>>
    %dma_start3A_1794 = tpu.memref_squeeze %dma_start3A_1793 : memref<1x128x64xf32, #tpu.memory_space<vmem>> -> memref<128x64xf32, #tpu.memory_space<vmem>>
    tpu.enqueue_dma source(%dma_start3A_1794 : memref<128x64xf32, #tpu.memory_space<vmem>>) target(%dma_start3A_1790 : memref<128x64xf32, #tpu.memory_space<hbm>>) target_semaphore(%arg9 : memref<!tpu.dma_semaphore, #tpu.memory_space<semaphore_mem>>)
    %dma_wait3A_1795 = arith.constant 0 : i32
    %dma_wait3A_1796 = arith.constant 0 : i32
    %dma_wait3A_1797 = arith.constant 0 : i32
    %dma_wait3A_1798 = tpu.memref_slice %arg6[%dma_wait3A_1795, %dma_wait3A_1796, %dma_wait3A_1797] : memref<2x128x64xf32, #tpu.memory_space<vmem>> -> memref<1x128x64xf32, #tpu.memory_space<vmem>>
    %dma_wait3A_1799 = tpu.memref_squeeze %dma_wait3A_1798 : memref<1x128x64xf32, #tpu.memory_space<vmem>> -> memref<128x64xf32, #tpu.memory_space<vmem>>
    %dma_wait3A_1800 = tpu.memref_slice %arg4[%multiple_of3A_1781, %mul3A_1783] : memref<40960x128xf32, #tpu.memory_space<hbm>> -> memref<128x64xf32, #tpu.memory_space<hbm>>
    %dma_wait3A_1801 = tpu.memref_slice %arg4[%multiple_of3A_1781, %mul3A_1783] : memref<40960x128xf32, #tpu.memory_space<hbm>> -> memref<128x64xf32, #tpu.memory_space<hbm>>
    %dma_wait3A_1802 = arith.constant 0 : i32
    %dma_wait3A_1803 = arith.constant 0 : i32
    %dma_wait3A_1804 = tpu.memref_slice %arg6[%dma_wait3A_1795, %dma_wait3A_1802, %dma_wait3A_1803] : memref<2x128x64xf32, #tpu.memory_space<vmem>> -> memref<1x128x64xf32, #tpu.memory_space<vmem>>
    %dma_wait3A_1805 = tpu.memref_squeeze %dma_wait3A_1804 : memref<1x128x64xf32, #tpu.memory_space<vmem>> -> memref<128x64xf32, #tpu.memory_space<vmem>>
    tpu.wait_dma2 semaphore(%arg9 : memref<!tpu.dma_semaphore, #tpu.memory_space<semaphore_mem>>) src(%dma_wait3A_1805 : memref<128x64xf32, #tpu.memory_space<vmem>>) dst(%dma_wait3A_1801 : memref<128x64xf32, #tpu.memory_space<hbm>>)
    %dma_start3A_1806 = arith.constant 18 : i32
    %dma_start3A_1807 = arith.constant 0 : i32
    %dma_start3A_1808 = arith.constant 0 : i32
    %dma_start3A_1809 = arith.constant 0 : i32
    %dma_start3A_1810 = tpu.memref_slice %arg6[%dma_start3A_1807, %dma_start3A_1808, %dma_start3A_1809] : memref<2x128x64xf32, #tpu.memory_space<vmem>> -> memref<1x128x64xf32, #tpu.memory_space<vmem>>
    %dma_start3A_1811 = tpu.memref_squeeze %dma_start3A_1810 : memref<1x128x64xf32, #tpu.memory_space<vmem>> -> memref<128x64xf32, #tpu.memory_space<vmem>>
    %dma_start3A_1812 = arith.constant 0 : i32
    %dma_start3A_1813 = tpu.memref_slice %arg5[%dma_start3A_1806, %dma_start3A_1812] : memref<20x128xi32, #tpu.memory_space<vmem>> -> memref<1x128xi32, #tpu.memory_space<vmem>>
    %dma_start3A_1814 = tpu.memref_squeeze %dma_start3A_1813 : memref<1x128xi32, #tpu.memory_space<vmem>> -> memref<128xi32, #tpu.memory_space<vmem>>
    %dma_start3A_1815 = arith.constant 0 : i32
    %dma_start3A_1816 = arith.constant 0 : i32
    %dma_start3A_1817 = tpu.memref_slice %arg2[%dma_start3A_1815, %dma_start3A_1816] : memref<200704x64xf32, #tpu.memory_space<hbm>> -> memref<200704x64xf32, #tpu.memory_space<hbm>>
    tpu.enqueue_indirect_dma source(%dma_start3A_1817 : memref<200704x64xf32, #tpu.memory_space<hbm>>) target(%dma_start3A_1811 : memref<128x64xf32, #tpu.memory_space<vmem>>) offsets(%dma_start3A_1814 : memref<128xi32, #tpu.memory_space<vmem>>) semaphore(%arg7 : memref<!tpu.dma_semaphore, #tpu.memory_space<semaphore_mem>>)
    %dma_wait3A_1818 = arith.constant 17 : i32
    %dma_wait3A_1819 = arith.constant 1 : i32
    %dma_wait3A_1820 = arith.constant 0 : i32
    %dma_wait3A_1821 = arith.constant 0 : i32
    %dma_wait3A_1822 = tpu.memref_slice %arg6[%dma_wait3A_1819, %dma_wait3A_1820, %dma_wait3A_1821] : memref<2x128x64xf32, #tpu.memory_space<vmem>> -> memref<1x128x64xf32, #tpu.memory_space<vmem>>
    %dma_wait3A_1823 = tpu.memref_squeeze %dma_wait3A_1822 : memref<1x128x64xf32, #tpu.memory_space<vmem>> -> memref<128x64xf32, #tpu.memory_space<vmem>>
    %dma_wait3A_1824 = arith.constant 0 : i32
    %dma_wait3A_1825 = tpu.memref_slice %arg5[%dma_wait3A_1818, %dma_wait3A_1824] : memref<20x128xi32, #tpu.memory_space<vmem>> -> memref<1x128xi32, #tpu.memory_space<vmem>>
    %dma_wait3A_1826 = tpu.memref_squeeze %dma_wait3A_1825 : memref<1x128xi32, #tpu.memory_space<vmem>> -> memref<128xi32, #tpu.memory_space<vmem>>
    %dma_wait3A_1827 = arith.constant 0 : i32
    %dma_wait3A_1828 = arith.constant 0 : i32
    %dma_wait3A_1829 = tpu.memref_slice %arg2[%dma_wait3A_1827, %dma_wait3A_1828] : memref<200704x64xf32, #tpu.memory_space<hbm>> -> memref<200704x64xf32, #tpu.memory_space<hbm>>
    tpu.wait_indirect_dma semaphore(%arg8 : memref<!tpu.dma_semaphore, #tpu.memory_space<semaphore_mem>>) src(%dma_wait3A_1829 : memref<200704x64xf32, #tpu.memory_space<hbm>>) dst(%dma_wait3A_1823 : memref<128x64xf32, #tpu.memory_space<vmem>>)
    %add3A_1830 = arith.constant 2176 : i32
    %add3A_1831 = arith.addi %mul3A_2, %add3A_1830 : i32
    %rem3A_1832 = arith.constant 16384 : i32
    %rem3A_1833 = arith.remsi %add3A_1831, %rem3A_1832 : i32
    %jit3A_1834 = arith.constant 8192 : i32
    %div3A_1835 = arith.divsi %rem3A_1833, %jit3A_1834 : i32
    %sign3A_1836 = arith.constant 0 : i32
    %sign3A_1837 = arith.cmpi sgt, %rem3A_1833, %sign3A_1836 : i32
    %sign3A_1838 = arith.extui %sign3A_1837 : i1 to i32
    %sign3A_1839 = arith.constant 0 : i32
    %sign3A_1840 = arith.cmpi slt, %rem3A_1833, %sign3A_1839 : i32
    %sign3A_1841 = arith.extui %sign3A_1840 : i1 to i32
    %sign3A_1842 = arith.subi %sign3A_1838, %sign3A_1841 : i32
    %sign3A_1843 = arith.constant 0 : i32
    %sign3A_1844 = arith.cmpi sgt, %jit3A_1834, %sign3A_1843 : i32
    %sign3A_1845 = arith.extui %sign3A_1844 : i1 to i32
    %sign3A_1846 = arith.constant 0 : i32
    %sign3A_1847 = arith.cmpi slt, %jit3A_1834, %sign3A_1846 : i32
    %sign3A_1848 = arith.extui %sign3A_1847 : i1 to i32
    %sign3A_1849 = arith.subi %sign3A_1845, %sign3A_1848 : i32
    %ne3A_1850 = arith.cmpi ne, %sign3A_1842, %sign3A_1849 : i32
    %rem3A_1851 = arith.remsi %rem3A_1833, %jit3A_1834 : i32
    %ne3A_1852 = arith.constant 0 : i32
    %ne3A_1853 = arith.cmpi ne, %rem3A_1851, %ne3A_1852 : i32
    %and3A_1854 = arith.andi %ne3A_1850, %ne3A_1853 : i1
    %sub3A_1855 = arith.constant 1 : i32
    %sub3A_1856 = arith.subi %div3A_1835, %sub3A_1855 : i32
    %select_n3A_1857 = arith.select %and3A_1854, %sub3A_1856, %div3A_1835 : i32
    %jit3A_1858 = arith.constant 16384 : i32
    %div3A_1859 = arith.divsi %add3A_1831, %jit3A_1858 : i32
    %sign3A_1860 = arith.constant 0 : i32
    %sign3A_1861 = arith.cmpi sgt, %add3A_1831, %sign3A_1860 : i32
    %sign3A_1862 = arith.extui %sign3A_1861 : i1 to i32
    %sign3A_1863 = arith.constant 0 : i32
    %sign3A_1864 = arith.cmpi slt, %add3A_1831, %sign3A_1863 : i32
    %sign3A_1865 = arith.extui %sign3A_1864 : i1 to i32
    %sign3A_1866 = arith.subi %sign3A_1862, %sign3A_1865 : i32
    %sign3A_1867 = arith.constant 0 : i32
    %sign3A_1868 = arith.cmpi sgt, %jit3A_1858, %sign3A_1867 : i32
    %sign3A_1869 = arith.extui %sign3A_1868 : i1 to i32
    %sign3A_1870 = arith.constant 0 : i32
    %sign3A_1871 = arith.cmpi slt, %jit3A_1858, %sign3A_1870 : i32
    %sign3A_1872 = arith.extui %sign3A_1871 : i1 to i32
    %sign3A_1873 = arith.subi %sign3A_1869, %sign3A_1872 : i32
    %ne3A_1874 = arith.cmpi ne, %sign3A_1866, %sign3A_1873 : i32
    %rem3A_1875 = arith.remsi %add3A_1831, %jit3A_1858 : i32
    %ne3A_1876 = arith.constant 0 : i32
    %ne3A_1877 = arith.cmpi ne, %rem3A_1875, %ne3A_1876 : i32
    %and3A_1878 = arith.andi %ne3A_1874, %ne3A_1877 : i1
    %sub3A_1879 = arith.constant 1 : i32
    %sub3A_1880 = arith.subi %div3A_1859, %sub3A_1879 : i32
    %select_n3A_1881 = arith.select %and3A_1878, %sub3A_1880, %div3A_1859 : i32
    %mul3A_1882 = arith.constant 8192 : i32
    %mul3A_1883 = arith.muli %select_n3A_1881, %mul3A_1882 : i32
    %rem3A_1884 = arith.constant 8192 : i32
    %rem3A_1885 = arith.remsi %rem3A_1833, %rem3A_1884 : i32
    %add3A_1886 = arith.addi %mul3A_1883, %rem3A_1885 : i32
    %multiple_of3A_1887 = tpu.assume_multiple %add3A_1886, 128 : i32
    %mul3A_1888 = arith.constant 64 : i32
    %mul3A_1889 = arith.muli %select_n3A_1857, %mul3A_1888 : i32
    %dma_start3A_1890 = arith.constant 1 : i32
    %dma_start3A_1891 = arith.constant 0 : i32
    %dma_start3A_1892 = arith.constant 0 : i32
    %dma_start3A_1893 = tpu.memref_slice %arg6[%dma_start3A_1890, %dma_start3A_1891, %dma_start3A_1892] : memref<2x128x64xf32, #tpu.memory_space<vmem>> -> memref<1x128x64xf32, #tpu.memory_space<vmem>>
    %dma_start3A_1894 = tpu.memref_squeeze %dma_start3A_1893 : memref<1x128x64xf32, #tpu.memory_space<vmem>> -> memref<128x64xf32, #tpu.memory_space<vmem>>
    %dma_start3A_1895 = tpu.memref_slice %arg4[%multiple_of3A_1887, %mul3A_1889] : memref<40960x128xf32, #tpu.memory_space<hbm>> -> memref<128x64xf32, #tpu.memory_space<hbm>>
    %dma_start3A_1896 = tpu.memref_slice %arg4[%multiple_of3A_1887, %mul3A_1889] : memref<40960x128xf32, #tpu.memory_space<hbm>> -> memref<128x64xf32, #tpu.memory_space<hbm>>
    %dma_start3A_1897 = arith.constant 0 : i32
    %dma_start3A_1898 = arith.constant 0 : i32
    %dma_start3A_1899 = tpu.memref_slice %arg6[%dma_start3A_1890, %dma_start3A_1897, %dma_start3A_1898] : memref<2x128x64xf32, #tpu.memory_space<vmem>> -> memref<1x128x64xf32, #tpu.memory_space<vmem>>
    %dma_start3A_1900 = tpu.memref_squeeze %dma_start3A_1899 : memref<1x128x64xf32, #tpu.memory_space<vmem>> -> memref<128x64xf32, #tpu.memory_space<vmem>>
    tpu.enqueue_dma source(%dma_start3A_1900 : memref<128x64xf32, #tpu.memory_space<vmem>>) target(%dma_start3A_1896 : memref<128x64xf32, #tpu.memory_space<hbm>>) target_semaphore(%arg10 : memref<!tpu.dma_semaphore, #tpu.memory_space<semaphore_mem>>)
    %dma_wait3A_1901 = arith.constant 1 : i32
    %dma_wait3A_1902 = arith.constant 0 : i32
    %dma_wait3A_1903 = arith.constant 0 : i32
    %dma_wait3A_1904 = tpu.memref_slice %arg6[%dma_wait3A_1901, %dma_wait3A_1902, %dma_wait3A_1903] : memref<2x128x64xf32, #tpu.memory_space<vmem>> -> memref<1x128x64xf32, #tpu.memory_space<vmem>>
    %dma_wait3A_1905 = tpu.memref_squeeze %dma_wait3A_1904 : memref<1x128x64xf32, #tpu.memory_space<vmem>> -> memref<128x64xf32, #tpu.memory_space<vmem>>
    %dma_wait3A_1906 = tpu.memref_slice %arg4[%multiple_of3A_1887, %mul3A_1889] : memref<40960x128xf32, #tpu.memory_space<hbm>> -> memref<128x64xf32, #tpu.memory_space<hbm>>
    %dma_wait3A_1907 = tpu.memref_slice %arg4[%multiple_of3A_1887, %mul3A_1889] : memref<40960x128xf32, #tpu.memory_space<hbm>> -> memref<128x64xf32, #tpu.memory_space<hbm>>
    %dma_wait3A_1908 = arith.constant 0 : i32
    %dma_wait3A_1909 = arith.constant 0 : i32
    %dma_wait3A_1910 = tpu.memref_slice %arg6[%dma_wait3A_1901, %dma_wait3A_1908, %dma_wait3A_1909] : memref<2x128x64xf32, #tpu.memory_space<vmem>> -> memref<1x128x64xf32, #tpu.memory_space<vmem>>
    %dma_wait3A_1911 = tpu.memref_squeeze %dma_wait3A_1910 : memref<1x128x64xf32, #tpu.memory_space<vmem>> -> memref<128x64xf32, #tpu.memory_space<vmem>>
    tpu.wait_dma2 semaphore(%arg10 : memref<!tpu.dma_semaphore, #tpu.memory_space<semaphore_mem>>) src(%dma_wait3A_1911 : memref<128x64xf32, #tpu.memory_space<vmem>>) dst(%dma_wait3A_1907 : memref<128x64xf32, #tpu.memory_space<hbm>>)
    %dma_start3A_1912 = arith.constant 19 : i32
    %dma_start3A_1913 = arith.constant 1 : i32
    %dma_start3A_1914 = arith.constant 0 : i32
    %dma_start3A_1915 = arith.constant 0 : i32
    %dma_start3A_1916 = tpu.memref_slice %arg6[%dma_start3A_1913, %dma_start3A_1914, %dma_start3A_1915] : memref<2x128x64xf32, #tpu.memory_space<vmem>> -> memref<1x128x64xf32, #tpu.memory_space<vmem>>
    %dma_start3A_1917 = tpu.memref_squeeze %dma_start3A_1916 : memref<1x128x64xf32, #tpu.memory_space<vmem>> -> memref<128x64xf32, #tpu.memory_space<vmem>>
    %dma_start3A_1918 = arith.constant 0 : i32
    %dma_start3A_1919 = tpu.memref_slice %arg5[%dma_start3A_1912, %dma_start3A_1918] : memref<20x128xi32, #tpu.memory_space<vmem>> -> memref<1x128xi32, #tpu.memory_space<vmem>>
    %dma_start3A_1920 = tpu.memref_squeeze %dma_start3A_1919 : memref<1x128xi32, #tpu.memory_space<vmem>> -> memref<128xi32, #tpu.memory_space<vmem>>
    %dma_start3A_1921 = arith.constant 0 : i32
    %dma_start3A_1922 = arith.constant 0 : i32
    %dma_start3A_1923 = tpu.memref_slice %arg2[%dma_start3A_1921, %dma_start3A_1922] : memref<200704x64xf32, #tpu.memory_space<hbm>> -> memref<200704x64xf32, #tpu.memory_space<hbm>>
    tpu.enqueue_indirect_dma source(%dma_start3A_1923 : memref<200704x64xf32, #tpu.memory_space<hbm>>) target(%dma_start3A_1917 : memref<128x64xf32, #tpu.memory_space<vmem>>) offsets(%dma_start3A_1920 : memref<128xi32, #tpu.memory_space<vmem>>) semaphore(%arg8 : memref<!tpu.dma_semaphore, #tpu.memory_space<semaphore_mem>>)
    %dma_wait3A_1924 = arith.constant 18 : i32
    %dma_wait3A_1925 = arith.constant 0 : i32
    %dma_wait3A_1926 = arith.constant 0 : i32
    %dma_wait3A_1927 = arith.constant 0 : i32
    %dma_wait3A_1928 = tpu.memref_slice %arg6[%dma_wait3A_1925, %dma_wait3A_1926, %dma_wait3A_1927] : memref<2x128x64xf32, #tpu.memory_space<vmem>> -> memref<1x128x64xf32, #tpu.memory_space<vmem>>
    %dma_wait3A_1929 = tpu.memref_squeeze %dma_wait3A_1928 : memref<1x128x64xf32, #tpu.memory_space<vmem>> -> memref<128x64xf32, #tpu.memory_space<vmem>>
    %dma_wait3A_1930 = arith.constant 0 : i32
    %dma_wait3A_1931 = tpu.memref_slice %arg5[%dma_wait3A_1924, %dma_wait3A_1930] : memref<20x128xi32, #tpu.memory_space<vmem>> -> memref<1x128xi32, #tpu.memory_space<vmem>>
    %dma_wait3A_1932 = tpu.memref_squeeze %dma_wait3A_1931 : memref<1x128xi32, #tpu.memory_space<vmem>> -> memref<128xi32, #tpu.memory_space<vmem>>
    %dma_wait3A_1933 = arith.constant 0 : i32
    %dma_wait3A_1934 = arith.constant 0 : i32
    %dma_wait3A_1935 = tpu.memref_slice %arg2[%dma_wait3A_1933, %dma_wait3A_1934] : memref<200704x64xf32, #tpu.memory_space<hbm>> -> memref<200704x64xf32, #tpu.memory_space<hbm>>
    tpu.wait_indirect_dma semaphore(%arg7 : memref<!tpu.dma_semaphore, #tpu.memory_space<semaphore_mem>>) src(%dma_wait3A_1935 : memref<200704x64xf32, #tpu.memory_space<hbm>>) dst(%dma_wait3A_1929 : memref<128x64xf32, #tpu.memory_space<vmem>>)
    %add3A_1936 = arith.constant 2304 : i32
    %add3A_1937 = arith.addi %mul3A_2, %add3A_1936 : i32
    %rem3A_1938 = arith.constant 16384 : i32
    %rem3A_1939 = arith.remsi %add3A_1937, %rem3A_1938 : i32
    %jit3A_1940 = arith.constant 8192 : i32
    %div3A_1941 = arith.divsi %rem3A_1939, %jit3A_1940 : i32
    %sign3A_1942 = arith.constant 0 : i32
    %sign3A_1943 = arith.cmpi sgt, %rem3A_1939, %sign3A_1942 : i32
    %sign3A_1944 = arith.extui %sign3A_1943 : i1 to i32
    %sign3A_1945 = arith.constant 0 : i32
    %sign3A_1946 = arith.cmpi slt, %rem3A_1939, %sign3A_1945 : i32
    %sign3A_1947 = arith.extui %sign3A_1946 : i1 to i32
    %sign3A_1948 = arith.subi %sign3A_1944, %sign3A_1947 : i32
    %sign3A_1949 = arith.constant 0 : i32
    %sign3A_1950 = arith.cmpi sgt, %jit3A_1940, %sign3A_1949 : i32
    %sign3A_1951 = arith.extui %sign3A_1950 : i1 to i32
    %sign3A_1952 = arith.constant 0 : i32
    %sign3A_1953 = arith.cmpi slt, %jit3A_1940, %sign3A_1952 : i32
    %sign3A_1954 = arith.extui %sign3A_1953 : i1 to i32
    %sign3A_1955 = arith.subi %sign3A_1951, %sign3A_1954 : i32
    %ne3A_1956 = arith.cmpi ne, %sign3A_1948, %sign3A_1955 : i32
    %rem3A_1957 = arith.remsi %rem3A_1939, %jit3A_1940 : i32
    %ne3A_1958 = arith.constant 0 : i32
    %ne3A_1959 = arith.cmpi ne, %rem3A_1957, %ne3A_1958 : i32
    %and3A_1960 = arith.andi %ne3A_1956, %ne3A_1959 : i1
    %sub3A_1961 = arith.constant 1 : i32
    %sub3A_1962 = arith.subi %div3A_1941, %sub3A_1961 : i32
    %select_n3A_1963 = arith.select %and3A_1960, %sub3A_1962, %div3A_1941 : i32
    %jit3A_1964 = arith.constant 16384 : i32
    %div3A_1965 = arith.divsi %add3A_1937, %jit3A_1964 : i32
    %sign3A_1966 = arith.constant 0 : i32
    %sign3A_1967 = arith.cmpi sgt, %add3A_1937, %sign3A_1966 : i32
    %sign3A_1968 = arith.extui %sign3A_1967 : i1 to i32
    %sign3A_1969 = arith.constant 0 : i32
    %sign3A_1970 = arith.cmpi slt, %add3A_1937, %sign3A_1969 : i32
    %sign3A_1971 = arith.extui %sign3A_1970 : i1 to i32
    %sign3A_1972 = arith.subi %sign3A_1968, %sign3A_1971 : i32
    %sign3A_1973 = arith.constant 0 : i32
    %sign3A_1974 = arith.cmpi sgt, %jit3A_1964, %sign3A_1973 : i32
    %sign3A_1975 = arith.extui %sign3A_1974 : i1 to i32
    %sign3A_1976 = arith.constant 0 : i32
    %sign3A_1977 = arith.cmpi slt, %jit3A_1964, %sign3A_1976 : i32
    %sign3A_1978 = arith.extui %sign3A_1977 : i1 to i32
    %sign3A_1979 = arith.subi %sign3A_1975, %sign3A_1978 : i32
    %ne3A_1980 = arith.cmpi ne, %sign3A_1972, %sign3A_1979 : i32
    %rem3A_1981 = arith.remsi %add3A_1937, %jit3A_1964 : i32
    %ne3A_1982 = arith.constant 0 : i32
    %ne3A_1983 = arith.cmpi ne, %rem3A_1981, %ne3A_1982 : i32
    %and3A_1984 = arith.andi %ne3A_1980, %ne3A_1983 : i1
    %sub3A_1985 = arith.constant 1 : i32
    %sub3A_1986 = arith.subi %div3A_1965, %sub3A_1985 : i32
    %select_n3A_1987 = arith.select %and3A_1984, %sub3A_1986, %div3A_1965 : i32
    %mul3A_1988 = arith.constant 8192 : i32
    %mul3A_1989 = arith.muli %select_n3A_1987, %mul3A_1988 : i32
    %rem3A_1990 = arith.constant 8192 : i32
    %rem3A_1991 = arith.remsi %rem3A_1939, %rem3A_1990 : i32
    %add3A_1992 = arith.addi %mul3A_1989, %rem3A_1991 : i32
    %multiple_of3A_1993 = tpu.assume_multiple %add3A_1992, 128 : i32
    %mul3A_1994 = arith.constant 64 : i32
    %mul3A_1995 = arith.muli %select_n3A_1963, %mul3A_1994 : i32
    %dma_start3A_1996 = arith.constant 0 : i32
    %dma_start3A_1997 = arith.constant 0 : i32
    %dma_start3A_1998 = arith.constant 0 : i32
    %dma_start3A_1999 = tpu.memref_slice %arg6[%dma_start3A_1996, %dma_start3A_1997, %dma_start3A_1998] : memref<2x128x64xf32, #tpu.memory_space<vmem>> -> memref<1x128x64xf32, #tpu.memory_space<vmem>>
    %dma_start3A_2000 = tpu.memref_squeeze %dma_start3A_1999 : memref<1x128x64xf32, #tpu.memory_space<vmem>> -> memref<128x64xf32, #tpu.memory_space<vmem>>
    %dma_start3A_2001 = tpu.memref_slice %arg4[%multiple_of3A_1993, %mul3A_1995] : memref<40960x128xf32, #tpu.memory_space<hbm>> -> memref<128x64xf32, #tpu.memory_space<hbm>>
    %dma_start3A_2002 = tpu.memref_slice %arg4[%multiple_of3A_1993, %mul3A_1995] : memref<40960x128xf32, #tpu.memory_space<hbm>> -> memref<128x64xf32, #tpu.memory_space<hbm>>
    %dma_start3A_2003 = arith.constant 0 : i32
    %dma_start3A_2004 = arith.constant 0 : i32
    %dma_start3A_2005 = tpu.memref_slice %arg6[%dma_start3A_1996, %dma_start3A_2003, %dma_start3A_2004] : memref<2x128x64xf32, #tpu.memory_space<vmem>> -> memref<1x128x64xf32, #tpu.memory_space<vmem>>
    %dma_start3A_2006 = tpu.memref_squeeze %dma_start3A_2005 : memref<1x128x64xf32, #tpu.memory_space<vmem>> -> memref<128x64xf32, #tpu.memory_space<vmem>>
    tpu.enqueue_dma source(%dma_start3A_2006 : memref<128x64xf32, #tpu.memory_space<vmem>>) target(%dma_start3A_2002 : memref<128x64xf32, #tpu.memory_space<hbm>>) target_semaphore(%arg9 : memref<!tpu.dma_semaphore, #tpu.memory_space<semaphore_mem>>)
    %dma_wait3A_2007 = arith.constant 19 : i32
    %dma_wait3A_2008 = arith.constant 1 : i32
    %dma_wait3A_2009 = arith.constant 0 : i32
    %dma_wait3A_2010 = arith.constant 0 : i32
    %dma_wait3A_2011 = tpu.memref_slice %arg6[%dma_wait3A_2008, %dma_wait3A_2009, %dma_wait3A_2010] : memref<2x128x64xf32, #tpu.memory_space<vmem>> -> memref<1x128x64xf32, #tpu.memory_space<vmem>>
    %dma_wait3A_2012 = tpu.memref_squeeze %dma_wait3A_2011 : memref<1x128x64xf32, #tpu.memory_space<vmem>> -> memref<128x64xf32, #tpu.memory_space<vmem>>
    %dma_wait3A_2013 = arith.constant 0 : i32
    %dma_wait3A_2014 = tpu.memref_slice %arg5[%dma_wait3A_2007, %dma_wait3A_2013] : memref<20x128xi32, #tpu.memory_space<vmem>> -> memref<1x128xi32, #tpu.memory_space<vmem>>
    %dma_wait3A_2015 = tpu.memref_squeeze %dma_wait3A_2014 : memref<1x128xi32, #tpu.memory_space<vmem>> -> memref<128xi32, #tpu.memory_space<vmem>>
    %dma_wait3A_2016 = arith.constant 0 : i32
    %dma_wait3A_2017 = arith.constant 0 : i32
    %dma_wait3A_2018 = tpu.memref_slice %arg2[%dma_wait3A_2016, %dma_wait3A_2017] : memref<200704x64xf32, #tpu.memory_space<hbm>> -> memref<200704x64xf32, #tpu.memory_space<hbm>>
    tpu.wait_indirect_dma semaphore(%arg8 : memref<!tpu.dma_semaphore, #tpu.memory_space<semaphore_mem>>) src(%dma_wait3A_2018 : memref<200704x64xf32, #tpu.memory_space<hbm>>) dst(%dma_wait3A_2012 : memref<128x64xf32, #tpu.memory_space<vmem>>)
    %add3A_2019 = arith.constant 2432 : i32
    %add3A_2020 = arith.addi %mul3A_2, %add3A_2019 : i32
    %rem3A_2021 = arith.constant 16384 : i32
    %rem3A_2022 = arith.remsi %add3A_2020, %rem3A_2021 : i32
    %jit3A_2023 = arith.constant 8192 : i32
    %div3A_2024 = arith.divsi %rem3A_2022, %jit3A_2023 : i32
    %sign3A_2025 = arith.constant 0 : i32
    %sign3A_2026 = arith.cmpi sgt, %rem3A_2022, %sign3A_2025 : i32
    %sign3A_2027 = arith.extui %sign3A_2026 : i1 to i32
    %sign3A_2028 = arith.constant 0 : i32
    %sign3A_2029 = arith.cmpi slt, %rem3A_2022, %sign3A_2028 : i32
    %sign3A_2030 = arith.extui %sign3A_2029 : i1 to i32
    %sign3A_2031 = arith.subi %sign3A_2027, %sign3A_2030 : i32
    %sign3A_2032 = arith.constant 0 : i32
    %sign3A_2033 = arith.cmpi sgt, %jit3A_2023, %sign3A_2032 : i32
    %sign3A_2034 = arith.extui %sign3A_2033 : i1 to i32
    %sign3A_2035 = arith.constant 0 : i32
    %sign3A_2036 = arith.cmpi slt, %jit3A_2023, %sign3A_2035 : i32
    %sign3A_2037 = arith.extui %sign3A_2036 : i1 to i32
    %sign3A_2038 = arith.subi %sign3A_2034, %sign3A_2037 : i32
    %ne3A_2039 = arith.cmpi ne, %sign3A_2031, %sign3A_2038 : i32
    %rem3A_2040 = arith.remsi %rem3A_2022, %jit3A_2023 : i32
    %ne3A_2041 = arith.constant 0 : i32
    %ne3A_2042 = arith.cmpi ne, %rem3A_2040, %ne3A_2041 : i32
    %and3A_2043 = arith.andi %ne3A_2039, %ne3A_2042 : i1
    %sub3A_2044 = arith.constant 1 : i32
    %sub3A_2045 = arith.subi %div3A_2024, %sub3A_2044 : i32
    %select_n3A_2046 = arith.select %and3A_2043, %sub3A_2045, %div3A_2024 : i32
    %jit3A_2047 = arith.constant 16384 : i32
    %div3A_2048 = arith.divsi %add3A_2020, %jit3A_2047 : i32
    %sign3A_2049 = arith.constant 0 : i32
    %sign3A_2050 = arith.cmpi sgt, %add3A_2020, %sign3A_2049 : i32
    %sign3A_2051 = arith.extui %sign3A_2050 : i1 to i32
    %sign3A_2052 = arith.constant 0 : i32
    %sign3A_2053 = arith.cmpi slt, %add3A_2020, %sign3A_2052 : i32
    %sign3A_2054 = arith.extui %sign3A_2053 : i1 to i32
    %sign3A_2055 = arith.subi %sign3A_2051, %sign3A_2054 : i32
    %sign3A_2056 = arith.constant 0 : i32
    %sign3A_2057 = arith.cmpi sgt, %jit3A_2047, %sign3A_2056 : i32
    %sign3A_2058 = arith.extui %sign3A_2057 : i1 to i32
    %sign3A_2059 = arith.constant 0 : i32
    %sign3A_2060 = arith.cmpi slt, %jit3A_2047, %sign3A_2059 : i32
    %sign3A_2061 = arith.extui %sign3A_2060 : i1 to i32
    %sign3A_2062 = arith.subi %sign3A_2058, %sign3A_2061 : i32
    %ne3A_2063 = arith.cmpi ne, %sign3A_2055, %sign3A_2062 : i32
    %rem3A_2064 = arith.remsi %add3A_2020, %jit3A_2047 : i32
    %ne3A_2065 = arith.constant 0 : i32
    %ne3A_2066 = arith.cmpi ne, %rem3A_2064, %ne3A_2065 : i32
    %and3A_2067 = arith.andi %ne3A_2063, %ne3A_2066 : i1
    %sub3A_2068 = arith.constant 1 : i32
    %sub3A_2069 = arith.subi %div3A_2048, %sub3A_2068 : i32
    %select_n3A_2070 = arith.select %and3A_2067, %sub3A_2069, %div3A_2048 : i32
    %mul3A_2071 = arith.constant 8192 : i32
    %mul3A_2072 = arith.muli %select_n3A_2070, %mul3A_2071 : i32
    %rem3A_2073 = arith.constant 8192 : i32
    %rem3A_2074 = arith.remsi %rem3A_2022, %rem3A_2073 : i32
    %add3A_2075 = arith.addi %mul3A_2072, %rem3A_2074 : i32
    %multiple_of3A_2076 = tpu.assume_multiple %add3A_2075, 128 : i32
    %mul3A_2077 = arith.constant 64 : i32
    %mul3A_2078 = arith.muli %select_n3A_2046, %mul3A_2077 : i32
    %dma_start3A_2079 = arith.constant 1 : i32
    %dma_start3A_2080 = arith.constant 0 : i32
    %dma_start3A_2081 = arith.constant 0 : i32
    %dma_start3A_2082 = tpu.memref_slice %arg6[%dma_start3A_2079, %dma_start3A_2080, %dma_start3A_2081] : memref<2x128x64xf32, #tpu.memory_space<vmem>> -> memref<1x128x64xf32, #tpu.memory_space<vmem>>
    %dma_start3A_2083 = tpu.memref_squeeze %dma_start3A_2082 : memref<1x128x64xf32, #tpu.memory_space<vmem>> -> memref<128x64xf32, #tpu.memory_space<vmem>>
    %dma_start3A_2084 = tpu.memref_slice %arg4[%multiple_of3A_2076, %mul3A_2078] : memref<40960x128xf32, #tpu.memory_space<hbm>> -> memref<128x64xf32, #tpu.memory_space<hbm>>
    %dma_start3A_2085 = tpu.memref_slice %arg4[%multiple_of3A_2076, %mul3A_2078] : memref<40960x128xf32, #tpu.memory_space<hbm>> -> memref<128x64xf32, #tpu.memory_space<hbm>>
    %dma_start3A_2086 = arith.constant 0 : i32
    %dma_start3A_2087 = arith.constant 0 : i32
    %dma_start3A_2088 = tpu.memref_slice %arg6[%dma_start3A_2079, %dma_start3A_2086, %dma_start3A_2087] : memref<2x128x64xf32, #tpu.memory_space<vmem>> -> memref<1x128x64xf32, #tpu.memory_space<vmem>>
    %dma_start3A_2089 = tpu.memref_squeeze %dma_start3A_2088 : memref<1x128x64xf32, #tpu.memory_space<vmem>> -> memref<128x64xf32, #tpu.memory_space<vmem>>
    tpu.enqueue_dma source(%dma_start3A_2089 : memref<128x64xf32, #tpu.memory_space<vmem>>) target(%dma_start3A_2085 : memref<128x64xf32, #tpu.memory_space<hbm>>) target_semaphore(%arg10 : memref<!tpu.dma_semaphore, #tpu.memory_space<semaphore_mem>>)
    %dma_wait3A_2090 = arith.constant 0 : i32
    %dma_wait3A_2091 = arith.constant 0 : i32
    %dma_wait3A_2092 = arith.constant 0 : i32
    %dma_wait3A_2093 = tpu.memref_slice %arg6[%dma_wait3A_2090, %dma_wait3A_2091, %dma_wait3A_2092] : memref<2x128x64xf32, #tpu.memory_space<vmem>> -> memref<1x128x64xf32, #tpu.memory_space<vmem>>
    %dma_wait3A_2094 = tpu.memref_squeeze %dma_wait3A_2093 : memref<1x128x64xf32, #tpu.memory_space<vmem>> -> memref<128x64xf32, #tpu.memory_space<vmem>>
    %dma_wait3A_2095 = tpu.memref_slice %arg4[%multiple_of3A_1993, %mul3A_1995] : memref<40960x128xf32, #tpu.memory_space<hbm>> -> memref<128x64xf32, #tpu.memory_space<hbm>>
    %dma_wait3A_2096 = tpu.memref_slice %arg4[%multiple_of3A_1993, %mul3A_1995] : memref<40960x128xf32, #tpu.memory_space<hbm>> -> memref<128x64xf32, #tpu.memory_space<hbm>>
    %dma_wait3A_2097 = arith.constant 0 : i32
    %dma_wait3A_2098 = arith.constant 0 : i32
    %dma_wait3A_2099 = tpu.memref_slice %arg6[%dma_wait3A_2090, %dma_wait3A_2097, %dma_wait3A_2098] : memref<2x128x64xf32, #tpu.memory_space<vmem>> -> memref<1x128x64xf32, #tpu.memory_space<vmem>>
    %dma_wait3A_2100 = tpu.memref_squeeze %dma_wait3A_2099 : memref<1x128x64xf32, #tpu.memory_space<vmem>> -> memref<128x64xf32, #tpu.memory_space<vmem>>
    tpu.wait_dma2 semaphore(%arg9 : memref<!tpu.dma_semaphore, #tpu.memory_space<semaphore_mem>>) src(%dma_wait3A_2100 : memref<128x64xf32, #tpu.memory_space<vmem>>) dst(%dma_wait3A_2096 : memref<128x64xf32, #tpu.memory_space<hbm>>)
    %dma_wait3A_2101 = arith.constant 1 : i32
    %dma_wait3A_2102 = arith.constant 0 : i32
    %dma_wait3A_2103 = arith.constant 0 : i32
    %dma_wait3A_2104 = tpu.memref_slice %arg6[%dma_wait3A_2101, %dma_wait3A_2102, %dma_wait3A_2103] : memref<2x128x64xf32, #tpu.memory_space<vmem>> -> memref<1x128x64xf32, #tpu.memory_space<vmem>>
    %dma_wait3A_2105 = tpu.memref_squeeze %dma_wait3A_2104 : memref<1x128x64xf32, #tpu.memory_space<vmem>> -> memref<128x64xf32, #tpu.memory_space<vmem>>
    %dma_wait3A_2106 = tpu.memref_slice %arg4[%multiple_of3A_2076, %mul3A_2078] : memref<40960x128xf32, #tpu.memory_space<hbm>> -> memref<128x64xf32, #tpu.memory_space<hbm>>
    %dma_wait3A_2107 = tpu.memref_slice %arg4[%multiple_of3A_2076, %mul3A_2078] : memref<40960x128xf32, #tpu.memory_space<hbm>> -> memref<128x64xf32, #tpu.memory_space<hbm>>
    %dma_wait3A_2108 = arith.constant 0 : i32
    %dma_wait3A_2109 = arith.constant 0 : i32
    %dma_wait3A_2110 = tpu.memref_slice %arg6[%dma_wait3A_2101, %dma_wait3A_2108, %dma_wait3A_2109] : memref<2x128x64xf32, #tpu.memory_space<vmem>> -> memref<1x128x64xf32, #tpu.memory_space<vmem>>
    %dma_wait3A_2111 = tpu.memref_squeeze %dma_wait3A_2110 : memref<1x128x64xf32, #tpu.memory_space<vmem>> -> memref<128x64xf32, #tpu.memory_space<vmem>>
    tpu.wait_dma2 semaphore(%arg10 : memref<!tpu.dma_semaphore, #tpu.memory_space<semaphore_mem>>) src(%dma_wait3A_2111 : memref<128x64xf32, #tpu.memory_space<vmem>>) dst(%dma_wait3A_2107 : memref<128x64xf32, #tpu.memory_space<hbm>>)
    return
  }
}

module attributes {stable_mosaic.version = 14 : i64} {
  func.func @_transpose_pad_body(%arg0: i32, %arg1: memref<50x6272xf32, #tpu.memory_space<vmem>>, %arg2: memref<6272x128xf32, #tpu.memory_space<vmem>>) attributes {dimension_semantics = [#tpu.dimension_semantics<arbitrary>], iteration_bounds = array<i64: 16>, scalar_prefetch = 0 : i64, scratch_operands = 0 : i64, tpu.core_type = #tpu.core_type<tc>, window_params = [{transform_indices = @transform_0, window_bounds = array<i64: 50, 6272>}, {transform_indices = @transform_1, window_bounds = array<i64: 6272, 128>}]} {
    %get3A = arith.constant 0 : index
    %get3A_0 = arith.constant 0 : index
    %get3A_1 = vector.load %arg1[%get3A, %get3A_0] : memref<50x6272xf32, #tpu.memory_space<vmem>>, vector<50x6272xf32>
    %iota3A = tpu.iota {dimensions = array<i32: 0>} : vector<50x50xi32>
    %iota3A_2 = tpu.iota {dimensions = array<i32: 1>} : vector<50x50xi32>
    %eq3A = arith.cmpi eq, %iota3A, %iota3A_2 : vector<50x50xi32>
    %convert_element_type3A = arith.extui %eq3A : vector<50x50xi1> to vector<50x50xi32>
    %convert_element_type3A_3 = arith.sitofp %convert_element_type3A : vector<50x50xi32> to vector<50x50xf32>
    %dot_general3A = arith.constant dense<0.000000e+00> : vector<6272x50xf32>
    %dot_general3A_4 = tpu.matmul %get3A_1, %convert_element_type3A_3, %dot_general3A {dimension_numbers = #tpu.dot_dimension_numbers<[0], [0], [1], [1], [0, 1, 1, 1], [], []>, transpose_lhs_hint = false} : vector<50x6272xf32>, vector<50x50xf32>, vector<6272x50xf32> -> vector<6272x50xf32>
    %broadcast_in_dim3A = arith.constant 0.000000e+00 : f32
    %broadcast_in_dim3A_5 = vector.broadcast %broadcast_in_dim3A : f32 to vector<6272x78xf32>
    %concatenate3A = tpu.concatenate %dot_general3A_4, %broadcast_in_dim3A_5 in 1 : vector<6272x50xf32>, vector<6272x78xf32> -> vector<6272x128xf32>
    %swap3A = arith.constant 0 : index
    %swap3A_6 = arith.constant 0 : index
    %swap3A_7 = vector.load %arg2[%swap3A, %swap3A_6] : memref<6272x128xf32, #tpu.memory_space<vmem>>, vector<6272x128xf32>
    tpu.vector_store %arg2[%swap3A, %swap3A_6], %concatenate3A {strides = array<i32>} : memref<6272x128xf32, #tpu.memory_space<vmem>>, vector<6272x128xf32>,
    return
  }
  func.func @transform_0(%arg0: i32) -> (i32, i32) {
    %c0_i32 = arith.constant 0 : i32
    %c0_i32_0 = arith.constant 0 : i32
    return %c0_i32, %arg0 : i32, i32
  }
  func.func @transform_1(%arg0: i32) -> (i32, i32) {
    %c0_i32 = arith.constant 0 : i32
    %c0_i32_0 = arith.constant 0 : i32
    return %arg0, %c0_i32 : i32, i32
  }
}

module attributes {stable_mosaic.version = 14 : i64} {
  func.func @mlp_body(%arg0: i32, %arg1: memref<2048x128xf32, #tpu.memory_space<vmem>>, %arg2: memref<2048x128xf32, #tpu.memory_space<vmem>>, %arg3: memref<2048x128xf32, #tpu.memory_space<vmem>>, %arg4: memref<2048x128xf32, #tpu.memory_space<vmem>>, %arg5: memref<2048x128xf32, #tpu.memory_space<vmem>>, %arg6: memref<250x100xf32, #tpu.memory_space<vmem>>, %arg7: memref<100x1xf32, #tpu.memory_space<vmem>>, %arg8: memref<100x50xf32, #tpu.memory_space<vmem>>, %arg9: memref<50x1xf32, #tpu.memory_space<vmem>>, %arg10: memref<50x2048xf32, #tpu.memory_space<vmem>>, %arg11: memref<50x2048xf32, #tpu.memory_space<vmem>>) attributes {dimension_semantics = [#tpu.dimension_semantics<arbitrary>], iteration_bounds = array<i64: 4>, scalar_prefetch = 0 : i64, scratch_operands = 0 : i64, tpu.core_type = #tpu.core_type<tc>, window_params = [{transform_indices = @transform_0, window_bounds = array<i64: 2048, 128>}, {transform_indices = @transform_1, window_bounds = array<i64: 2048, 128>}, {transform_indices = @transform_2, window_bounds = array<i64: 2048, 128>}, {transform_indices = @transform_3, window_bounds = array<i64: 2048, 128>}, {transform_indices = @transform_4, window_bounds = array<i64: 2048, 128>}, {pipeline_mode = #tpu.pipeline_mode<synchronous>, transform_indices = @transform_5, window_bounds = array<i64: 250, 100>}, {pipeline_mode = #tpu.pipeline_mode<synchronous>, transform_indices = @transform_6, window_bounds = array<i64: 100, 1>}, {pipeline_mode = #tpu.pipeline_mode<synchronous>, transform_indices = @transform_7, window_bounds = array<i64: 100, 50>}, {pipeline_mode = #tpu.pipeline_mode<synchronous>, transform_indices = @transform_8, window_bounds = array<i64: 50, 1>}, {transform_indices = @transform_9, window_bounds = array<i64: 50, 2048>}, {transform_indices = @transform_10, window_bounds = array<i64: 50, 2048>}]} {
    %get3A = arith.constant 0 : index
    %get3A_0 = arith.constant 0 : index
    %get3A_1 = vector.load %arg7[%get3A, %get3A_0] : memref<100x1xf32, #tpu.memory_space<vmem>>, vector<100x1xf32>
    %broadcast_in_dim3A = vector.shape_cast %get3A_1 : vector<100x1xf32> to vector<100x1xf32>
    %broadcast_in_dim3A_2 = vector.broadcast %broadcast_in_dim3A : vector<100x1xf32> to vector<100x2048xf32>
    %get3A_3 = arith.constant 0 : index
    %get3A_4 = arith.constant 0 : index
    %get3A_5 = vector.load %arg6[%get3A_3, %get3A_4] : memref<250x100xf32, #tpu.memory_space<vmem>>, vector<50x100xf32>
    %get3A_6 = arith.constant 0 : index
    %get3A_7 = arith.constant 0 : index
    %get3A_8 = vector.load %arg1[%get3A_6, %get3A_7] : memref<2048x128xf32, #tpu.memory_space<vmem>>, vector<2048x50xf32>
    %dot_general3A = arith.constant dense<0.000000e+00> : vector<100x2048xf32>
    %dot_general3A_9 = tpu.matmul %get3A_5, %get3A_8, %dot_general3A {dimension_numbers = #tpu.dot_dimension_numbers<[0], [1], [1], [0], [0, 1, 1, 0], [], []>, transpose_lhs_hint = false} : vector<50x100xf32>, vector<2048x50xf32>, vector<100x2048xf32> -> vector<100x2048xf32>
    %add3A = arith.addf %broadcast_in_dim3A_2, %dot_general3A_9 : vector<100x2048xf32>
    %get3A_10 = arith.constant 0 : index
    %get3A_11 = arith.constant 64 : index
    %get3A_12 = vector.load %arg1[%get3A_10, %get3A_11] : memref<2048x128xf32, #tpu.memory_space<vmem>>, vector<2048x50xf32>
    %dot_general3A_13 = arith.constant dense<0.000000e+00> : vector<100x2048xf32>
    %dot_general3A_14 = tpu.matmul %get3A_5, %get3A_12, %dot_general3A_13 {dimension_numbers = #tpu.dot_dimension_numbers<[0], [1], [1], [0], [0, 1, 1, 0], [], []>, transpose_lhs_hint = false} : vector<50x100xf32>, vector<2048x50xf32>, vector<100x2048xf32> -> vector<100x2048xf32>
    %add3A_15 = arith.addf %broadcast_in_dim3A_2, %dot_general3A_14 : vector<100x2048xf32>
    %get3A_16 = arith.constant 50 : index
    %get3A_17 = arith.constant 0 : index
    %get3A_18 = vector.load %arg6[%get3A_16, %get3A_17] : memref<250x100xf32, #tpu.memory_space<vmem>>, vector<50x100xf32>
    %get3A_19 = arith.constant 0 : index
    %get3A_20 = arith.constant 0 : index
    %get3A_21 = vector.load %arg2[%get3A_19, %get3A_20] : memref<2048x128xf32, #tpu.memory_space<vmem>>, vector<2048x50xf32>
    %dot_general3A_22 = arith.constant dense<0.000000e+00> : vector<100x2048xf32>
    %dot_general3A_23 = tpu.matmul %get3A_18, %get3A_21, %dot_general3A_22 {dimension_numbers = #tpu.dot_dimension_numbers<[0], [1], [1], [0], [0, 1, 1, 0], [], []>, transpose_lhs_hint = false} : vector<50x100xf32>, vector<2048x50xf32>, vector<100x2048xf32> -> vector<100x2048xf32>
    %add3A_24 = arith.addf %add3A, %dot_general3A_23 : vector<100x2048xf32>
    %get3A_25 = arith.constant 0 : index
    %get3A_26 = arith.constant 64 : index
    %get3A_27 = vector.load %arg2[%get3A_25, %get3A_26] : memref<2048x128xf32, #tpu.memory_space<vmem>>, vector<2048x50xf32>
    %dot_general3A_28 = arith.constant dense<0.000000e+00> : vector<100x2048xf32>
    %dot_general3A_29 = tpu.matmul %get3A_18, %get3A_27, %dot_general3A_28 {dimension_numbers = #tpu.dot_dimension_numbers<[0], [1], [1], [0], [0, 1, 1, 0], [], []>, transpose_lhs_hint = false} : vector<50x100xf32>, vector<2048x50xf32>, vector<100x2048xf32> -> vector<100x2048xf32>
    %add3A_30 = arith.addf %add3A_15, %dot_general3A_29 : vector<100x2048xf32>
    %get3A_31 = arith.constant 100 : index
    %get3A_32 = arith.constant 0 : index
    %get3A_33 = vector.load %arg6[%get3A_31, %get3A_32] : memref<250x100xf32, #tpu.memory_space<vmem>>, vector<50x100xf32>
    %get3A_34 = arith.constant 0 : index
    %get3A_35 = arith.constant 0 : index
    %get3A_36 = vector.load %arg3[%get3A_34, %get3A_35] : memref<2048x128xf32, #tpu.memory_space<vmem>>, vector<2048x50xf32>
    %dot_general3A_37 = arith.constant dense<0.000000e+00> : vector<100x2048xf32>
    %dot_general3A_38 = tpu.matmul %get3A_33, %get3A_36, %dot_general3A_37 {dimension_numbers = #tpu.dot_dimension_numbers<[0], [1], [1], [0], [0, 1, 1, 0], [], []>, transpose_lhs_hint = false} : vector<50x100xf32>, vector<2048x50xf32>, vector<100x2048xf32> -> vector<100x2048xf32>
    %add3A_39 = arith.addf %add3A_24, %dot_general3A_38 : vector<100x2048xf32>
    %get3A_40 = arith.constant 0 : index
    %get3A_41 = arith.constant 64 : index
    %get3A_42 = vector.load %arg3[%get3A_40, %get3A_41] : memref<2048x128xf32, #tpu.memory_space<vmem>>, vector<2048x50xf32>
    %dot_general3A_43 = arith.constant dense<0.000000e+00> : vector<100x2048xf32>
    %dot_general3A_44 = tpu.matmul %get3A_33, %get3A_42, %dot_general3A_43 {dimension_numbers = #tpu.dot_dimension_numbers<[0], [1], [1], [0], [0, 1, 1, 0], [], []>, transpose_lhs_hint = false} : vector<50x100xf32>, vector<2048x50xf32>, vector<100x2048xf32> -> vector<100x2048xf32>
    %add3A_45 = arith.addf %add3A_30, %dot_general3A_44 : vector<100x2048xf32>
    %get3A_46 = arith.constant 150 : index
    %get3A_47 = arith.constant 0 : index
    %get3A_48 = vector.load %arg6[%get3A_46, %get3A_47] : memref<250x100xf32, #tpu.memory_space<vmem>>, vector<50x100xf32>
    %get3A_49 = arith.constant 0 : index
    %get3A_50 = arith.constant 0 : index
    %get3A_51 = vector.load %arg4[%get3A_49, %get3A_50] : memref<2048x128xf32, #tpu.memory_space<vmem>>, vector<2048x50xf32>
    %dot_general3A_52 = arith.constant dense<0.000000e+00> : vector<100x2048xf32>
    %dot_general3A_53 = tpu.matmul %get3A_48, %get3A_51, %dot_general3A_52 {dimension_numbers = #tpu.dot_dimension_numbers<[0], [1], [1], [0], [0, 1, 1, 0], [], []>, transpose_lhs_hint = false} : vector<50x100xf32>, vector<2048x50xf32>, vector<100x2048xf32> -> vector<100x2048xf32>
    %add3A_54 = arith.addf %add3A_39, %dot_general3A_53 : vector<100x2048xf32>
    %get3A_55 = arith.constant 0 : index
    %get3A_56 = arith.constant 64 : index
    %get3A_57 = vector.load %arg4[%get3A_55, %get3A_56] : memref<2048x128xf32, #tpu.memory_space<vmem>>, vector<2048x50xf32>
    %dot_general3A_58 = arith.constant dense<0.000000e+00> : vector<100x2048xf32>
    %dot_general3A_59 = tpu.matmul %get3A_48, %get3A_57, %dot_general3A_58 {dimension_numbers = #tpu.dot_dimension_numbers<[0], [1], [1], [0], [0, 1, 1, 0], [], []>, transpose_lhs_hint = false} : vector<50x100xf32>, vector<2048x50xf32>, vector<100x2048xf32> -> vector<100x2048xf32>
    %add3A_60 = arith.addf %add3A_45, %dot_general3A_59 : vector<100x2048xf32>
    %get3A_61 = arith.constant 200 : index
    %get3A_62 = arith.constant 0 : index
    %get3A_63 = vector.load %arg6[%get3A_61, %get3A_62] : memref<250x100xf32, #tpu.memory_space<vmem>>, vector<50x100xf32>
    %get3A_64 = arith.constant 0 : index
    %get3A_65 = arith.constant 0 : index
    %get3A_66 = vector.load %arg5[%get3A_64, %get3A_65] : memref<2048x128xf32, #tpu.memory_space<vmem>>, vector<2048x50xf32>
    %dot_general3A_67 = arith.constant dense<0.000000e+00> : vector<100x2048xf32>
    %dot_general3A_68 = tpu.matmul %get3A_63, %get3A_66, %dot_general3A_67 {dimension_numbers = #tpu.dot_dimension_numbers<[0], [1], [1], [0], [0, 1, 1, 0], [], []>, transpose_lhs_hint = false} : vector<50x100xf32>, vector<2048x50xf32>, vector<100x2048xf32> -> vector<100x2048xf32>
    %add3A_69 = arith.addf %add3A_54, %dot_general3A_68 : vector<100x2048xf32>
    %get3A_70 = arith.constant 0 : index
    %get3A_71 = arith.constant 64 : index
    %get3A_72 = vector.load %arg5[%get3A_70, %get3A_71] : memref<2048x128xf32, #tpu.memory_space<vmem>>, vector<2048x50xf32>
    %dot_general3A_73 = arith.constant dense<0.000000e+00> : vector<100x2048xf32>
    %dot_general3A_74 = tpu.matmul %get3A_63, %get3A_72, %dot_general3A_73 {dimension_numbers = #tpu.dot_dimension_numbers<[0], [1], [1], [0], [0, 1, 1, 0], [], []>, transpose_lhs_hint = false} : vector<50x100xf32>, vector<2048x50xf32>, vector<100x2048xf32> -> vector<100x2048xf32>
    %add3A_75 = arith.addf %add3A_60, %dot_general3A_74 : vector<100x2048xf32>
    %tanh3A = math.tanh %add3A_69 : vector<100x2048xf32>
    %get3A_76 = arith.constant 0 : index
    %get3A_77 = arith.constant 0 : index
    %get3A_78 = vector.load %arg8[%get3A_76, %get3A_77] : memref<100x50xf32, #tpu.memory_space<vmem>>, vector<100x50xf32>
    %dot_general3A_79 = arith.constant dense<0.000000e+00> : vector<50x2048xf32>
    %dot_general3A_80 = tpu.matmul %get3A_78, %tanh3A, %dot_general3A_79 {dimension_numbers = #tpu.dot_dimension_numbers<[0], [0], [1], [1], [0, 1, 1, 1], [], []>, transpose_lhs_hint = false} : vector<100x50xf32>, vector<100x2048xf32>, vector<50x2048xf32> -> vector<50x2048xf32>
    %get3A_81 = arith.constant 0 : index
    %get3A_82 = arith.constant 0 : index
    %get3A_83 = vector.load %arg9[%get3A_81, %get3A_82] : memref<50x1xf32, #tpu.memory_space<vmem>>, vector<50x1xf32>
    %add3A_84 = vector.broadcast %get3A_83 : vector<50x1xf32> to vector<50x2048xf32>
    %add3A_85 = arith.addf %dot_general3A_80, %add3A_84 : vector<50x2048xf32>
    %reduce_max3A = arith.constant dense<0xFF800000> : vector<2048xf32>
    %reduce_max3A_86 = vector.multi_reduction <maximumf>, %add3A_85, %reduce_max3A [0] : vector<50x2048xf32> to vector<2048xf32>
    %broadcast_in_dim3A_87 = vector.shape_cast %reduce_max3A_86 : vector<2048xf32> to vector<1x2048xf32>
    %sub3A = vector.broadcast %broadcast_in_dim3A_87 : vector<1x2048xf32> to vector<50x2048xf32>
    %sub3A_88 = arith.subf %add3A_85, %sub3A : vector<50x2048xf32>
    %exp3A = math.exp %sub3A_88 : vector<50x2048xf32>
    %reduce_sum3A = arith.constant dense<0.000000e+00> : vector<2048xf32>
    %reduce_sum3A_89 = vector.multi_reduction <add>, %exp3A, %reduce_sum3A [0] : vector<50x2048xf32> to vector<2048xf32>
    %broadcast_in_dim3A_90 = vector.shape_cast %reduce_sum3A_89 : vector<2048xf32> to vector<1x2048xf32>
    %log3A = math.log %broadcast_in_dim3A_90 : vector<1x2048xf32>
    %sub3A_91 = vector.broadcast %log3A : vector<1x2048xf32> to vector<50x2048xf32>
    %sub3A_92 = arith.subf %sub3A_88, %sub3A_91 : vector<50x2048xf32>
    %swap3A = arith.constant 0 : index
    %swap3A_93 = arith.constant 0 : index
    %swap3A_94 = vector.load %arg10[%swap3A, %swap3A_93] : memref<50x2048xf32, #tpu.memory_space<vmem>>, vector<50x2048xf32>
    tpu.vector_store %arg10[%swap3A, %swap3A_93], %sub3A_92 {strides = array<i32>} : memref<50x2048xf32, #tpu.memory_space<vmem>>, vector<50x2048xf32>,
    %tanh3A_95 = math.tanh %add3A_75 : vector<100x2048xf32>
    %get3A_96 = arith.constant 0 : index
    %get3A_97 = arith.constant 0 : index
    %get3A_98 = vector.load %arg8[%get3A_96, %get3A_97] : memref<100x50xf32, #tpu.memory_space<vmem>>, vector<100x50xf32>
    %dot_general3A_99 = arith.constant dense<0.000000e+00> : vector<50x2048xf32>
    %dot_general3A_100 = tpu.matmul %get3A_98, %tanh3A_95, %dot_general3A_99 {dimension_numbers = #tpu.dot_dimension_numbers<[0], [0], [1], [1], [0, 1, 1, 1], [], []>, transpose_lhs_hint = false} : vector<100x50xf32>, vector<100x2048xf32>, vector<50x2048xf32> -> vector<50x2048xf32>
    %get3A_101 = arith.constant 0 : index
    %get3A_102 = arith.constant 0 : index
    %get3A_103 = vector.load %arg9[%get3A_101, %get3A_102] : memref<50x1xf32, #tpu.memory_space<vmem>>, vector<50x1xf32>
    %add3A_104 = vector.broadcast %get3A_103 : vector<50x1xf32> to vector<50x2048xf32>
    %add3A_105 = arith.addf %dot_general3A_100, %add3A_104 : vector<50x2048xf32>
    %reduce_max3A_106 = arith.constant dense<0xFF800000> : vector<2048xf32>
    %reduce_max3A_107 = vector.multi_reduction <maximumf>, %add3A_105, %reduce_max3A_106 [0] : vector<50x2048xf32> to vector<2048xf32>
    %broadcast_in_dim3A_108 = vector.shape_cast %reduce_max3A_107 : vector<2048xf32> to vector<1x2048xf32>
    %sub3A_109 = vector.broadcast %broadcast_in_dim3A_108 : vector<1x2048xf32> to vector<50x2048xf32>
    %sub3A_110 = arith.subf %add3A_105, %sub3A_109 : vector<50x2048xf32>
    %exp3A_111 = math.exp %sub3A_110 : vector<50x2048xf32>
    %reduce_sum3A_112 = arith.constant dense<0.000000e+00> : vector<2048xf32>
    %reduce_sum3A_113 = vector.multi_reduction <add>, %exp3A_111, %reduce_sum3A_112 [0] : vector<50x2048xf32> to vector<2048xf32>
    %broadcast_in_dim3A_114 = vector.shape_cast %reduce_sum3A_113 : vector<2048xf32> to vector<1x2048xf32>
    %log3A_115 = math.log %broadcast_in_dim3A_114 : vector<1x2048xf32>
    %sub3A_116 = vector.broadcast %log3A_115 : vector<1x2048xf32> to vector<50x2048xf32>
    %sub3A_117 = arith.subf %sub3A_110, %sub3A_116 : vector<50x2048xf32>
    %swap3A_118 = arith.constant 0 : index
    %swap3A_119 = arith.constant 0 : index
    %swap3A_120 = vector.load %arg11[%swap3A_118, %swap3A_119] : memref<50x2048xf32, #tpu.memory_space<vmem>>, vector<50x2048xf32>
    tpu.vector_store %arg11[%swap3A_118, %swap3A_119], %sub3A_117 {strides = array<i32>} : memref<50x2048xf32, #tpu.memory_space<vmem>>, vector<50x2048xf32>,
    return
  }
  func.func @transform_0(%arg0: i32) -> (i32, i32) {
    %add3A = arith.constant 0 : i32
    %add3A_0 = arith.addi %add3A, %arg0 : i32
    %c0_i32 = arith.constant 0 : i32
    %c0_i32_1 = arith.constant 0 : i32
    return %add3A_0, %c0_i32 : i32, i32
  }
  func.func @transform_1(%arg0: i32) -> (i32, i32) {
    %add3A = arith.constant 4 : i32
    %add3A_0 = arith.addi %add3A, %arg0 : i32
    %c0_i32 = arith.constant 0 : i32
    %c0_i32_1 = arith.constant 0 : i32
    return %add3A_0, %c0_i32 : i32, i32
  }
  func.func @transform_2(%arg0: i32) -> (i32, i32) {
    %add3A = arith.constant 8 : i32
    %add3A_0 = arith.addi %add3A, %arg0 : i32
    %c0_i32 = arith.constant 0 : i32
    %c0_i32_1 = arith.constant 0 : i32
    return %add3A_0, %c0_i32 : i32, i32
  }
  func.func @transform_3(%arg0: i32) -> (i32, i32) {
    %add3A = arith.constant 12 : i32
    %add3A_0 = arith.addi %add3A, %arg0 : i32
    %c0_i32 = arith.constant 0 : i32
    %c0_i32_1 = arith.constant 0 : i32
    return %add3A_0, %c0_i32 : i32, i32
  }
  func.func @transform_4(%arg0: i32) -> (i32, i32) {
    %add3A = arith.constant 16 : i32
    %add3A_0 = arith.addi %add3A, %arg0 : i32
    %c0_i32 = arith.constant 0 : i32
    %c0_i32_1 = arith.constant 0 : i32
    return %add3A_0, %c0_i32 : i32, i32
  }
  func.func @transform_5(%arg0: i32) -> (i32, i32) {
    %c0_i32 = arith.constant 0 : i32
    %c0_i32_0 = arith.constant 0 : i32
    %c0_i32_1 = arith.constant 0 : i32
    return %c0_i32, %c0_i32_0 : i32, i32
  }
  func.func @transform_6(%arg0: i32) -> (i32, i32) {
    %c0_i32 = arith.constant 0 : i32
    %c0_i32_0 = arith.constant 0 : i32
    %c0_i32_1 = arith.constant 0 : i32
    return %c0_i32, %c0_i32_0 : i32, i32
  }
  func.func @transform_7(%arg0: i32) -> (i32, i32) {
    %c0_i32 = arith.constant 0 : i32
    %c0_i32_0 = arith.constant 0 : i32
    %c0_i32_1 = arith.constant 0 : i32
    return %c0_i32, %c0_i32_0 : i32, i32
  }
  func.func @transform_8(%arg0: i32) -> (i32, i32) {
    %c0_i32 = arith.constant 0 : i32
    %c0_i32_0 = arith.constant 0 : i32
    %c0_i32_1 = arith.constant 0 : i32
    return %c0_i32, %c0_i32_0 : i32, i32
  }
  func.func @transform_9(%arg0: i32) -> (i32, i32) {
    %c0_i32 = arith.constant 0 : i32
    %c0_i32_0 = arith.constant 0 : i32
    return %c0_i32, %arg0 : i32, i32
  }
  func.func @transform_10(%arg0: i32) -> (i32, i32) {
    %c0_i32 = arith.constant 0 : i32
    %c0_i32_0 = arith.constant 0 : i32
    return %c0_i32, %arg0 : i32, i32
  }
}

</mosaic_0001>

<sc_bundles>
// kernel: kernel.5.cloned.1.call-start
scs
__scs_entry_jumppad:
0x0: {  	(pc) =	sbr.rel $0x88, $3  }
0x1: {  	(tag) =	ssettag $0x0;
	lr =	simm.s32 $0x1  }
0x2: {  	[smem:$0x3F9B] =	sst lr;
	_ =	strace $0xD0000000  }
0x3: {  	_ = 	snop  }
0x4: {  	_ = 	snop  }
0x5: {  	_ = 	snop  }
0x6: {  	_ = 	snop  }
0x7: {  	_ = 	snop  }
__scs_overlays_trampoline_lowered:
0x8: {  	[smem:$0x3FAA] =	sst s0  }
0x9: {  	[smem:$0x3FAB] =	sst s1  }
0xa: {  	[smem:$0x3FAC] =	sst s2  }
0xb: {  	[smem:$0x3FAD] =	sst s3  }
0xc: {  	[smem:$0x3FAE] =	sst s4  }
0xd: {  	[smem:$0x3FAF] =	sst s5  }
0xe: {  	[smem:$0x3FB0] =	sst s6  }
0xf: {  	[smem:$0x3FB1] =	sst s7  }
0x10: {  	[smem:$0x3FB2] =	sst s8  }
0x11: {  	[smem:$0x3FB3] =	sst s9;
	s0 =	simm.s32 @!p0 $0x0  }
0x12: {  	s1 =	sld [smem:$0x3F99];
	s0 =	simm.s32 @p0 $0x1  }
0x13: {  	[smem:$0x3FB4] =	sst s0;
	s0 =	simm.s32 @!p1 $0x0  }
0x14: {  	s2 =	sld [smem:$0x3F98];
	s0 =	simm.s32 @p1 $0x1  }
0x15: {  	[smem:$0x3FB5] =	sst s0;
	s0 =	simm.s32 @!p2 $0x0  }
0x16: {  	s3 =	sld [smem:$0x3FDB];
	s0 =	simm.s32 @p2 $0x1  }
0x17: {  	s4 =	simm.s32 $0x1BF5;
	[smem:$0x3FB7] =	sst s0  }
0x18: {  	s0 =	sld [smem:$0x3F9A];
	_ =	swait.ge [sflag:s4], $0x0  }
0x19: {  	s7 =	sld [smem:$0x3F9B]  }
0x1a: {  	s8 =	sadd.s32 $0xFFFFE003, lr  }
0x1b: {  	s9 =	sadd.s32 $0xFFFFFEF7, lr;
	s5 =	simm.s32 $0xFFFFFFFF;
	p2 =	slt.u32 s8, $0xFFFFF086  }
0x1c: {  	p1 =	slt.u32 s9, $0xF7A;
	s5 =	simm.s32 @!p2 $0x0  }
0x1d: {  	s5 =	simm.s32 @p1 $0x1;
	p0 =	seq.s32 s7, s2  }
0x1e: {  	s7 =	smul.u32 @!p0 $0xF7A, s2;
	p2 =	seq.s32 @!p0 s5, $0x0  }
0x1f: {  	s9 =	smul.u32 $0xF7A, s1;
	s8 =	simm.s32 @!p0 $0x1BF5;
	p2 =	por !p2, p0  }
0x20: {  	[sflag:s8] =	ssyncset.s32 @!p0 $0xFFFFF086;
	s6 =	sadd.s32 @!p0 s3, s7;
	s7 =	simm.s32 @!p0 $0x108  }
0x21: {  	s3 =	sadd.s32 s3, s9;
	s6 =	sadd.s32 @!p0 $0x88, s6;
	s7 =	simm.s32 @p2 $0x1082  }
0x22: {  	[simem:s7], [sflag:s8] =	dma.local @!p0 [hbm:s6], $0xF7A  }
0x23: {  	s9 =	sor.u32 $0xD0000000, s2;
	s6 =	simm.s32 $0x108;
	_ =	swait.ge @!p0 [sflag:s8], $0x0  }
0x24: {  	s3 =	sadd.s32 $0x88, s3;
	s6 =	simm.s32 @!p1 $0x1082;
	[sflag:s4] =	ssyncset.s32 $0xFFFFF086  }
0x25: {  	[simem:s6], [sflag:s4] =	dma.local [hbm:s3], $0xF7A  }
0x26: {  	[smem:$0x3F9B] =	sst s1;
	(tag) =	ssettag s2;
	_ =	strace s9  }
0x27: {  	s1 =	sld [smem:$0x3FAB]  }
0x28: {  	s2 =	sld [smem:$0x3FAC]  }
0x29: {  	s4 =	sld [smem:$0x3FAE]  }
0x2a: {  	p0 =	seq.s32 s5, $0x0;
	s5 =	sld [smem:$0x3FAF]  }
0x2b: {  	s6 =	sld [smem:$0x3FB0]  }
0x2c: {  	s7 =	sld [smem:$0x3FB1]  }
0x2d: {  	s3 =	simm.s32 $0x108;
	s8 =	sld [smem:$0x3FB2]  }
0x2e: {  	s3 =	simm.s32 @!p0 $0x1082;
	s9 =	sld [smem:$0x3FB3]  }
0x2f: {  	lr =	sadd.s32 s0, s3;
	s0 =	sld [smem:$0x3FAA]  }
0x30: {  	s3 =	sld [smem:$0x3FAD]  }
0x31: {  	[smem:$0x3FB6] =	sst s10  }
0x32: {  	s10 =	sld [smem:$0x3FB4];
	_ =	sdelay $0x3  }
0x33: {  	p0 =	seq.s32 s10, $0x1;
	s10 =	sld [smem:$0x3FB6];
	_ =	sdelay $0x3  }
0x34: {  	[smem:$0x3FB6] =	sst s10  }
0x35: {  	s10 =	sld [smem:$0x3FB5];
	_ =	sdelay $0x3  }
0x36: {  	p1 =	seq.s32 s10, $0x1;
	s10 =	sld [smem:$0x3FB6];
	_ =	sdelay $0x3  }
0x37: {  	[smem:$0x3FB6] =	sst s10  }
0x38: {  	s10 =	sld [smem:$0x3FB7]  }
0x39: {  	_ = 	snop;
	(pc) =	sbr.ind lr, $3  }
0x3a: {  	_ = 	snop  }
0x3b: {  	_ = 	snop  }
0x3c: {  	p2 =	seq.s32 s10, $0x1;
	s10 =	sld [smem:$0x3FB6]  }
0x3d: {  	_ =	shalt  }
0x3e: {  	_ =	shalt  }
0x3f: {  	_ =	shalt  }
0x40: {  	_ =	shalt  }
0x41: {  	_ =	shalt  }
0x42: {  	_ =	shalt  }
0x43: {  	_ =	shalt  }
0x44: {  	_ =	shalt  }
0x45: {  	_ =	shalt  }
0x46: {  	_ =	shalt  }
0x47: {  	_ =	shalt  }
0x48: {  	_ =	shalt  }
0x49: {  	_ =	shalt  }
0x4a: {  	_ =	shalt  }
0x4b: {  	_ =	shalt  }
0x4c: {  	_ =	shalt  }
0x4d: {  	_ =	shalt  }
0x4e: {  	_ =	shalt  }
0x4f: {  	_ =	shalt  }
0x50: {  	_ =	shalt  }
0x51: {  	_ =	shalt  }
0x52: {  	_ =	shalt  }
0x53: {  	_ =	shalt  }
0x54: {  	_ =	shalt  }
0x55: {  	_ =	shalt  }
0x56: {  	_ =	shalt  }
0x57: {  	_ =	shalt  }
0x58: {  	_ =	shalt  }
0x59: {  	_ =	shalt  }
0x5a: {  	_ =	shalt  }
0x5b: {  	_ =	shalt  }
0x5c: {  	_ =	shalt  }
0x5d: {  	_ =	shalt  }
0x5e: {  	_ =	shalt  }
0x5f: {  	_ =	shalt  }
0x60: {  	_ =	shalt  }
0x61: {  	_ =	shalt  }
0x62: {  	_ =	shalt  }
0x63: {  	_ =	shalt  }
0x64: {  	_ =	shalt  }
0x65: {  	_ =	shalt  }
0x66: {  	_ =	shalt  }
0x67: {  	_ =	shalt  }
0x68: {  	_ =	shalt  }
0x69: {  	_ =	shalt  }
0x6a: {  	_ =	shalt  }
0x6b: {  	_ =	shalt  }
0x6c: {  	_ =	shalt  }
0x6d: {  	_ =	shalt  }
0x6e: {  	_ =	shalt  }
0x6f: {  	_ =	shalt  }
0x70: {  	_ =	shalt  }
0x71: {  	_ =	shalt  }
0x72: {  	_ =	shalt  }
0x73: {  	_ =	shalt  }
0x74: {  	_ =	shalt  }
0x75: {  	_ =	shalt  }
0x76: {  	_ =	shalt  }
0x77: {  	_ =	shalt  }
0x78: {  	_ =	shalt  }
0x79: {  	_ =	shalt  }
0x7a: {  	_ =	shalt  }
0x7b: {  	_ =	shalt  }
0x7c: {  	_ =	shalt  }
0x7d: {  	_ =	shalt  }
0x7e: {  	_ =	shalt  }
0x7f: {  	_ =	shalt  }
0x80: {  	_ =	shalt  }
0x81: {  	_ =	shalt  }
0x82: {  	_ =	shalt  }
0x83: {  	_ =	shalt  }
0x84: {  	_ =	shalt  }
0x85: {  	_ =	shalt  }
0x86: {  	_ =	shalt  }
0x87: {  	_ =	shalt  }
.Lfunc_end0:
.L_simem_size_0:
called_computation_lowered:
.L_overlay_start_0:
0x88: {  	s2 =	sld [smem:$0x3FD9]  }
0x89: {  	s3 =	sld [smem:$0x3FFE];
	_ =	sdelay $0x1  }
0x8a: {  	s1 =	srdreg.scid  }
0x8b: {  	s0 =	sand.u32 $0x1, s1  }
0x8c: {  	s17 =	sshll.u32 s0, $0xA;
	s2 =	sadd.s32 s3, s2  }
0x8d: {  	s2 =	sadd.s32 s2, s17  }
0x8e: {  	[smem:$0x3FC2] =	sst s2  }
0x8f: {  	_ = 	snop  }
0x90: {  	s2 =	sld [smem:$0x3FD0];
	(tm) =	ssettm $0x1  }
0x91: {  	s18 =	sld [smem:$0x3FFB];
	_ =	sdelay $0x3  }
0x92: {  	_ =	strace s18  }
0x93: {  	s3 =	sld [smem:$0x3FFC];
	_ =	sdelay $0x3  }
0x94: {  	_ =	strace s3  }
0x95: {  	s3 =	sld [smem:$0x3FFD];
	_ =	sdelay $0x3  }
0x96: {  	_ =	strace s3  }
0x97: {  	_ =	strace $0x8FFFFFFF  }
0x98: {  	s19 =	sld [smem:$0x3FDB];
	_ =	sdelay $0x1  }
0x99: {  	s4 =	simm.s32 $_scs_section_size  }
0x9a: {  	s5 =	simm.s32 $_size__tile_overlayer_lowered;
	s6 =	simm.s32 $_tile_overlayer_lowered  }
0x9b: {  	s22 =	simm.s32 $0x1BFF;
	s21 =	sshll.u32 s6, $0x1;
	s3 =	sadd.s32 s4, s19  }
0x9c: {  	s7 =	simm.s32 $0x0;
	s20 =	sshll.u32 s5, $0x1;
	s5 =	sadd.s32 s21, s3  }
0x9d: {  	[timem:s7], [sflag:s22] =	dma.local [hbm:s5], s20  }
0x9e: {  	_ =	swait.ge [sflag:s22], s20  }
0x9f: {  	s4 =	ssub.s32 $0x0, s20;
	[sflag:s22] =	ssyncset.done $0x0  }
0xa0: {  	[sflag:s22] =	ssyncadd.s32 s4;
	_ =	sdelay $0x1  }
0xa1: {  	s23 =	simm.s32 $0x1B8B  }
0xa2: {  	_ =	swait.ge [sflag:s23], $0x1  }
0xa3: {  	[sflag:s23] =	ssyncset.done $0x0  }
0xa4: {  	s25 =	simm.s32 $0x1B8E;
	s24 =	sld [smem:$0x3FFE];
	[sflag:s23] =	ssyncadd.s32 $0xFFFFFFFF  }
0xa5: {  	s26 =	simm.s32 $execute0_lowered;
	[smem:$0x3FD2] =	sst s25  }
0xa6: {  	s5 =	sshll.u32 s26, $0x1;
	_ =	strace $0x80000046;
	[dreg:$0x1] =	wrdreg $0xFFFFFFFF  }
0xa7: {  	s28 =	simm.s32 $_size_execute0_lowered;
	s3 =	sadd.s32 s3, s5;
	[dreg:$0x0] =	wrdreg $0x0  }
0xa8: {  	s5 =	sshll.u32 s28, $0x1;
	[dreg:$0x2] =	wrdreg s3  }
0xa9: {  	[dreg:$0x3] =	wrdreg s5  }
0xaa: {  	[dreg:$0x4] =	wrdreg $0xC0  }
0xab: {  	_ =	task [dreg:s7], $0x5FFFF  }
0xac: {  	[dreg:$0x1] =	wrdreg $0xFFFFFFFF  }
0xad: {  	[dreg:$0x0] =	wrdreg $0x60  }
0xae: {  	[dreg:$0x2] =	wrdreg s24  }
0xaf: {  	[dreg:$0x3] =	wrdreg s2  }
0xb0: {  	[dreg:$0x4] =	wrdreg $0x9  }
0xb1: {  	_ =	task.clear_ibuf [dreg:s7], $0x5FFFF;
	_ =	strace $0x90000046  }
0xb2: {  	s29 =	simm.s32 $0x9;
	_ =	strace $0x80000048  }
0xb3: {  	_ =	swait.ge [sflag:s29], $0x1  }
0xb4: {  	[sflag:s29] =	ssyncadd.s32 $0xFFFFFFFF  }
0xb5: {  	_ =	strace $0x90000048  }
0xb6: {  	_ =	sfence  }
0xb7: {  	s30 =	sld [smem:$0x0];
	_ =	sdelay $0x2  }
0xb8: {  	s31 =	sshll.u32 s1, $0xD;
	s1 =	sshrl.u32 s1, $0x2  }
0xb9: {  	s3 =	sand.u32 $0x4000, s31;
	s1 =	sadd.s32 s1, s30  }
0xba: {  	s0 =	sor.u32 s3, s0;
	s1 =	sshll.u32 s1, $0x11  }
0xbb: {  	s0 =	sor.u32 s1, s0  }
0xbc: {  	s0 =	sadd.s32 $0x8F2B, s0  }
0xbd: {  	[sflag:s0] =	ssyncadd.remote.s32 $0x1  }
0xbe: {  	_ =	sfence.sel $0xFFFF  }
0xbf: {  	[dreg:$0x0] =	wrdreg $0xFFFFFFFF;
	(pc) =	sbr.abs _section_cstart, $3  }
0xc0: {  	[dreg:$0x1] =	wrdreg $0xFFFFFFFF  }
0xc1: {  	_ =	task.clear_ibuf [dreg:s7], $0x2FFFF;
	_ =	strace $0x9FFFFFFF  }
0xc2: {  	(tm) =	ssettm $0x7FFFFFFF  }
0xc3: {  	_ =	shalt  }
tec
execute0_lowered:
.L_overlay_start_1:
0x0: {  	(tag) =	ssettag $0x1  }
0x1: {  	s0 =	srdreg.scid;
	s1 =	stileid.u32  }
0x2: {  	s0 =	sand.u32 $0x1, s0;
	s2 =	sshll.u32 s1, $0x1  }
0x3: {  	s7 =	rddreg [dreg:$0x1];
	s3 =	sor.u32 s0, s2  }
0x4: {  	s31 =	simm.s32 $0x5;
	s30 =	simm.s32 $0x180;
	s6 =	smul.u32 $0xA00, s3  }
0x5: {  	s29 =	simm.s32 $0x200;
	s28 =	simm.s32 $0x280;
	s5 =	smul.u32 $0x28000, s3  }
0x6: {  	s1 =	rddreg [dreg:$0x0];
	s2 =	simm.s32 $0x0;
	s3 =	smul.u32 $0x50000, s3  }
0x7: {  	p0 =	por $0x0, $0x0;
	s4 =	sadd.s32 $0x189000, s1;
	[smem:$0x7FF] =	sst s2  }
0x8: {  	_ =	strace $0x80000047;
	s5 =	sand.u32 $0x700000, s5;
	s3 =	sand.u32 $0xF0000, s3  }
0x9: {  	s8 =	sshrl.u32 s6, $0x7;
	s9 =	sshrl.u32 s6, $0x3;
	s22 =	sadd.s32 $0x200, s6  }
0xa: {  	s12 =	sadd.s32 $0x300, s6;
	s15 =	sadd.s32 $0x380, s6;
	s3 =	sor.u32 s3, s5  }
0xb: {  	s8 =	sand.u32 $0x40, s8;
	s5 =	ssub.s32 $0x2, s0;
	s20 =	sadd.s32 s7, s9  }
0xc: {  	s23 =	sshll.u32 s22, $0x6;
	s24 =	sshll.u32 s22, $0x7;
	s7 =	sshrl.u32 s22, $0x7  }
0xd: {  	s9 =	sadd.s32 $0x280, s6;
	s13 =	sshll.u32 s12, $0x6;
	s14 =	sshll.u32 s12, $0x7  }
0xe: {  	s3 =	sor.u32 s8, s3;
	[dreg:$0x3] =	wrdreg s20;
	s0 =	sand.u32 $0xF00000, s23  }
0xf: {  	s8 =	sand.u32 $0xF0000, s24;
	s7 =	sand.u32 $0x40, s7;
	s10 =	sshll.u32 s9, $0x6  }
0x10: {  	s11 =	sshll.u32 s9, $0x7;
	s20 =	sadd.s32 $0x400, s6;
	s23 =	sadd.s32 $0x480, s6  }
0x11: {  	s21 =	sshrl.u32 s3, $0x3;
	s0 =	sor.u32 s8, s0;
	s22 =	sshll.u32 s20, $0x7  }
0x12: {  	s24 =	sshll.u32 s23, $0x6;
	s3 =	sadd.s32 s4, s21;
	s0 =	sor.u32 s7, s0  }
0x13: {  	s7 =	sshrl.u32 s9, $0x7;
	s9 =	sand.u32 $0xF8000, s14;
	s25 =	sadd.s32 $0x800, s3  }
0x14: {  	s21 =	sshll.u32 s20, $0x6;
	s26 =	sadd.s32 $0x1000, s3;
	[dreg:$0x4] =	wrdreg s25  }
0x15: {  	s8 =	sadd.s32 $0x1800, s3;
	s0 =	sshrl.u32 s0, $0x3;
	[dreg:$0x5] =	wrdreg s26  }
0x16: {  	s7 =	sand.u32 $0x40, s7;
	[dreg:$0x6] =	wrdreg s8;
	s0 =	sadd.s32 s4, s0  }
0x17: {  	s8 =	sand.u32 $0xF4000, s11;
	s11 =	sshll.u32 s15, $0x7;
	s25 =	sshll.u32 s23, $0x7  }
0x18: {  	s26 =	sadd.s32 $0x500, s6;
	[dreg:$0x7] =	wrdreg s0;
	s0 =	sand.u32 $0xF00000, s10  }
0x19: {  	s10 =	sshll.u32 s15, $0x6;
	s11 =	sand.u32 $0xFC000, s11;
	s0 =	sor.u32 s8, s0  }
0x1a: {  	s8 =	sshrl.u32 s12, $0x7;
	s10 =	sand.u32 $0xF00000, s10;
	s12 =	sshll.u32 s26, $0x7  }
0x1b: {  	s0 =	sor.u32 s7, s0;
	s7 =	sand.u32 $0xF00000, s13;
	s8 =	sand.u32 $0x40, s8  }
0x1c: {  	s16 =	sor.u32 s11, s10;
	s11 =	sshll.u32 s26, $0x6;
	s0 =	sshrl.u32 s0, $0x3  }
0x1d: {  	s7 =	sor.u32 s9, s7;
	s9 =	sshrl.u32 s15, $0x7;
	s10 =	sand.u32 $0xF00000, s11  }
0x1e: {  	s11 =	sand.u32 $0xF8000, s12;
	s7 =	sor.u32 s8, s7;
	s9 =	sand.u32 $0x40, s9  }
0x1f: {  	s0 =	sadd.s32 s4, s0;
	s13 =	sor.u32 s11, s10;
	s7 =	sshrl.u32 s7, $0x3  }
0x20: {  	s8 =	sor.u32 s9, s16;
	[dreg:$0x8] =	wrdreg s0;
	s0 =	sand.u32 $0xF00000, s21  }
0x21: {  	s9 =	sand.u32 $0xF4000, s25;
	s17 =	sadd.s32 s4, s7;
	s18 =	sshrl.u32 s8, $0x3  }
0x22: {  	s8 =	sand.u32 $0xF0000, s22;
	s7 =	sshrl.u32 s20, $0x7;
	s20 =	sadd.s32 $0x600, s6  }
0x23: {  	[dreg:$0x9] =	wrdreg s17;
	s19 =	sadd.s32 s4, s18;
	s0 =	sor.u32 s8, s0  }
0x24: {  	s7 =	sand.u32 $0x40, s7;
	s8 =	sshrl.u32 s23, $0x7;
	s17 =	sadd.s32 $0x580, s6  }
0x25: {  	s21 =	sshll.u32 s20, $0x6;
	s22 =	sshll.u32 s20, $0x7;
	s23 =	sadd.s32 $0x680, s6  }
0x26: {  	[dreg:$0xa] =	wrdreg s19;
	s0 =	sor.u32 s7, s0;
	s7 =	sand.u32 $0xF00000, s24  }
0x27: {  	s8 =	sand.u32 $0x40, s8;
	s18 =	sshll.u32 s17, $0x6;
	s19 =	sshll.u32 s17, $0x7  }
0x28: {  	s24 =	sshll.u32 s23, $0x6;
	s25 =	sshll.u32 s23, $0x7;
	s0 =	sshrl.u32 s0, $0x3  }
0x29: {  	s7 =	sor.u32 s9, s7;
	s9 =	sshrl.u32 s26, $0x7;
	s10 =	sand.u32 $0xF00000, s24  }
0x2a: {  	s11 =	sand.u32 $0xF4000, s25;
	s7 =	sor.u32 s8, s7;
	s9 =	sand.u32 $0x40, s9  }
0x2b: {  	s0 =	sadd.s32 s4, s0;
	s26 =	sor.u32 s11, s10;
	s10 =	sadd.s32 $0x700, s6  }
0x2c: {  	s7 =	sshrl.u32 s7, $0x3;
	s8 =	sor.u32 s9, s13;
	[dreg:$0xb] =	wrdreg s0  }
0x2d: {  	s0 =	sand.u32 $0xF00000, s18;
	s9 =	sand.u32 $0xF0000, s22;
	s11 =	sshll.u32 s10, $0x6  }
0x2e: {  	s12 =	sshll.u32 s10, $0x7;
	s13 =	sadd.s32 $0x780, s6;
	s14 =	sadd.s32 s4, s7  }
0x2f: {  	s15 =	sshrl.u32 s8, $0x3;
	s8 =	sand.u32 $0xFC000, s19;
	s7 =	sshrl.u32 s17, $0x7  }
0x30: {  	[dreg:$0xc] =	wrdreg s14;
	s16 =	sadd.s32 s4, s15;
	s0 =	sor.u32 s8, s0  }
0x31: {  	s7 =	sand.u32 $0x40, s7;
	s8 =	sshrl.u32 s20, $0x7;
	s14 =	sshll.u32 s13, $0x6  }
0x32: {  	s15 =	sshll.u32 s13, $0x7;
	[dreg:$0xd] =	wrdreg s16;
	s0 =	sor.u32 s7, s0  }
0x33: {  	s7 =	sand.u32 $0xF00000, s21;
	s8 =	sand.u32 $0x40, s8;
	s16 =	sadd.s32 $0x800, s6  }
0x34: {  	s0 =	sshrl.u32 s0, $0x3;
	s7 =	sor.u32 s9, s7;
	s9 =	sshrl.u32 s23, $0x7  }
0x35: {  	s17 =	sshll.u32 s16, $0x6;
	s18 =	sshll.u32 s16, $0x7;
	s23 =	sadd.s32 $0x880, s6  }
0x36: {  	s7 =	sor.u32 s8, s7;
	s9 =	sand.u32 $0x40, s9;
	s0 =	sadd.s32 s4, s0  }
0x37: {  	s24 =	sshll.u32 s23, $0x6;
	s25 =	sshll.u32 s23, $0x7;
	s7 =	sshrl.u32 s7, $0x3  }
0x38: {  	s8 =	sor.u32 s9, s26;
	[dreg:$0xe] =	wrdreg s0;
	s0 =	sand.u32 $0xF00000, s11  }
0x39: {  	s11 =	sand.u32 $0xF0000, s18;
	s26 =	sadd.s32 $0x900, s6;
	s7 =	sadd.s32 s4, s7  }
0x3a: {  	s6 =	sadd.s32 $0x980, s6;
	s8 =	sshrl.u32 s8, $0x3;
	[dreg:$0xf] =	wrdreg s7  }
0x3b: {  	s9 =	sadd.s32 s4, s8;
	s8 =	sand.u32 $0xF8000, s12;
	s7 =	sshrl.u32 s10, $0x7  }
0x3c: {  	s10 =	sand.u32 $0xF00000, s17;
	s12 =	sshll.u32 s6, $0x7;
	[dreg:$0x10] =	wrdreg s9  }
0x3d: {  	s0 =	sor.u32 s8, s0;
	s7 =	sand.u32 $0x40, s7;
	s9 =	sand.u32 $0xFC000, s15  }
0x3e: {  	s8 =	sshrl.u32 s13, $0x7;
	s19 =	sor.u32 s11, s10;
	s10 =	sshll.u32 s26, $0x7  }
0x3f: {  	s11 =	sshll.u32 s6, $0x6;
	s6 =	sshrl.u32 s6, $0x7;
	s15 =	sshrl.u32 s5, $0x1  }
0x40: {  	s0 =	sor.u32 s7, s0;
	s7 =	sand.u32 $0xF00000, s14;
	s8 =	sand.u32 $0x40, s8  }
0x41: {  	s6 =	sand.u32 $0x40, s6;
	s17 =	ssub.s32 s5, s15;
	s5 =	simm.s32 $0x2A00  }
0x42: {  	s15 =	simm.s32 $0x880;
	s0 =	sshrl.u32 s0, $0x3;
	s7 =	sor.u32 s9, s7  }
0x43: {  	s9 =	sshrl.u32 s16, $0x7;
	s18 =	smax.u32 s17, $0x1;
	s17 =	simm.s32 $0x780  }
0x44: {  	s7 =	sor.u32 s8, s7;
	s9 =	sand.u32 $0x40, s9;
	s0 =	sadd.s32 s4, s0  }
0x45: {  	p1 =	sne.s32 s18, $0x1;
	s7 =	sshrl.u32 s7, $0x3;
	s8 =	sor.u32 s9, s19  }
0x46: {  	[dreg:$0x11] =	wrdreg s0;
	s0 =	sand.u32 $0xF00000, s24;
	s9 =	sshll.u32 s26, $0x6  }
0x47: {  	s24 =	simm.s32 $0x400;
	s19 =	simm.s32 $0x680;
	s20 =	sadd.s32 s4, s7  }
0x48: {  	s21 =	sshrl.u32 s8, $0x3;
	s8 =	sand.u32 $0xF4000, s25;
	s7 =	sshrl.u32 s23, $0x7  }
0x49: {  	s25 =	simm.s32 $0x380;
	s23 =	simm.s32 $0x480;
	[dreg:$0x12] =	wrdreg s20  }
0x4a: {  	s22 =	sadd.s32 s4, s21;
	s0 =	sor.u32 s8, s0;
	s7 =	sand.u32 $0x40, s7  }
0x4b: {  	s8 =	sshrl.u32 s26, $0x7;
	s26 =	simm.s32 $0x100;
	s21 =	simm.s32 $0x580  }
0x4c: {  	s20 =	simm.s32 $0x600;
	[dreg:$0x13] =	wrdreg s22;
	s0 =	sor.u32 s7, s0  }
0x4d: {  	s7 =	sand.u32 $0xF00000, s9;
	s9 =	sand.u32 $0xF8000, s10;
	s8 =	sand.u32 $0x40, s8  }
0x4e: {  	s10 =	sand.u32 $0xFC000, s12;
	[dreg:$0x17] =	wrdreg s26;
	s12 =	simm.s32 $0x2  }
0x4f: {  	s26 =	simm.s32 $0x300;
	s22 =	simm.s32 $0x500;
	s0 =	sshrl.u32 s0, $0x3  }
0x50: {  	s7 =	sor.u32 s9, s7;
	s9 =	sand.u32 $0xF00000, s11;
	s11 =	simm.s32 $0x1  }
0x51: {  	s7 =	sor.u32 s8, s7;
	s13 =	sor.u32 s10, s9;
	s0 =	sadd.s32 s4, s0  }
0x52: {  	s9 =	sadd.s32 $0x1000, s1;
	s10 =	simm.s32 $0xA00;
	s8 =	simm.s32 $0x40  }
0x53: {  	s1 =	sadd.s32 $0xFFFFFFFF, s18;
	s18 =	simm.s32 $0x700;
	s7 =	sshrl.u32 s7, $0x3  }
.Ltmp0:
0x54: {  	s6 =	sor.u32 s6, s13;
	[dreg:$0x14] =	wrdreg s0;
	(pc) =	sbr.rel @!p1 .LBB2_3-.Ltmp0, $4  }
0x55: {  	s13 =	simm.s32 $0x980;
	s0 =	rddreg [dreg:$0x3];
	s14 =	sadd.s32 s4, s7  }
0x56: {  	s6 =	sshrl.u32 s6, $0x3;
	s7 =	simm.s32 $0x4;
	[dreg:$0x15] =	wrdreg s14  }
0x57: {  	s16 =	sadd.s32 s4, s6;
	s4 =	simm.s32 $0x80;
	s6 =	simm.s32 $0x3  }
0x58: {  	s14 =	simm.s32 $0x900;
	[dreg:$0x16] =	wrdreg s16;
	s16 =	simm.s32 $0x800  }
0x59: {  	[tilespmem:s2], [sflag:$0x5] =	stream.linear.gather [hbm4b:s0+s2], $0xA00, $0x38;
	[tilespmem:$0x4A00] =	vst v63  }
0x5a: {  	_ =	swait.ge [sflag:s31], $0xA00  }
0x5b: {  	[sflag:s31] =	ssyncset.done $0x0  }
0x5c: {  	[sflag:s31] =	ssyncadd.s32 $0xFFFFF600  }
0x5d: {  	[tilespmem:s10], [sflag:$0x1] =	stream.indirect.gather [hbm4b:s9+s4], $0x40, s2, s4, $0xb8;
	[tilespmem:$0x4A00] =	vst v63  }
0x5e: {  	_ = 	snop  }
0x5f: {  	[tilespmem:s5], [sflag:$0x2] =	stream.indirect.gather [hbm4b:s9+s4], $0x40, s4, s4, $0xb8;
	[tilespmem:$0x4A00] =	vst v63  }
0x60: {  	_ =	swait.ge [sflag:s11], $0x2000  }
0x61: {  	[sflag:s11] =	ssyncset.done $0x0  }
0x62: {  	[sflag:s11] =	ssyncadd.s32 $0xFFFFE000  }
0x63: {  	[hbm4b:s3+s8] =	stream.strided.scatter [tilespmem:s10], [sflag:$0x3], $0x2000, s4, s8, $0x38;
	[tilespmem:$0x4A00] =	vst v63  }
0x64: {  	_ =	swait.ge [sflag:s6], $0x2000  }
0x65: {  	[sflag:s6] =	ssyncset.done $0x0  }
0x66: {  	s0 =	rddreg [dreg:$0x17];
	[sflag:s6] =	ssyncadd.s32 $0xFFFFE000  }
0x67: {  	[tilespmem:s10], [sflag:$0x1] =	stream.indirect.gather [hbm4b:s9+s4], $0x40, s0, s4, $0xb8;
	[tilespmem:$0x4A00] =	vst v63  }
0x68: {  	_ =	swait.ge [sflag:s12], $0x2000  }
0x69: {  	[sflag:s12] =	ssyncset.done $0x0  }
0x6a: {  	s0 =	rddreg [dreg:$0x4];
	[sflag:s12] =	ssyncadd.s32 $0xFFFFE000  }
0x6b: {  	[hbm4b:s0+s8] =	stream.strided.scatter [tilespmem:s5], [sflag:$0x4], $0x2000, s4, s8, $0x38;
	[tilespmem:$0x4A00] =	vst v63  }
0x6c: {  	_ =	swait.ge [sflag:s7], $0x2000  }
0x6d: {  	[sflag:s7] =	ssyncset.done $0x0  }
0x6e: {  	[sflag:s7] =	ssyncadd.s32 $0xFFFFE000  }
0x6f: {  	[tilespmem:s5], [sflag:$0x2] =	stream.indirect.gather [hbm4b:s9+s4], $0x40, s30, s4, $0xb8;
	[tilespmem:$0x4A00] =	vst v63  }
0x70: {  	_ =	swait.ge [sflag:s11], $0x2000  }
0x71: {  	[sflag:s11] =	ssyncset.done $0x0  }
0x72: {  	s0 =	rddreg [dreg:$0x5];
	[sflag:s11] =	ssyncadd.s32 $0xFFFFE000  }
0x73: {  	[hbm4b:s0+s8] =	stream.strided.scatter [tilespmem:s10], [sflag:$0x3], $0x2000, s4, s8, $0x38;
	[tilespmem:$0x4A00] =	vst v63  }
0x74: {  	_ =	swait.ge [sflag:s6], $0x2000  }
0x75: {  	[sflag:s6] =	ssyncset.done $0x0  }
0x76: {  	[sflag:s6] =	ssyncadd.s32 $0xFFFFE000  }
0x77: {  	[tilespmem:s10], [sflag:$0x1] =	stream.indirect.gather [hbm4b:s9+s4], $0x40, s29, s4, $0xb8;
	[tilespmem:$0x4A00] =	vst v63  }
0x78: {  	_ =	swait.ge [sflag:s12], $0x2000  }
0x79: {  	[sflag:s12] =	ssyncset.done $0x0  }
0x7a: {  	s0 =	rddreg [dreg:$0x6];
	[sflag:s12] =	ssyncadd.s32 $0xFFFFE000  }
0x7b: {  	[hbm4b:s0+s8] =	stream.strided.scatter [tilespmem:s5], [sflag:$0x4], $0x2000, s4, s8, $0x38;
	[tilespmem:$0x4A00] =	vst v63  }
0x7c: {  	_ =	swait.ge [sflag:s7], $0x2000  }
0x7d: {  	[sflag:s7] =	ssyncset.done $0x0  }
0x7e: {  	[sflag:s7] =	ssyncadd.s32 $0xFFFFE000  }
0x7f: {  	[tilespmem:s5], [sflag:$0x2] =	stream.indirect.gather [hbm4b:s9+s4], $0x40, s28, s4, $0xb8;
	[tilespmem:$0x4A00] =	vst v63  }
0x80: {  	_ =	swait.ge [sflag:s11], $0x2000  }
0x81: {  	[sflag:s11] =	ssyncset.done $0x0  }
0x82: {  	s0 =	rddreg [dreg:$0x7];
	[sflag:s11] =	ssyncadd.s32 $0xFFFFE000  }
0x83: {  	[hbm4b:s0+s8] =	stream.strided.scatter [tilespmem:s10], [sflag:$0x3], $0x2000, s4, s8, $0x38;
	[tilespmem:$0x4A00] =	vst v63  }
0x84: {  	_ =	swait.ge [sflag:s6], $0x2000  }
0x85: {  	[sflag:s6] =	ssyncset.done $0x0  }
0x86: {  	[sflag:s6] =	ssyncadd.s32 $0xFFFFE000  }
0x87: {  	[tilespmem:s10], [sflag:$0x1] =	stream.indirect.gather [hbm4b:s9+s4], $0x40, s26, s4, $0xb8;
	[tilespmem:$0x4A00] =	vst v63  }
0x88: {  	_ =	swait.ge [sflag:s12], $0x2000  }
0x89: {  	[sflag:s12] =	ssyncset.done $0x0  }
0x8a: {  	s0 =	rddreg [dreg:$0x8];
	[sflag:s12] =	ssyncadd.s32 $0xFFFFE000  }
0x8b: {  	[hbm4b:s0+s8] =	stream.strided.scatter [tilespmem:s5], [sflag:$0x4], $0x2000, s4, s8, $0x38;
	[tilespmem:$0x4A00] =	vst v63  }
0x8c: {  	_ =	swait.ge [sflag:s7], $0x2000  }
0x8d: {  	[sflag:s7] =	ssyncset.done $0x0  }
0x8e: {  	[sflag:s7] =	ssyncadd.s32 $0xFFFFE000  }
0x8f: {  	[tilespmem:s5], [sflag:$0x2] =	stream.indirect.gather [hbm4b:s9+s4], $0x40, s25, s4, $0xb8;
	[tilespmem:$0x4A00] =	vst v63  }
0x90: {  	_ =	swait.ge [sflag:s11], $0x2000  }
0x91: {  	[sflag:s11] =	ssyncset.done $0x0  }
0x92: {  	s0 =	rddreg [dreg:$0x9];
	[sflag:s11] =	ssyncadd.s32 $0xFFFFE000  }
0x93: {  	[hbm4b:s0+s8] =	stream.strided.scatter [tilespmem:s10], [sflag:$0x3], $0x2000, s4, s8, $0x38;
	[tilespmem:$0x4A00] =	vst v63  }
0x94: {  	_ =	swait.ge [sflag:s6], $0x2000  }
0x95: {  	[sflag:s6] =	ssyncset.done $0x0  }
0x96: {  	[sflag:s6] =	ssyncadd.s32 $0xFFFFE000  }
0x97: {  	[tilespmem:s10], [sflag:$0x1] =	stream.indirect.gather [hbm4b:s9+s4], $0x40, s24, s4, $0xb8;
	[tilespmem:$0x4A00] =	vst v63  }
0x98: {  	_ =	swait.ge [sflag:s12], $0x2000  }
0x99: {  	[sflag:s12] =	ssyncset.done $0x0  }
0x9a: {  	s0 =	rddreg [dreg:$0xa];
	[sflag:s12] =	ssyncadd.s32 $0xFFFFE000  }
0x9b: {  	[hbm4b:s0+s8] =	stream.strided.scatter [tilespmem:s5], [sflag:$0x4], $0x2000, s4, s8, $0x38;
	[tilespmem:$0x4A00] =	vst v63  }
0x9c: {  	_ =	swait.ge [sflag:s7], $0x2000  }
0x9d: {  	[sflag:s7] =	ssyncset.done $0x0  }
0x9e: {  	[sflag:s7] =	ssyncadd.s32 $0xFFFFE000  }
0x9f: {  	[tilespmem:s5], [sflag:$0x2] =	stream.indirect.gather [hbm4b:s9+s4], $0x40, s23, s4, $0xb8;
	[tilespmem:$0x4A00] =	vst v63  }
0xa0: {  	_ =	swait.ge [sflag:s11], $0x2000  }
0xa1: {  	[sflag:s11] =	ssyncset.done $0x0  }
0xa2: {  	s0 =	rddreg [dreg:$0xb];
	[sflag:s11] =	ssyncadd.s32 $0xFFFFE000  }
0xa3: {  	[hbm4b:s0+s8] =	stream.strided.scatter [tilespmem:s10], [sflag:$0x3], $0x2000, s4, s8, $0x38;
	[tilespmem:$0x4A00] =	vst v63  }
0xa4: {  	_ =	swait.ge [sflag:s6], $0x2000  }
0xa5: {  	[sflag:s6] =	ssyncset.done $0x0  }
0xa6: {  	[sflag:s6] =	ssyncadd.s32 $0xFFFFE000  }
0xa7: {  	[tilespmem:s10], [sflag:$0x1] =	stream.indirect.gather [hbm4b:s9+s4], $0x40, s22, s4, $0xb8;
	[tilespmem:$0x4A00] =	vst v63  }
0xa8: {  	_ =	swait.ge [sflag:s12], $0x2000  }
0xa9: {  	[sflag:s12] =	ssyncset.done $0x0  }
0xaa: {  	s0 =	rddreg [dreg:$0xc];
	[sflag:s12] =	ssyncadd.s32 $0xFFFFE000  }
0xab: {  	[hbm4b:s0+s8] =	stream.strided.scatter [tilespmem:s5], [sflag:$0x4], $0x2000, s4, s8, $0x38;
	[tilespmem:$0x4A00] =	vst v63  }
0xac: {  	_ =	swait.ge [sflag:s7], $0x2000  }
0xad: {  	[sflag:s7] =	ssyncset.done $0x0  }
0xae: {  	[sflag:s7] =	ssyncadd.s32 $0xFFFFE000  }
0xaf: {  	[tilespmem:s5], [sflag:$0x2] =	stream.indirect.gather [hbm4b:s9+s4], $0x40, s21, s4, $0xb8;
	[tilespmem:$0x4A00] =	vst v63  }
0xb0: {  	_ =	swait.ge [sflag:s11], $0x2000  }
0xb1: {  	[sflag:s11] =	ssyncset.done $0x0  }
0xb2: {  	s0 =	rddreg [dreg:$0xd];
	[sflag:s11] =	ssyncadd.s32 $0xFFFFE000  }
0xb3: {  	[hbm4b:s0+s8] =	stream.strided.scatter [tilespmem:s10], [sflag:$0x3], $0x2000, s4, s8, $0x38;
	[tilespmem:$0x4A00] =	vst v63  }
0xb4: {  	_ =	swait.ge [sflag:s6], $0x2000  }
0xb5: {  	[sflag:s6] =	ssyncset.done $0x0  }
0xb6: {  	[sflag:s6] =	ssyncadd.s32 $0xFFFFE000  }
0xb7: {  	[tilespmem:s10], [sflag:$0x1] =	stream.indirect.gather [hbm4b:s9+s4], $0x40, s20, s4, $0xb8;
	[tilespmem:$0x4A00] =	vst v63  }
0xb8: {  	_ =	swait.ge [sflag:s12], $0x2000  }
0xb9: {  	[sflag:s12] =	ssyncset.done $0x0  }
0xba: {  	s0 =	rddreg [dreg:$0xe];
	[sflag:s12] =	ssyncadd.s32 $0xFFFFE000  }
0xbb: {  	[hbm4b:s0+s8] =	stream.strided.scatter [tilespmem:s5], [sflag:$0x4], $0x2000, s4, s8, $0x38;
	[tilespmem:$0x4A00] =	vst v63  }
0xbc: {  	_ =	swait.ge [sflag:s7], $0x2000  }
0xbd: {  	[sflag:s7] =	ssyncset.done $0x0  }
0xbe: {  	[sflag:s7] =	ssyncadd.s32 $0xFFFFE000  }
0xbf: {  	[tilespmem:s5], [sflag:$0x2] =	stream.indirect.gather [hbm4b:s9+s4], $0x40, s19, s4, $0xb8;
	[tilespmem:$0x4A00] =	vst v63  }
0xc0: {  	_ =	swait.ge [sflag:s11], $0x2000  }
0xc1: {  	[sflag:s11] =	ssyncset.done $0x0  }
0xc2: {  	s0 =	rddreg [dreg:$0xf];
	[sflag:s11] =	ssyncadd.s32 $0xFFFFE000  }
0xc3: {  	[hbm4b:s0+s8] =	stream.strided.scatter [tilespmem:s10], [sflag:$0x3], $0x2000, s4, s8, $0x38;
	[tilespmem:$0x4A00] =	vst v63  }
0xc4: {  	_ =	swait.ge [sflag:s6], $0x2000  }
0xc5: {  	[sflag:s6] =	ssyncset.done $0x0  }
0xc6: {  	[sflag:s6] =	ssyncadd.s32 $0xFFFFE000  }
0xc7: {  	[tilespmem:s10], [sflag:$0x1] =	stream.indirect.gather [hbm4b:s9+s4], $0x40, s18, s4, $0xb8;
	[tilespmem:$0x4A00] =	vst v63  }
0xc8: {  	_ =	swait.ge [sflag:s12], $0x2000  }
0xc9: {  	[sflag:s12] =	ssyncset.done $0x0  }
0xca: {  	s0 =	rddreg [dreg:$0x10];
	[sflag:s12] =	ssyncadd.s32 $0xFFFFE000  }
0xcb: {  	[hbm4b:s0+s8] =	stream.strided.scatter [tilespmem:s5], [sflag:$0x4], $0x2000, s4, s8, $0x38;
	[tilespmem:$0x4A00] =	vst v63  }
0xcc: {  	_ =	swait.ge [sflag:s7], $0x2000  }
0xcd: {  	[sflag:s7] =	ssyncset.done $0x0  }
0xce: {  	[sflag:s7] =	ssyncadd.s32 $0xFFFFE000  }
0xcf: {  	[tilespmem:s5], [sflag:$0x2] =	stream.indirect.gather [hbm4b:s9+s4], $0x40, s17, s4, $0xb8;
	[tilespmem:$0x4A00] =	vst v63  }
0xd0: {  	_ =	swait.ge [sflag:s11], $0x2000  }
0xd1: {  	[sflag:s11] =	ssyncset.done $0x0  }
0xd2: {  	s0 =	rddreg [dreg:$0x11];
	[sflag:s11] =	ssyncadd.s32 $0xFFFFE000  }
0xd3: {  	[hbm4b:s0+s8] =	stream.strided.scatter [tilespmem:s10], [sflag:$0x3], $0x2000, s4, s8, $0x38;
	[tilespmem:$0x4A00] =	vst v63  }
0xd4: {  	_ =	swait.ge [sflag:s6], $0x2000  }
0xd5: {  	[sflag:s6] =	ssyncset.done $0x0  }
0xd6: {  	[sflag:s6] =	ssyncadd.s32 $0xFFFFE000  }
0xd7: {  	[tilespmem:s10], [sflag:$0x1] =	stream.indirect.gather [hbm4b:s9+s4], $0x40, s16, s4, $0xb8;
	[tilespmem:$0x4A00] =	vst v63  }
0xd8: {  	_ =	swait.ge [sflag:s12], $0x2000  }
0xd9: {  	[sflag:s12] =	ssyncset.done $0x0  }
0xda: {  	s0 =	rddreg [dreg:$0x12];
	[sflag:s12] =	ssyncadd.s32 $0xFFFFE000  }
0xdb: {  	[hbm4b:s0+s8] =	stream.strided.scatter [tilespmem:s5], [sflag:$0x4], $0x2000, s4, s8, $0x38;
	[tilespmem:$0x4A00] =	vst v63  }
0xdc: {  	_ =	swait.ge [sflag:s7], $0x2000  }
0xdd: {  	[sflag:s7] =	ssyncset.done $0x0  }
0xde: {  	[sflag:s7] =	ssyncadd.s32 $0xFFFFE000  }
0xdf: {  	[tilespmem:s5], [sflag:$0x2] =	stream.indirect.gather [hbm4b:s9+s4], $0x40, s15, s4, $0xb8;
	[tilespmem:$0x4A00] =	vst v63  }
0xe0: {  	_ =	swait.ge [sflag:s11], $0x2000  }
0xe1: {  	[sflag:s11] =	ssyncset.done $0x0  }
0xe2: {  	s0 =	rddreg [dreg:$0x13];
	[sflag:s11] =	ssyncadd.s32 $0xFFFFE000  }
0xe3: {  	[hbm4b:s0+s8] =	stream.strided.scatter [tilespmem:s10], [sflag:$0x3], $0x2000, s4, s8, $0x38;
	[tilespmem:$0x4A00] =	vst v63  }
0xe4: {  	_ =	swait.ge [sflag:s6], $0x2000  }
0xe5: {  	[sflag:s6] =	ssyncset.done $0x0  }
0xe6: {  	[sflag:s6] =	ssyncadd.s32 $0xFFFFE000  }
0xe7: {  	[tilespmem:s10], [sflag:$0x1] =	stream.indirect.gather [hbm4b:s9+s4], $0x40, s14, s4, $0xb8;
	[tilespmem:$0x4A00] =	vst v63  }
0xe8: {  	_ =	swait.ge [sflag:s12], $0x2000  }
0xe9: {  	[sflag:s12] =	ssyncset.done $0x0  }
0xea: {  	s0 =	rddreg [dreg:$0x14];
	[sflag:s12] =	ssyncadd.s32 $0xFFFFE000  }
0xeb: {  	[hbm4b:s0+s8] =	stream.strided.scatter [tilespmem:s5], [sflag:$0x4], $0x2000, s4, s8, $0x38;
	[tilespmem:$0x4A00] =	vst v63  }
0xec: {  	_ =	swait.ge [sflag:s7], $0x2000  }
0xed: {  	[sflag:s7] =	ssyncset.done $0x0  }
0xee: {  	[sflag:s7] =	ssyncadd.s32 $0xFFFFE000  }
0xef: {  	[tilespmem:s5], [sflag:$0x2] =	stream.indirect.gather [hbm4b:s9+s4], $0x40, s13, s4, $0xb8;
	[tilespmem:$0x4A00] =	vst v63  }
0xf0: {  	_ =	swait.ge [sflag:s11], $0x2000  }
0xf1: {  	[sflag:s11] =	ssyncset.done $0x0  }
0xf2: {  	s0 =	rddreg [dreg:$0x15];
	[sflag:s11] =	ssyncadd.s32 $0xFFFFE000  }
0xf3: {  	[hbm4b:s0+s8] =	stream.strided.scatter [tilespmem:s10], [sflag:$0x3], $0x2000, s4, s8, $0x38;
	[tilespmem:$0x4A00] =	vst v63  }
0xf4: {  	_ =	swait.ge [sflag:s12], $0x2000  }
0xf5: {  	[sflag:s12] =	ssyncset.done $0x0  }
0xf6: {  	p1 =	sne.s32 s1, $0x1;
	s0 =	rddreg [dreg:$0x16];
	[sflag:s12] =	ssyncadd.s32 $0xFFFFE000  }
0xf7: {  	[hbm4b:s0+s8] =	stream.strided.scatter [tilespmem:s5], [sflag:$0x4], $0x2000, s4, s8, $0x38;
	[tilespmem:$0x4A00] =	vst v63  }
.Ltmp1:
0xf8: {  	_ =	swait.ge [sflag:s6], $0x2000;
	(pc) =	sbr.rel @!p1 .LBB2_3-.Ltmp1, $4  }
0xf9: {  	[sflag:s6] =	ssyncset.done $0x0  }
0xfa: {  	[sflag:s6] =	ssyncadd.s32 $0xFFFFE000  }
0xfb: {  	s1 =	sadd.s32 $0xFFFFFFFF, s1;
	_ =	swait.ge [sflag:s7], $0x2000  }
0xfc: {  	p0 =	por $0x1, $0x1;
	s0 =	rddreg [dreg:$0x3];
	[sflag:s7] =	ssyncset.done $0x0  }
.LBB2_2:
0xfd: {  	[sflag:s7] =	ssyncadd.s32 $0xFFFFE000  }
0xfe: {  	[tilespmem:s2], [sflag:$0x5] =	stream.linear.gather [hbm4b:s0+s2], $0xA00, $0x38;
	[tilespmem:$0x4A00] =	vst v63  }
0xff: {  	_ =	swait.ge [sflag:s31], $0xA00  }
0x100: {  	[sflag:s31] =	ssyncset.done $0x0  }
0x101: {  	[sflag:s31] =	ssyncadd.s32 $0xFFFFF600  }
0x102: {  	[tilespmem:s10], [sflag:$0x1] =	stream.indirect.gather [hbm4b:s9+s4], $0x40, s2, s4, $0xb8;
	[tilespmem:$0x4A00] =	vst v63  }
0x103: {  	_ = 	snop  }
0x104: {  	[tilespmem:s5], [sflag:$0x2] =	stream.indirect.gather [hbm4b:s9+s4], $0x40, s4, s4, $0xb8;
	[tilespmem:$0x4A00] =	vst v63  }
0x105: {  	_ =	swait.ge [sflag:s11], $0x2000  }
0x106: {  	[sflag:s11] =	ssyncset.done $0x0  }
0x107: {  	[sflag:s11] =	ssyncadd.s32 $0xFFFFE000  }
0x108: {  	[hbm4b:s3+s8] =	stream.strided.scatter [tilespmem:s10], [sflag:$0x3], $0x2000, s4, s8, $0x38;
	[tilespmem:$0x4A00] =	vst v63  }
0x109: {  	_ =	swait.ge [sflag:s6], $0x2000  }
0x10a: {  	[sflag:s6] =	ssyncset.done $0x0  }
0x10b: {  	s0 =	rddreg [dreg:$0x17];
	[sflag:s6] =	ssyncadd.s32 $0xFFFFE000  }
0x10c: {  	[tilespmem:s10], [sflag:$0x1] =	stream.indirect.gather [hbm4b:s9+s4], $0x40, s0, s4, $0xb8;
	[tilespmem:$0x4A00] =	vst v63  }
0x10d: {  	_ =	swait.ge [sflag:s12], $0x2000  }
0x10e: {  	[sflag:s12] =	ssyncset.done $0x0  }
0x10f: {  	s0 =	rddreg [dreg:$0x4];
	[sflag:s12] =	ssyncadd.s32 $0xFFFFE000  }
0x110: {  	[hbm4b:s0+s8] =	stream.strided.scatter [tilespmem:s5], [sflag:$0x4], $0x2000, s4, s8, $0x38;
	[tilespmem:$0x4A00] =	vst v63  }
0x111: {  	_ =	swait.ge [sflag:s7], $0x2000  }
0x112: {  	[sflag:s7] =	ssyncset.done $0x0  }
0x113: {  	[sflag:s7] =	ssyncadd.s32 $0xFFFFE000  }
0x114: {  	[tilespmem:s5], [sflag:$0x2] =	stream.indirect.gather [hbm4b:s9+s4], $0x40, s30, s4, $0xb8;
	[tilespmem:$0x4A00] =	vst v63  }
0x115: {  	_ =	swait.ge [sflag:s11], $0x2000  }
0x116: {  	[sflag:s11] =	ssyncset.done $0x0  }
0x117: {  	s0 =	rddreg [dreg:$0x5];
	[sflag:s11] =	ssyncadd.s32 $0xFFFFE000  }
0x118: {  	[hbm4b:s0+s8] =	stream.strided.scatter [tilespmem:s10], [sflag:$0x3], $0x2000, s4, s8, $0x38;
	[tilespmem:$0x4A00] =	vst v63  }
0x119: {  	_ =	swait.ge [sflag:s6], $0x2000  }
0x11a: {  	[sflag:s6] =	ssyncset.done $0x0  }
0x11b: {  	[sflag:s6] =	ssyncadd.s32 $0xFFFFE000  }
0x11c: {  	[tilespmem:s10], [sflag:$0x1] =	stream.indirect.gather [hbm4b:s9+s4], $0x40, s29, s4, $0xb8;
	[tilespmem:$0x4A00] =	vst v63  }
0x11d: {  	_ =	swait.ge [sflag:s12], $0x2000  }
0x11e: {  	[sflag:s12] =	ssyncset.done $0x0  }
0x11f: {  	s0 =	rddreg [dreg:$0x6];
	[sflag:s12] =	ssyncadd.s32 $0xFFFFE000  }
0x120: {  	[hbm4b:s0+s8] =	stream.strided.scatter [tilespmem:s5], [sflag:$0x4], $0x2000, s4, s8, $0x38;
	[tilespmem:$0x4A00] =	vst v63  }
0x121: {  	_ =	swait.ge [sflag:s7], $0x2000  }
0x122: {  	[sflag:s7] =	ssyncset.done $0x0  }
0x123: {  	[sflag:s7] =	ssyncadd.s32 $0xFFFFE000  }
0x124: {  	[tilespmem:s5], [sflag:$0x2] =	stream.indirect.gather [hbm4b:s9+s4], $0x40, s28, s4, $0xb8;
	[tilespmem:$0x4A00] =	vst v63  }
0x125: {  	_ =	swait.ge [sflag:s11], $0x2000  }
0x126: {  	[sflag:s11] =	ssyncset.done $0x0  }
0x127: {  	s0 =	rddreg [dreg:$0x7];
	[sflag:s11] =	ssyncadd.s32 $0xFFFFE000  }
0x128: {  	[hbm4b:s0+s8] =	stream.strided.scatter [tilespmem:s10], [sflag:$0x3], $0x2000, s4, s8, $0x38;
	[tilespmem:$0x4A00] =	vst v63  }
0x129: {  	_ =	swait.ge [sflag:s6], $0x2000  }
0x12a: {  	[sflag:s6] =	ssyncset.done $0x0  }
0x12b: {  	[sflag:s6] =	ssyncadd.s32 $0xFFFFE000  }
0x12c: {  	[tilespmem:s10], [sflag:$0x1] =	stream.indirect.gather [hbm4b:s9+s4], $0x40, s26, s4, $0xb8;
	[tilespmem:$0x4A00] =	vst v63  }
0x12d: {  	_ =	swait.ge [sflag:s12], $0x2000  }
0x12e: {  	[sflag:s12] =	ssyncset.done $0x0  }
0x12f: {  	s0 =	rddreg [dreg:$0x8];
	[sflag:s12] =	ssyncadd.s32 $0xFFFFE000  }
0x130: {  	[hbm4b:s0+s8] =	stream.strided.scatter [tilespmem:s5], [sflag:$0x4], $0x2000, s4, s8, $0x38;
	[tilespmem:$0x4A00] =	vst v63  }
0x131: {  	_ =	swait.ge [sflag:s7], $0x2000  }
0x132: {  	[sflag:s7] =	ssyncset.done $0x0  }
0x133: {  	[sflag:s7] =	ssyncadd.s32 $0xFFFFE000  }
0x134: {  	[tilespmem:s5], [sflag:$0x2] =	stream.indirect.gather [hbm4b:s9+s4], $0x40, s25, s4, $0xb8;
	[tilespmem:$0x4A00] =	vst v63  }
0x135: {  	_ =	swait.ge [sflag:s11], $0x2000  }
0x136: {  	[sflag:s11] =	ssyncset.done $0x0  }
0x137: {  	s0 =	rddreg [dreg:$0x9];
	[sflag:s11] =	ssyncadd.s32 $0xFFFFE000  }
0x138: {  	[hbm4b:s0+s8] =	stream.strided.scatter [tilespmem:s10], [sflag:$0x3], $0x2000, s4, s8, $0x38;
	[tilespmem:$0x4A00] =	vst v63  }
0x139: {  	_ =	swait.ge [sflag:s6], $0x2000  }
0x13a: {  	[sflag:s6] =	ssyncset.done $0x0  }
0x13b: {  	[sflag:s6] =	ssyncadd.s32 $0xFFFFE000  }
0x13c: {  	[tilespmem:s10], [sflag:$0x1] =	stream.indirect.gather [hbm4b:s9+s4], $0x40, s24, s4, $0xb8;
	[tilespmem:$0x4A00] =	vst v63  }
0x13d: {  	_ =	swait.ge [sflag:s12], $0x2000  }
0x13e: {  	[sflag:s12] =	ssyncset.done $0x0  }
0x13f: {  	s0 =	rddreg [dreg:$0xa];
	[sflag:s12] =	ssyncadd.s32 $0xFFFFE000  }
0x140: {  	[hbm4b:s0+s8] =	stream.strided.scatter [tilespmem:s5], [sflag:$0x4], $0x2000, s4, s8, $0x38;
	[tilespmem:$0x4A00] =	vst v63  }
0x141: {  	_ =	swait.ge [sflag:s7], $0x2000  }
0x142: {  	[sflag:s7] =	ssyncset.done $0x0  }
0x143: {  	[sflag:s7] =	ssyncadd.s32 $0xFFFFE000  }
0x144: {  	[tilespmem:s5], [sflag:$0x2] =	stream.indirect.gather [hbm4b:s9+s4], $0x40, s23, s4, $0xb8;
	[tilespmem:$0x4A00] =	vst v63  }
0x145: {  	_ =	swait.ge [sflag:s11], $0x2000  }
0x146: {  	[sflag:s11] =	ssyncset.done $0x0  }
0x147: {  	s0 =	rddreg [dreg:$0xb];
	[sflag:s11] =	ssyncadd.s32 $0xFFFFE000  }
0x148: {  	[hbm4b:s0+s8] =	stream.strided.scatter [tilespmem:s10], [sflag:$0x3], $0x2000, s4, s8, $0x38;
	[tilespmem:$0x4A00] =	vst v63  }
0x149: {  	_ =	swait.ge [sflag:s6], $0x2000  }
0x14a: {  	[sflag:s6] =	ssyncset.done $0x0  }
0x14b: {  	[sflag:s6] =	ssyncadd.s32 $0xFFFFE000  }
0x14c: {  	[tilespmem:s10], [sflag:$0x1] =	stream.indirect.gather [hbm4b:s9+s4], $0x40, s22, s4, $0xb8;
	[tilespmem:$0x4A00] =	vst v63  }
0x14d: {  	_ =	swait.ge [sflag:s12], $0x2000  }
0x14e: {  	[sflag:s12] =	ssyncset.done $0x0  }
0x14f: {  	s0 =	rddreg [dreg:$0xc];
	[sflag:s12] =	ssyncadd.s32 $0xFFFFE000  }
0x150: {  	[hbm4b:s0+s8] =	stream.strided.scatter [tilespmem:s5], [sflag:$0x4], $0x2000, s4, s8, $0x38;
	[tilespmem:$0x4A00] =	vst v63  }
0x151: {  	_ =	swait.ge [sflag:s7], $0x2000  }
0x152: {  	[sflag:s7] =	ssyncset.done $0x0  }
0x153: {  	[sflag:s7] =	ssyncadd.s32 $0xFFFFE000  }
0x154: {  	[tilespmem:s5], [sflag:$0x2] =	stream.indirect.gather [hbm4b:s9+s4], $0x40, s21, s4, $0xb8;
	[tilespmem:$0x4A00] =	vst v63  }
0x155: {  	_ =	swait.ge [sflag:s11], $0x2000  }
0x156: {  	[sflag:s11] =	ssyncset.done $0x0  }
0x157: {  	s0 =	rddreg [dreg:$0xd];
	[sflag:s11] =	ssyncadd.s32 $0xFFFFE000  }
0x158: {  	[hbm4b:s0+s8] =	stream.strided.scatter [tilespmem:s10], [sflag:$0x3], $0x2000, s4, s8, $0x38;
	[tilespmem:$0x4A00] =	vst v63  }
0x159: {  	_ =	swait.ge [sflag:s6], $0x2000  }
0x15a: {  	[sflag:s6] =	ssyncset.done $0x0  }
0x15b: {  	[sflag:s6] =	ssyncadd.s32 $0xFFFFE000  }
0x15c: {  	[tilespmem:s10], [sflag:$0x1] =	stream.indirect.gather [hbm4b:s9+s4], $0x40, s20, s4, $0xb8;
	[tilespmem:$0x4A00] =	vst v63  }
0x15d: {  	_ =	swait.ge [sflag:s12], $0x2000  }
0x15e: {  	[sflag:s12] =	ssyncset.done $0x0  }
0x15f: {  	s0 =	rddreg [dreg:$0xe];
	[sflag:s12] =	ssyncadd.s32 $0xFFFFE000  }
0x160: {  	[hbm4b:s0+s8] =	stream.strided.scatter [tilespmem:s5], [sflag:$0x4], $0x2000, s4, s8, $0x38;
	[tilespmem:$0x4A00] =	vst v63  }
0x161: {  	_ =	swait.ge [sflag:s7], $0x2000  }
0x162: {  	[sflag:s7] =	ssyncset.done $0x0  }
0x163: {  	[sflag:s7] =	ssyncadd.s32 $0xFFFFE000  }
0x164: {  	[tilespmem:s5], [sflag:$0x2] =	stream.indirect.gather [hbm4b:s9+s4], $0x40, s19, s4, $0xb8;
	[tilespmem:$0x4A00] =	vst v63  }
0x165: {  	_ =	swait.ge [sflag:s11], $0x2000  }
0x166: {  	[sflag:s11] =	ssyncset.done $0x0  }
0x167: {  	s0 =	rddreg [dreg:$0xf];
	[sflag:s11] =	ssyncadd.s32 $0xFFFFE000  }
0x168: {  	[hbm4b:s0+s8] =	stream.strided.scatter [tilespmem:s10], [sflag:$0x3], $0x2000, s4, s8, $0x38;
	[tilespmem:$0x4A00] =	vst v63  }
0x169: {  	_ =	swait.ge [sflag:s6], $0x2000  }
0x16a: {  	[sflag:s6] =	ssyncset.done $0x0  }
0x16b: {  	[sflag:s6] =	ssyncadd.s32 $0xFFFFE000  }
0x16c: {  	[tilespmem:s10], [sflag:$0x1] =	stream.indirect.gather [hbm4b:s9+s4], $0x40, s18, s4, $0xb8;
	[tilespmem:$0x4A00] =	vst v63  }
0x16d: {  	_ =	swait.ge [sflag:s12], $0x2000  }
0x16e: {  	[sflag:s12] =	ssyncset.done $0x0  }
0x16f: {  	s0 =	rddreg [dreg:$0x10];
	[sflag:s12] =	ssyncadd.s32 $0xFFFFE000  }
0x170: {  	[hbm4b:s0+s8] =	stream.strided.scatter [tilespmem:s5], [sflag:$0x4], $0x2000, s4, s8, $0x38;
	[tilespmem:$0x4A00] =	vst v63  }
0x171: {  	_ =	swait.ge [sflag:s7], $0x2000  }
0x172: {  	[sflag:s7] =	ssyncset.done $0x0  }
0x173: {  	[sflag:s7] =	ssyncadd.s32 $0xFFFFE000  }
0x174: {  	[tilespmem:s5], [sflag:$0x2] =	stream.indirect.gather [hbm4b:s9+s4], $0x40, s17, s4, $0xb8;
	[tilespmem:$0x4A00] =	vst v63  }
0x175: {  	_ =	swait.ge [sflag:s11], $0x2000  }
0x176: {  	[sflag:s11] =	ssyncset.done $0x0  }
0x177: {  	s0 =	rddreg [dreg:$0x11];
	[sflag:s11] =	ssyncadd.s32 $0xFFFFE000  }
0x178: {  	[hbm4b:s0+s8] =	stream.strided.scatter [tilespmem:s10], [sflag:$0x3], $0x2000, s4, s8, $0x38;
	[tilespmem:$0x4A00] =	vst v63  }
0x179: {  	_ =	swait.ge [sflag:s6], $0x2000  }
0x17a: {  	[sflag:s6] =	ssyncset.done $0x0  }
0x17b: {  	[sflag:s6] =	ssyncadd.s32 $0xFFFFE000  }
0x17c: {  	[tilespmem:s10], [sflag:$0x1] =	stream.indirect.gather [hbm4b:s9+s4], $0x40, s16, s4, $0xb8;
	[tilespmem:$0x4A00] =	vst v63  }
0x17d: {  	_ =	swait.ge [sflag:s12], $0x2000  }
0x17e: {  	[sflag:s12] =	ssyncset.done $0x0  }
0x17f: {  	s0 =	rddreg [dreg:$0x12];
	[sflag:s12] =	ssyncadd.s32 $0xFFFFE000  }
0x180: {  	[hbm4b:s0+s8] =	stream.strided.scatter [tilespmem:s5], [sflag:$0x4], $0x2000, s4, s8, $0x38;
	[tilespmem:$0x4A00] =	vst v63  }
0x181: {  	_ =	swait.ge [sflag:s7], $0x2000  }
0x182: {  	[sflag:s7] =	ssyncset.done $0x0  }
0x183: {  	[sflag:s7] =	ssyncadd.s32 $0xFFFFE000  }
0x184: {  	[tilespmem:s5], [sflag:$0x2] =	stream.indirect.gather [hbm4b:s9+s4], $0x40, s15, s4, $0xb8;
	[tilespmem:$0x4A00] =	vst v63  }
0x185: {  	_ =	swait.ge [sflag:s11], $0x2000  }
0x186: {  	[sflag:s11] =	ssyncset.done $0x0  }
0x187: {  	s0 =	rddreg [dreg:$0x13];
	[sflag:s11] =	ssyncadd.s32 $0xFFFFE000  }
0x188: {  	[hbm4b:s0+s8] =	stream.strided.scatter [tilespmem:s10], [sflag:$0x3], $0x2000, s4, s8, $0x38;
	[tilespmem:$0x4A00] =	vst v63  }
0x189: {  	_ =	swait.ge [sflag:s6], $0x2000  }
0x18a: {  	[sflag:s6] =	ssyncset.done $0x0  }
0x18b: {  	[sflag:s6] =	ssyncadd.s32 $0xFFFFE000  }
0x18c: {  	[tilespmem:s10], [sflag:$0x1] =	stream.indirect.gather [hbm4b:s9+s4], $0x40, s14, s4, $0xb8;
	[tilespmem:$0x4A00] =	vst v63  }
0x18d: {  	_ =	swait.ge [sflag:s12], $0x2000  }
0x18e: {  	[sflag:s12] =	ssyncset.done $0x0  }
0x18f: {  	s0 =	rddreg [dreg:$0x14];
	[sflag:s12] =	ssyncadd.s32 $0xFFFFE000  }
0x190: {  	[hbm4b:s0+s8] =	stream.strided.scatter [tilespmem:s5], [sflag:$0x4], $0x2000, s4, s8, $0x38;
	[tilespmem:$0x4A00] =	vst v63  }
0x191: {  	_ =	swait.ge [sflag:s7], $0x2000  }
0x192: {  	[sflag:s7] =	ssyncset.done $0x0  }
0x193: {  	[sflag:s7] =	ssyncadd.s32 $0xFFFFE000  }
0x194: {  	[tilespmem:s5], [sflag:$0x2] =	stream.indirect.gather [hbm4b:s9+s4], $0x40, s13, s4, $0xb8;
	[tilespmem:$0x4A00] =	vst v63  }
0x195: {  	_ =	swait.ge [sflag:s11], $0x2000  }
0x196: {  	[sflag:s11] =	ssyncset.done $0x0  }
0x197: {  	s0 =	rddreg [dreg:$0x15];
	[sflag:s11] =	ssyncadd.s32 $0xFFFFE000  }
0x198: {  	[hbm4b:s0+s8] =	stream.strided.scatter [tilespmem:s10], [sflag:$0x3], $0x2000, s4, s8, $0x38;
	[tilespmem:$0x4A00] =	vst v63  }
0x199: {  	_ =	swait.ge [sflag:s12], $0x2000  }
0x19a: {  	[sflag:s12] =	ssyncset.done $0x0  }
0x19b: {  	p1 =	sne.s32 s1, $0x1;
	s0 =	rddreg [dreg:$0x16];
	[sflag:s12] =	ssyncadd.s32 $0xFFFFE000  }
0x19c: {  	[hbm4b:s0+s8] =	stream.strided.scatter [tilespmem:s5], [sflag:$0x4], $0x2000, s4, s8, $0x38;
	[tilespmem:$0x4A00] =	vst v63  }
.Ltmp2:
0x19d: {  	_ =	swait.ge [sflag:s6], $0x2000;
	(pc) =	sbr.rel @p1 .LBB2_2-.Ltmp2, $4  }
0x19e: {  	[sflag:s6] =	ssyncset.done $0x0  }
0x19f: {  	[sflag:s6] =	ssyncadd.s32 $0xFFFFE000  }
0x1a0: {  	_ =	swait.ge [sflag:s7], $0x2000  }
0x1a1: {  	s1 =	sadd.s32 $0xFFFFFFFF, s1;
	s0 =	rddreg [dreg:$0x3];
	[sflag:s7] =	ssyncset.done $0x0  }
.LBB2_3:
0x1a2: {  	[sflag:s7] =	ssyncadd.s32 @p0 $0xFFFFE000  }
0x1a3: {  	[tilespmem:s2], [sflag:$0x5] =	stream.linear.gather [hbm4b:s0+s2], $0xA00, $0x38;
	[tilespmem:$0x4A00] =	vst v63  }
0x1a4: {  	_ =	swait.ge [sflag:s31], $0xA00  }
0x1a5: {  	[sflag:s31] =	ssyncset.done $0x0  }
0x1a6: {  	[sflag:s31] =	ssyncadd.s32 $0xFFFFF600  }
0x1a7: {  	[tilespmem:s10], [sflag:$0x1] =	stream.indirect.gather [hbm4b:s9+s4], $0x40, s2, s4, $0xb8;
	[tilespmem:$0x4A00] =	vst v63  }
0x1a8: {  	_ = 	snop  }
0x1a9: {  	[tilespmem:s5], [sflag:$0x2] =	stream.indirect.gather [hbm4b:s9+s4], $0x40, s4, s4, $0xb8;
	[tilespmem:$0x4A00] =	vst v63  }
0x1aa: {  	_ =	swait.ge [sflag:s11], $0x2000  }
0x1ab: {  	[sflag:s11] =	ssyncset.done $0x0  }
0x1ac: {  	[sflag:s11] =	ssyncadd.s32 $0xFFFFE000  }
0x1ad: {  	[hbm4b:s3+s8] =	stream.strided.scatter [tilespmem:s10], [sflag:$0x3], $0x2000, s4, s8, $0x38;
	[tilespmem:$0x4A00] =	vst v63  }
0x1ae: {  	_ =	swait.ge [sflag:s6], $0x2000  }
0x1af: {  	[sflag:s6] =	ssyncset.done $0x0  }
0x1b0: {  	s31 =	rddreg [dreg:$0x17];
	[sflag:s6] =	ssyncadd.s32 $0xFFFFE000  }
0x1b1: {  	[tilespmem:s10], [sflag:$0x1] =	stream.indirect.gather [hbm4b:s9+s4], $0x40, s31, s4, $0xb8;
	[tilespmem:$0x4A00] =	vst v63  }
0x1b2: {  	_ =	swait.ge [sflag:s12], $0x2000  }
0x1b3: {  	[sflag:s12] =	ssyncset.done $0x0  }
0x1b4: {  	s1 =	rddreg [dreg:$0x4];
	[sflag:s12] =	ssyncadd.s32 $0xFFFFE000  }
0x1b5: {  	[hbm4b:s1+s8] =	stream.strided.scatter [tilespmem:s5], [sflag:$0x4], $0x2000, s4, s8, $0x38;
	[tilespmem:$0x4A00] =	vst v63  }
0x1b6: {  	_ =	swait.ge [sflag:s7], $0x2000  }
0x1b7: {  	[sflag:s7] =	ssyncset.done $0x0  }
0x1b8: {  	[sflag:s7] =	ssyncadd.s32 $0xFFFFE000  }
0x1b9: {  	[tilespmem:s5], [sflag:$0x2] =	stream.indirect.gather [hbm4b:s9+s4], $0x40, s30, s4, $0xb8;
	[tilespmem:$0x4A00] =	vst v63  }
0x1ba: {  	_ =	swait.ge [sflag:s11], $0x2000  }
0x1bb: {  	[sflag:s11] =	ssyncset.done $0x0  }
0x1bc: {  	s2 =	rddreg [dreg:$0x5];
	[sflag:s11] =	ssyncadd.s32 $0xFFFFE000  }
0x1bd: {  	[hbm4b:s2+s8] =	stream.strided.scatter [tilespmem:s10], [sflag:$0x3], $0x2000, s4, s8, $0x38;
	[tilespmem:$0x4A00] =	vst v63  }
0x1be: {  	_ =	swait.ge [sflag:s6], $0x2000  }
0x1bf: {  	[sflag:s6] =	ssyncset.done $0x0  }
0x1c0: {  	[sflag:s6] =	ssyncadd.s32 $0xFFFFE000  }
0x1c1: {  	[tilespmem:s10], [sflag:$0x1] =	stream.indirect.gather [hbm4b:s9+s4], $0x40, s29, s4, $0xb8;
	[tilespmem:$0x4A00] =	vst v63  }
0x1c2: {  	_ =	swait.ge [sflag:s12], $0x2000  }
0x1c3: {  	[sflag:s12] =	ssyncset.done $0x0  }
0x1c4: {  	s3 =	rddreg [dreg:$0x6];
	[sflag:s12] =	ssyncadd.s32 $0xFFFFE000  }
0x1c5: {  	[hbm4b:s3+s8] =	stream.strided.scatter [tilespmem:s5], [sflag:$0x4], $0x2000, s4, s8, $0x38;
	[tilespmem:$0x4A00] =	vst v63  }
0x1c6: {  	_ =	swait.ge [sflag:s7], $0x2000  }
0x1c7: {  	[sflag:s7] =	ssyncset.done $0x0  }
0x1c8: {  	[sflag:s7] =	ssyncadd.s32 $0xFFFFE000  }
0x1c9: {  	[tilespmem:s5], [sflag:$0x2] =	stream.indirect.gather [hbm4b:s9+s4], $0x40, s28, s4, $0xb8;
	[tilespmem:$0x4A00] =	vst v63  }
0x1ca: {  	_ =	swait.ge [sflag:s11], $0x2000  }
0x1cb: {  	[sflag:s11] =	ssyncset.done $0x0  }
0x1cc: {  	s28 =	rddreg [dreg:$0x7];
	[sflag:s11] =	ssyncadd.s32 $0xFFFFE000  }
0x1cd: {  	[hbm4b:s28+s8] =	stream.strided.scatter [tilespmem:s10], [sflag:$0x3], $0x2000, s4, s8, $0x38;
	[tilespmem:$0x4A00] =	vst v63  }
0x1ce: {  	_ =	swait.ge [sflag:s6], $0x2000  }
0x1cf: {  	[sflag:s6] =	ssyncset.done $0x0  }
0x1d0: {  	[sflag:s6] =	ssyncadd.s32 $0xFFFFE000  }
0x1d1: {  	[tilespmem:s10], [sflag:$0x1] =	stream.indirect.gather [hbm4b:s9+s4], $0x40, s26, s4, $0xb8;
	[tilespmem:$0x4A00] =	vst v63  }
0x1d2: {  	_ =	swait.ge [sflag:s12], $0x2000  }
0x1d3: {  	[sflag:s12] =	ssyncset.done $0x0  }
0x1d4: {  	s29 =	rddreg [dreg:$0x8];
	[sflag:s12] =	ssyncadd.s32 $0xFFFFE000  }
0x1d5: {  	[hbm4b:s29+s8] =	stream.strided.scatter [tilespmem:s5], [sflag:$0x4], $0x2000, s4, s8, $0x38;
	[tilespmem:$0x4A00] =	vst v63  }
0x1d6: {  	_ =	swait.ge [sflag:s7], $0x2000  }
0x1d7: {  	[sflag:s7] =	ssyncset.done $0x0  }
0x1d8: {  	[sflag:s7] =	ssyncadd.s32 $0xFFFFE000  }
0x1d9: {  	[tilespmem:s5], [sflag:$0x2] =	stream.indirect.gather [hbm4b:s9+s4], $0x40, s25, s4, $0xb8;
	[tilespmem:$0x4A00] =	vst v63  }
0x1da: {  	_ =	swait.ge [sflag:s11], $0x2000  }
0x1db: {  	[sflag:s11] =	ssyncset.done $0x0  }
0x1dc: {  	s30 =	rddreg [dreg:$0x9];
	[sflag:s11] =	ssyncadd.s32 $0xFFFFE000  }
0x1dd: {  	[hbm4b:s30+s8] =	stream.strided.scatter [tilespmem:s10], [sflag:$0x3], $0x2000, s4, s8, $0x38;
	[tilespmem:$0x4A00] =	vst v63  }
0x1de: {  	_ =	swait.ge [sflag:s6], $0x2000  }
0x1df: {  	[sflag:s6] =	ssyncset.done $0x0  }
0x1e0: {  	[sflag:s6] =	ssyncadd.s32 $0xFFFFE000  }
0x1e1: {  	[tilespmem:s10], [sflag:$0x1] =	stream.indirect.gather [hbm4b:s9+s4], $0x40, s24, s4, $0xb8;
	[tilespmem:$0x4A00] =	vst v63  }
0x1e2: {  	_ =	swait.ge [sflag:s12], $0x2000  }
0x1e3: {  	[sflag:s12] =	ssyncset.done $0x0  }
0x1e4: {  	s31 =	rddreg [dreg:$0xa];
	[sflag:s12] =	ssyncadd.s32 $0xFFFFE000  }
0x1e5: {  	[hbm4b:s31+s8] =	stream.strided.scatter [tilespmem:s5], [sflag:$0x4], $0x2000, s4, s8, $0x38;
	[tilespmem:$0x4A00] =	vst v63  }
0x1e6: {  	_ =	swait.ge [sflag:s7], $0x2000  }
0x1e7: {  	[sflag:s7] =	ssyncset.done $0x0  }
0x1e8: {  	[sflag:s7] =	ssyncadd.s32 $0xFFFFE000  }
0x1e9: {  	[tilespmem:s5], [sflag:$0x2] =	stream.indirect.gather [hbm4b:s9+s4], $0x40, s23, s4, $0xb8;
	[tilespmem:$0x4A00] =	vst v63  }
0x1ea: {  	_ =	swait.ge [sflag:s11], $0x2000  }
0x1eb: {  	[sflag:s11] =	ssyncset.done $0x0  }
0x1ec: {  	s1 =	rddreg [dreg:$0xb];
	[sflag:s11] =	ssyncadd.s32 $0xFFFFE000  }
0x1ed: {  	[hbm4b:s1+s8] =	stream.strided.scatter [tilespmem:s10], [sflag:$0x3], $0x2000, s4, s8, $0x38;
	[tilespmem:$0x4A00] =	vst v63  }
0x1ee: {  	_ =	swait.ge [sflag:s6], $0x2000  }
0x1ef: {  	[sflag:s6] =	ssyncset.done $0x0  }
0x1f0: {  	[sflag:s6] =	ssyncadd.s32 $0xFFFFE000  }
0x1f1: {  	[tilespmem:s10], [sflag:$0x1] =	stream.indirect.gather [hbm4b:s9+s4], $0x40, s22, s4, $0xb8;
	[tilespmem:$0x4A00] =	vst v63  }
0x1f2: {  	_ =	swait.ge [sflag:s12], $0x2000  }
0x1f3: {  	[sflag:s12] =	ssyncset.done $0x0  }
0x1f4: {  	s2 =	rddreg [dreg:$0xc];
	[sflag:s12] =	ssyncadd.s32 $0xFFFFE000  }
0x1f5: {  	[hbm4b:s2+s8] =	stream.strided.scatter [tilespmem:s5], [sflag:$0x4], $0x2000, s4, s8, $0x38;
	[tilespmem:$0x4A00] =	vst v63  }
0x1f6: {  	_ =	swait.ge [sflag:s7], $0x2000  }
0x1f7: {  	[sflag:s7] =	ssyncset.done $0x0  }
0x1f8: {  	[sflag:s7] =	ssyncadd.s32 $0xFFFFE000  }
0x1f9: {  	[tilespmem:s5], [sflag:$0x2] =	stream.indirect.gather [hbm4b:s9+s4], $0x40, s21, s4, $0xb8;
	[tilespmem:$0x4A00] =	vst v63  }
0x1fa: {  	_ =	swait.ge [sflag:s11], $0x2000  }
0x1fb: {  	[sflag:s11] =	ssyncset.done $0x0  }
0x1fc: {  	s3 =	rddreg [dreg:$0xd];
	[sflag:s11] =	ssyncadd.s32 $0xFFFFE000  }
0x1fd: {  	[hbm4b:s3+s8] =	stream.strided.scatter [tilespmem:s10], [sflag:$0x3], $0x2000, s4, s8, $0x38;
	[tilespmem:$0x4A00] =	vst v63  }
0x1fe: {  	_ =	swait.ge [sflag:s6], $0x2000  }
0x1ff: {  	[sflag:s6] =	ssyncset.done $0x0  }
0x200: {  	[sflag:s6] =	ssyncadd.s32 $0xFFFFE000  }
0x201: {  	[tilespmem:s10], [sflag:$0x1] =	stream.indirect.gather [hbm4b:s9+s4], $0x40, s20, s4, $0xb8;
	[tilespmem:$0x4A00] =	vst v63  }
0x202: {  	_ =	swait.ge [sflag:s12], $0x2000  }
0x203: {  	[sflag:s12] =	ssyncset.done $0x0  }
0x204: {  	s21 =	rddreg [dreg:$0xe];
	[sflag:s12] =	ssyncadd.s32 $0xFFFFE000  }
0x205: {  	[hbm4b:s21+s8] =	stream.strided.scatter [tilespmem:s5], [sflag:$0x4], $0x2000, s4, s8, $0x38;
	[tilespmem:$0x4A00] =	vst v63  }
0x206: {  	_ =	swait.ge [sflag:s7], $0x2000  }
0x207: {  	[sflag:s7] =	ssyncset.done $0x0  }
0x208: {  	[sflag:s7] =	ssyncadd.s32 $0xFFFFE000  }
0x209: {  	[tilespmem:s5], [sflag:$0x2] =	stream.indirect.gather [hbm4b:s9+s4], $0x40, s19, s4, $0xb8;
	[tilespmem:$0x4A00] =	vst v63  }
0x20a: {  	_ =	swait.ge [sflag:s11], $0x2000  }
0x20b: {  	[sflag:s11] =	ssyncset.done $0x0  }
0x20c: {  	s22 =	rddreg [dreg:$0xf];
	[sflag:s11] =	ssyncadd.s32 $0xFFFFE000  }
0x20d: {  	[hbm4b:s22+s8] =	stream.strided.scatter [tilespmem:s10], [sflag:$0x3], $0x2000, s4, s8, $0x38;
	[tilespmem:$0x4A00] =	vst v63  }
0x20e: {  	_ =	swait.ge [sflag:s6], $0x2000  }
0x20f: {  	[sflag:s6] =	ssyncset.done $0x0  }
0x210: {  	[sflag:s6] =	ssyncadd.s32 $0xFFFFE000  }
0x211: {  	[tilespmem:s10], [sflag:$0x1] =	stream.indirect.gather [hbm4b:s9+s4], $0x40, s18, s4, $0xb8;
	[tilespmem:$0x4A00] =	vst v63  }
0x212: {  	_ =	swait.ge [sflag:s12], $0x2000  }
0x213: {  	[sflag:s12] =	ssyncset.done $0x0  }
0x214: {  	s23 =	rddreg [dreg:$0x10];
	[sflag:s12] =	ssyncadd.s32 $0xFFFFE000  }
0x215: {  	[hbm4b:s23+s8] =	stream.strided.scatter [tilespmem:s5], [sflag:$0x4], $0x2000, s4, s8, $0x38;
	[tilespmem:$0x4A00] =	vst v63  }
0x216: {  	_ =	swait.ge [sflag:s7], $0x2000  }
0x217: {  	[sflag:s7] =	ssyncset.done $0x0  }
0x218: {  	[sflag:s7] =	ssyncadd.s32 $0xFFFFE000  }
0x219: {  	[tilespmem:s5], [sflag:$0x2] =	stream.indirect.gather [hbm4b:s9+s4], $0x40, s17, s4, $0xb8;
	[tilespmem:$0x4A00] =	vst v63  }
0x21a: {  	_ =	swait.ge [sflag:s11], $0x2000  }
0x21b: {  	[sflag:s11] =	ssyncset.done $0x0  }
0x21c: {  	s24 =	rddreg [dreg:$0x11];
	[sflag:s11] =	ssyncadd.s32 $0xFFFFE000  }
0x21d: {  	[hbm4b:s24+s8] =	stream.strided.scatter [tilespmem:s10], [sflag:$0x3], $0x2000, s4, s8, $0x38;
	[tilespmem:$0x4A00] =	vst v63  }
0x21e: {  	_ =	swait.ge [sflag:s6], $0x2000  }
0x21f: {  	[sflag:s6] =	ssyncset.done $0x0  }
0x220: {  	[sflag:s6] =	ssyncadd.s32 $0xFFFFE000  }
0x221: {  	[tilespmem:s10], [sflag:$0x1] =	stream.indirect.gather [hbm4b:s9+s4], $0x40, s16, s4, $0xb8;
	[tilespmem:$0x4A00] =	vst v63  }
0x222: {  	_ =	swait.ge [sflag:s12], $0x2000  }
0x223: {  	[sflag:s12] =	ssyncset.done $0x0  }
0x224: {  	s25 =	rddreg [dreg:$0x12];
	[sflag:s12] =	ssyncadd.s32 $0xFFFFE000  }
0x225: {  	[hbm4b:s25+s8] =	stream.strided.scatter [tilespmem:s5], [sflag:$0x4], $0x2000, s4, s8, $0x38;
	[tilespmem:$0x4A00] =	vst v63  }
0x226: {  	_ =	swait.ge [sflag:s7], $0x2000  }
0x227: {  	[sflag:s7] =	ssyncset.done $0x0  }
0x228: {  	[sflag:s7] =	ssyncadd.s32 $0xFFFFE000  }
0x229: {  	[tilespmem:s5], [sflag:$0x2] =	stream.indirect.gather [hbm4b:s9+s4], $0x40, s15, s4, $0xb8;
	[tilespmem:$0x4A00] =	vst v63  }
0x22a: {  	_ =	swait.ge [sflag:s11], $0x2000  }
0x22b: {  	[sflag:s11] =	ssyncset.done $0x0  }
0x22c: {  	s26 =	rddreg [dreg:$0x13];
	[sflag:s11] =	ssyncadd.s32 $0xFFFFE000  }
0x22d: {  	[hbm4b:s26+s8] =	stream.strided.scatter [tilespmem:s10], [sflag:$0x3], $0x2000, s4, s8, $0x38;
	[tilespmem:$0x4A00] =	vst v63  }
0x22e: {  	_ =	swait.ge [sflag:s6], $0x2000  }
0x22f: {  	[sflag:s6] =	ssyncset.done $0x0  }
0x230: {  	[sflag:s6] =	ssyncadd.s32 $0xFFFFE000  }
0x231: {  	[tilespmem:s10], [sflag:$0x1] =	stream.indirect.gather [hbm4b:s9+s4], $0x40, s14, s4, $0xb8;
	[tilespmem:$0x4A00] =	vst v63  }
0x232: {  	_ =	swait.ge [sflag:s12], $0x2000  }
0x233: {  	[sflag:s12] =	ssyncset.done $0x0  }
0x234: {  	s28 =	rddreg [dreg:$0x14];
	[sflag:s12] =	ssyncadd.s32 $0xFFFFE000  }
0x235: {  	[hbm4b:s28+s8] =	stream.strided.scatter [tilespmem:s5], [sflag:$0x4], $0x2000, s4, s8, $0x38;
	[tilespmem:$0x4A00] =	vst v63  }
0x236: {  	_ =	swait.ge [sflag:s7], $0x2000  }
0x237: {  	[sflag:s7] =	ssyncset.done $0x0  }
0x238: {  	[sflag:s7] =	ssyncadd.s32 $0xFFFFE000  }
0x239: {  	[tilespmem:s5], [sflag:$0x2] =	stream.indirect.gather [hbm4b:s9+s4], $0x40, s13, s4, $0xb8;
	[tilespmem:$0x4A00] =	vst v63  }
0x23a: {  	_ =	swait.ge [sflag:s11], $0x2000  }
0x23b: {  	[sflag:s11] =	ssyncset.done $0x0  }
0x23c: {  	s29 =	rddreg [dreg:$0x15];
	[sflag:s11] =	ssyncadd.s32 $0xFFFFE000  }
0x23d: {  	[hbm4b:s29+s8] =	stream.strided.scatter [tilespmem:s10], [sflag:$0x3], $0x2000, s4, s8, $0x38;
	[tilespmem:$0x4A00] =	vst v63  }
0x23e: {  	_ =	swait.ge [sflag:s12], $0x2000  }
0x23f: {  	[sflag:s12] =	ssyncset.done $0x0  }
0x240: {  	s30 =	rddreg [dreg:$0x16];
	[sflag:s12] =	ssyncadd.s32 $0xFFFFE000  }
0x241: {  	[hbm4b:s30+s8] =	stream.strided.scatter [tilespmem:s5], [sflag:$0x4], $0x2000, s4, s8, $0x38;
	[tilespmem:$0x4A00] =	vst v63  }
0x242: {  	_ =	swait.ge [sflag:s6], $0x2000  }
0x243: {  	[sflag:s6] =	ssyncset.done $0x0  }
0x244: {  	[sflag:s6] =	ssyncadd.s32 $0xFFFFE000  }
0x245: {  	_ =	swait.ge [sflag:s7], $0x2000  }
0x246: {  	[sflag:s7] =	ssyncset.done $0x0  }
0x247: {  	[sflag:s7] =	ssyncadd.s32 $0xFFFFE000  }
0x248: {  	_ =	sfence.sel $0x180000  }
0x249: {  	[bflag:$0x0] =	sbarrier.arrive $0xFFFF  }
0x24a: {  	_ =	strace $0x90000047  }
0x24b: {  	s31 =	stileid.u32;
	[bflag:$0x2] =	sbarrier.arrive $0xFFFF  }
0x24c: {  	p0 =	sne.s32 s31, $0x0;
	s0 =	rddreg [dreg:$0x2]  }
0x24d: {  	s0 =	sadd.s32 @!p0 $0x100000, s0  }
0x24e: {  	[sflag:s0] =	ssyncadd.tile.s32 @!p0 $0x1;
	_ =	shalt  }
.Lfunc_end2:
_tile_overlayer_lowered:
.L_overlay_start_2:
0x24f: {  	(tag) =	ssettag $0x2  }
0x250: {  	s0 =	rddreg [dreg:$0x0];
	s2 =	stileid.u32  }
0x251: {  	s1 =	rddreg [dreg:$0x1];
	p0 =	sne.s32 s2, $0x0  }
0x252: {  	s3 =	rddreg [dreg:$0x2];
	[bflag:$0x3] =	sbarrier.arrive $0xFFFF;
	s2 =	simm.s32 @!p0 $0x1C05  }
0x253: {  	[timem:s3], [sflag:s2] =	dma.local @!p0 [hbm:s0], s1  }
0x254: {  	s0 =	simm.s32 @!p0 $0x5  }
0x255: {  	_ =	swait.ge @!p0 [sflag:s0], s1  }
0x256: {  	s1 =	ssub.s32 @!p0 $0x0, s1;
	[sflag:s0] =	ssyncset.done @!p0 $0x0  }
0x257: {  	[sflag:s0] =	ssyncadd.s32 @!p0 s1  }
0x258: {  	[bflag:$0x3] =	sbarrier.arrive $0xFFFF  }
0x259: {  	_ =	shalt  }

</sc_bundles>
